<compile_context>
chip_gen: v7x
topology: tpu7x:2x2x1
jax: 0.10.2.dev20260603
libtpu: 0.0.44.dev20260713+nightly
codegen_flags: <defaults>
</compile_context>

<pallas_src>
import jax
import jax.numpy as jnp
from jax import lax
from jax.experimental import pallas as pl
from jax.experimental.pallas import tpu as pltpu
from jax.experimental.pallas import tpu_sc as plsc

RADIUS2 = 0.1 * 0.1
K = 32
B = 4
NQ = 1024
N = 8192
C = 128
NWORK = 32
QPW = (B * NQ) // NWORK
L = 16


def _sc_body(qt, st, ff, out_xyz, out_rows,
             sxv, syv, szv, qxv, qyv, qzv,
             idxf, idxg, dxa, dya, dza, rows0, rows1, sem0, sem1):
    cid = lax.axis_index("c")
    sid = lax.axis_index("s")
    wid = sid * 2 + cid
    b = wid // (NQ // QPW)
    q0 = (wid % (NQ // QPW)) * QPW
    gbase = b * N
    r0 = wid * (QPW * K)

    pltpu.sync_copy(st.at[pl.ds(b * 3 * N, N)], sxv)
    pltpu.sync_copy(st.at[pl.ds(b * 3 * N + N, N)], syv)
    pltpu.sync_copy(st.at[pl.ds(b * 3 * N + 2 * N, N)], szv)
    pltpu.sync_copy(qt.at[pl.ds(b * 3 * NQ + q0, QPW)], qxv)
    pltpu.sync_copy(qt.at[pl.ds(b * 3 * NQ + NQ + q0, QPW)], qyv)
    pltpu.sync_copy(qt.at[pl.ds(b * 3 * NQ + 2 * NQ + q0, QPW)], qzv)

    lanes = lax.iota(jnp.int32, L)
    zeros = jnp.zeros((L,), jnp.int32)
    ones = jnp.full((L,), 1, jnp.int32)

    NG = 8

    def group_pass_body(gp, _):
        qs = []
        for t in range(NG):
            g = gp * NG + t
            qs.append((qxv[pl.ds(g * L, L)],
                       qyv[pl.ds(g * L, L)],
                       qzv[pl.ds(g * L, L)],
                       (g * L + lanes) * K))

        def pt_body(n, carry):
            nv = carry[0]
            cs = list(carry[1:])
            sx = plsc.load_gather(sxv, [nv])
            sy = plsc.load_gather(syv, [nv])
            sz = plsc.load_gather(szv, [nv])
            for t in range(NG):
                qx, qy, qz, qflat = qs[t]
                dx = sx - qx
                dy = sy - qy
                dz = sz - qz
                d2 = dx * dx + dy * dy + dz * dz
                hit = (d2 < RADIUS2) & (cs[t] < K)
                plsc.store_scatter(idxf, [qflat + cs[t]], nv, mask=hit)
                cs[t] = cs[t] + jnp.where(hit, ones, zeros)
            return tuple([nv + 1] + cs)

        out = lax.fori_loop(0, N, pt_body, tuple([zeros] * (NG + 1)),
                            unroll=4)

        for t in range(NG):
            qflat = qs[t][3]
            counts = out[1 + t]
            first_i = jnp.where(counts > 0, plsc.load_gather(idxf, [qflat]),
                                zeros)

            def fill_body(j, _, qflat=qflat, counts=counts, first_i=first_i):
                plsc.store_scatter(idxf, [qflat + j], first_i,
                                   mask=counts <= j)
                return 0

            lax.fori_loop(0, K, fill_body, 0, unroll=8)
        return 0

    lax.fori_loop(0, QPW // L // NG, group_pass_body, 0)

    gvec = jnp.full((L,), gbase, jnp.int32)

    def post_body(q, _):
        qv = jnp.full((L,), q, jnp.int32)
        qxs = plsc.load_gather(qxv, [qv])
        qys = plsc.load_gather(qyv, [qv])
        qzs = plsc.load_gather(qzv, [qv])
        for h in range(K // L):
            base = q * K + h * L
            il = idxf[pl.ds(base, L)]
            sx = plsc.load_gather(sxv, [il])
            sy = plsc.load_gather(syv, [il])
            sz = plsc.load_gather(szv, [il])
            dxa[pl.ds(base, L)] = sx - qxs
            dya[pl.ds(base, L)] = sy - qys
            dza[pl.ds(base, L)] = sz - qzs
            idxg[pl.ds(base, L)] = il + gvec
        return 0

    lax.fori_loop(0, QPW, post_body, 0)

    pltpu.sync_copy(dxa, out_xyz.at[pl.ds((b * 3 + 0) * NQ * K + q0 * K, QPW * K)])
    pltpu.sync_copy(dya, out_xyz.at[pl.ds((b * 3 + 1) * NQ * K + q0 * K, QPW * K)])
    pltpu.sync_copy(dza, out_xyz.at[pl.ds((b * 3 + 2) * NQ * K + q0 * K, QPW * K)])

    nchunk = (QPW * K) // 128

    def gdesc(ci, buf, sem):
        return pltpu.make_async_copy(ff.at[idxg.at[pl.ds(ci * 128, 128)]],
                                     buf, sem)

    gdesc(0, rows0, sem0).start()
    gdesc(1, rows1, sem1).start()

    def pair_body(cp, _):
        ci0 = cp * 2
        ci1 = cp * 2 + 1
        for ci, buf, sem in ((ci0, rows0, sem0), (ci1, rows1, sem1)):
            gdesc(ci, buf, sem).wait()
            pltpu.sync_copy(buf, out_rows.at[pl.ds(r0 + ci * 128, 128)])

            @pl.when(ci + 2 < nchunk)
            def _(ci=ci, buf=buf, sem=sem):
                gdesc(ci + 2, buf, sem).start()

        return 0

    lax.fori_loop(0, nchunk // 2, pair_body, 0)


def _sc_call(qt, st, ff):
    mesh = plsc.VectorSubcoreMesh(core_axis_name="c", subcore_axis_name="s",
                                  num_cores=2, num_subcores=16)
    return pl.kernel(
        _sc_body,
        out_type=(
            jax.ShapeDtypeStruct((B * 3 * NQ * K,), jnp.float32),
            jax.ShapeDtypeStruct((B * NQ * K, C), jnp.float32),
        ),
        mesh=mesh,
        compiler_params=pltpu.CompilerParams(needs_layout_passes=False),
        scratch_types=[
            pltpu.VMEM((N,), jnp.float32),
            pltpu.VMEM((N,), jnp.float32),
            pltpu.VMEM((N,), jnp.float32),
            pltpu.VMEM((QPW,), jnp.float32),
            pltpu.VMEM((QPW,), jnp.float32),
            pltpu.VMEM((QPW,), jnp.float32),
            pltpu.VMEM((QPW * K,), jnp.int32),
            pltpu.VMEM((QPW * K,), jnp.int32),
            pltpu.VMEM((QPW * K,), jnp.float32),
            pltpu.VMEM((QPW * K,), jnp.float32),
            pltpu.VMEM((QPW * K,), jnp.float32),
            pltpu.VMEM((128, C), jnp.float32),
            pltpu.VMEM((128, C), jnp.float32),
            pltpu.SemaphoreType.DMA,
            pltpu.SemaphoreType.DMA,
        ],
    )(qt, st, ff)


def kernel(query_xyz, support_xyz, features):
    qt = jnp.transpose(query_xyz, (0, 2, 1)).reshape(-1)
    st = jnp.transpose(support_xyz, (0, 2, 1)).reshape(-1)
    ff = jnp.transpose(features, (0, 2, 1)).reshape(B * N, C)
    out_xyz, out_rows = _sc_call(qt, st, ff)
    grouped_xyz = out_xyz.reshape(B, 3, NQ, K)
    grouped_features = jnp.transpose(
        out_rows.reshape(B, NQ, K, C), (0, 3, 1, 2))
    return (grouped_xyz, grouped_features)

# --- scband reference (transcript-rebuilt; emitter-appended) ---
"""Pipeline reference for scband-query-and-group-32246614459287 (READ-ONLY COPY).

The authoritative reference and input builder live on the scoring server;
editing this copy changes nothing except your own understanding.
"""

import jax, jax.numpy as jnp
import numpy as np

RADIUS = 0.1
NSAMPLE = 32


def ball_query(radius, nsample, xyz, new_xyz):
    # xyz: (B, N, 3) support points; new_xyz: (B, npoint, 3) query centers
    # Returns idx: (B, npoint, nsample) int32, replicating pointnet2 CUDA semantics:
    # first `nsample` points within radius, padded with the first found index (0 if none).
    B, N, _ = xyz.shape
    d2 = jnp.sum((new_xyz[:, :, None, :] - xyz[:, None, :, :]) ** 2, axis=-1)  # (B, npoint, N)
    r2 = radius * radius
    cand = jnp.where(d2 < r2, jnp.arange(N, dtype=jnp.int32)[None, None, :], jnp.int32(N))
    sorted_idx = jnp.sort(cand, axis=-1)[:, :, :nsample]  # (B, npoint, nsample)
    first = sorted_idx[:, :, :1]
    fill = jnp.where(first < N, first, jnp.int32(0))
    idx = jnp.where(sorted_idx < N, sorted_idx, fill)
    return idx.astype(jnp.int32)


def grouping_operation(features, idx):
    # features: (B, C, N), idx: (B, npoint, nsample) -> (B, C, npoint, nsample)
    return jax.vmap(lambda f, i: f[:, i])(features, idx)


def setup_inputs(seed: int = 0) -> dict:
    key = jax.random.key(seed)
    k1, k2, k3 = jax.random.split(key, 3)
    query_xyz = jax.random.uniform(k1, (4, 1024, 3), dtype=jnp.float32)
    support_xyz = jax.random.uniform(k2, (4, 8192, 3), dtype=jnp.float32)
    features = jax.random.normal(k3, (4, 128, 8192), dtype=jnp.float32)
    return {"query_xyz": query_xyz, "support_xyz": support_xyz, "features": features}


def reference(query_xyz, support_xyz, features):
    idx = ball_query(RADIUS, NSAMPLE, support_xyz, query_xyz)  # (B, npoint, nsample)
    xyz_trans = jnp.transpose(support_xyz, (0, 2, 1))  # (B, 3, N)
    grouped_xyz = grouping_operation(xyz_trans, idx)  # (B, 3, npoint, nsample)
    # relative_xyz=True
    grouped_xyz = grouped_xyz - jnp.transpose(query_xyz, (0, 2, 1))[..., None]
    grouped_features = grouping_operation(features, idx)  # (B, C, npoint, nsample)
    return (grouped_xyz, grouped_features)

if __name__ == "__main__":
    import jax
    _d = setup_inputs()
    print(jax.jit(kernel)(*tuple(_d.values())))

</pallas_src>

<mosaic_0001>
#map = affine_map<(d0, d1) -> (0)>
#map1 = affine_map<(d0, d1) -> (0, 0)>
module attributes {stable_mosaic.version = 14 : i64} {
  func.func @_sc_body(%arg0: i32, %arg1: i32, %arg2: memref<12288xf32, #tpu.memory_space<hbm>>, %arg3: memref<98304xf32, #tpu.memory_space<hbm>>, %arg4: memref<32768x128xf32, #tpu.memory_space<hbm>>, %arg5: memref<393216xf32, #tpu.memory_space<hbm>>, %arg6: memref<131072x128xf32, #tpu.memory_space<hbm>>, %arg7: memref<8192xf32, #tpu.memory_space<vmem>>, %arg8: memref<8192xf32, #tpu.memory_space<vmem>>, %arg9: memref<8192xf32, #tpu.memory_space<vmem>>, %arg10: memref<128xf32, #tpu.memory_space<vmem>>, %arg11: memref<128xf32, #tpu.memory_space<vmem>>, %arg12: memref<128xf32, #tpu.memory_space<vmem>>, %arg13: memref<4096xi32, #tpu.memory_space<vmem>>, %arg14: memref<4096xi32, #tpu.memory_space<vmem>>, %arg15: memref<4096xf32, #tpu.memory_space<vmem>>, %arg16: memref<4096xf32, #tpu.memory_space<vmem>>, %arg17: memref<4096xf32, #tpu.memory_space<vmem>>, %arg18: memref<128x128xf32, #tpu.memory_space<vmem>>, %arg19: memref<128x128xf32, #tpu.memory_space<vmem>>, %arg20: memref<!tpu.dma_semaphore, #tpu.memory_space<semaphore_mem>>, %arg21: memref<!tpu.dma_semaphore, #tpu.memory_space<semaphore_mem>>) attributes {dimension_semantics = [#tpu.dimension_semantics<core_parallel>, #tpu.dimension_semantics<subcore_parallel>], iteration_bounds = array<i64: 2, 16>, scalar_prefetch = 0 : i64, scratch_operands = 15 : i64, tpu.core_type = #tpu.core_type<sc_vector_subcore>, window_params = [{transform_indices = #map}, {transform_indices = #map}, {transform_indices = #map1}, {transform_indices = #map}, {transform_indices = #map1}]} {
    %mul3A = arith.constant 2 : i32
    %mul3A_0 = arith.muli %arg1, %mul3A : i32
    %add3A = arith.addi %mul3A_0, %arg0 : i32
    %jit3A = arith.constant 8 : i32
    %div3A = arith.divsi %add3A, %jit3A : i32
    %sign3A = arith.constant 0 : i32
    %sign3A_1 = arith.cmpi sgt, %add3A, %sign3A : i32
    %sign3A_2 = arith.extui %sign3A_1 : i1 to i32
    %sign3A_3 = arith.constant 0 : i32
    %sign3A_4 = arith.cmpi slt, %add3A, %sign3A_3 : i32
    %sign3A_5 = arith.extui %sign3A_4 : i1 to i32
    %sign3A_6 = arith.subi %sign3A_2, %sign3A_5 : i32
    %sign3A_7 = arith.constant 0 : i32
    %sign3A_8 = arith.cmpi sgt, %jit3A, %sign3A_7 : i32
    %sign3A_9 = arith.extui %sign3A_8 : i1 to i32
    %sign3A_10 = arith.constant 0 : i32
    %sign3A_11 = arith.cmpi slt, %jit3A, %sign3A_10 : i32
    %sign3A_12 = arith.extui %sign3A_11 : i1 to i32
    %sign3A_13 = arith.subi %sign3A_9, %sign3A_12 : i32
    %ne3A = arith.cmpi ne, %sign3A_6, %sign3A_13 : i32
    %rem3A = arith.remsi %add3A, %jit3A : i32
    %ne3A_14 = arith.constant 0 : i32
    %ne3A_15 = arith.cmpi ne, %rem3A, %ne3A_14 : i32
    %and3A = arith.andi %ne3A, %ne3A_15 : i1
    %sub3A = arith.constant 1 : i32
    %sub3A_16 = arith.subi %div3A, %sub3A : i32
    %select_n3A = arith.select %and3A, %sub3A_16, %div3A : i32
    %jit3A_17 = arith.constant 8 : i32
    %eq3A = arith.constant 0 : i32
    %eq3A_18 = arith.cmpi eq, %jit3A_17, %eq3A : i32
    %jit3A_19 = arith.constant 1 : i32
    %select_n3A_20 = arith.select %eq3A_18, %jit3A_19, %jit3A_17 : i32
    %rem3A_21 = arith.remsi %add3A, %select_n3A_20 : i32
    %ne3A_22 = arith.constant 0 : i32
    %ne3A_23 = arith.cmpi ne, %rem3A_21, %ne3A_22 : i32
    %lt3A = arith.constant 0 : i32
    %lt3A_24 = arith.cmpi slt, %rem3A_21, %lt3A : i32
    %lt3A_25 = arith.constant 0 : i32
    %lt3A_26 = arith.cmpi slt, %select_n3A_20, %lt3A_25 : i32
    %ne3A_27 = arith.xori %lt3A_24, %lt3A_26 : i1
    %and3A_28 = arith.andi %ne3A_27, %ne3A_23 : i1
    %add3A_29 = arith.addi %rem3A_21, %select_n3A_20 : i32
    %select_n3A_30 = arith.select %and3A_28, %add3A_29, %rem3A_21 : i32
    %mul3A_31 = arith.constant 128 : i32
    %mul3A_32 = arith.muli %select_n3A_30, %mul3A_31 : i32
    %mul3A_33 = arith.constant 8192 : i32
    %mul3A_34 = arith.muli %select_n3A, %mul3A_33 : i32
    %mul3A_35 = arith.constant 4096 : i32
    %mul3A_36 = arith.muli %add3A, %mul3A_35 : i32
    %mul3A_37 = arith.constant 3 : i32
    %mul3A_38 = arith.muli %select_n3A, %mul3A_37 : i32
    %mul3A_39 = arith.constant 8192 : i32
    %mul3A_40 = arith.muli %mul3A_38, %mul3A_39 : i32
    "tpu.region"() ({
      %run_scoped3A = tpu.sem_alloc : memref<!tpu.dma_semaphore, #tpu.memory_space<semaphore_mem>>
      %dma_start3A_418 = tpu.memref_slice %arg3[%mul3A_40] : memref<98304xf32, #tpu.memory_space<hbm>> -> memref<8192xf32, #tpu.memory_space<hbm>>
      %dma_start3A_419 = tpu.memref_slice %arg3[%mul3A_40] : memref<98304xf32, #tpu.memory_space<hbm>> -> memref<8192xf32, #tpu.memory_space<hbm>>
      tpu.enqueue_dma source(%dma_start3A_419 : memref<8192xf32, #tpu.memory_space<hbm>>) target(%arg7 : memref<8192xf32, #tpu.memory_space<vmem>>) target_semaphore(%run_scoped3A : memref<!tpu.dma_semaphore, #tpu.memory_space<semaphore_mem>>)
      %dma_wait3A = tpu.memref_slice %arg3[%mul3A_40] : memref<98304xf32, #tpu.memory_space<hbm>> -> memref<8192xf32, #tpu.memory_space<hbm>>
      %dma_wait3A_420 = tpu.memref_slice %arg3[%mul3A_40] : memref<98304xf32, #tpu.memory_space<hbm>> -> memref<8192xf32, #tpu.memory_space<hbm>>
      tpu.wait_dma2 semaphore(%run_scoped3A : memref<!tpu.dma_semaphore, #tpu.memory_space<semaphore_mem>>) src(%dma_wait3A_420 : memref<8192xf32, #tpu.memory_space<hbm>>) dst(%arg7 : memref<8192xf32, #tpu.memory_space<vmem>>)
      tpu.yield
    }) : () -> ()
    %mul3A_41 = arith.constant 3 : i32
    %mul3A_42 = arith.muli %select_n3A, %mul3A_41 : i32
    %mul3A_43 = arith.constant 8192 : i32
    %mul3A_44 = arith.muli %mul3A_42, %mul3A_43 : i32
    %add3A_45 = arith.constant 8192 : i32
    %add3A_46 = arith.addi %mul3A_44, %add3A_45 : i32
    "tpu.region"() ({
      %run_scoped3A = tpu.sem_alloc : memref<!tpu.dma_semaphore, #tpu.memory_space<semaphore_mem>>
      %dma_start3A_418 = tpu.memref_slice %arg3[%add3A_46] : memref<98304xf32, #tpu.memory_space<hbm>> -> memref<8192xf32, #tpu.memory_space<hbm>>
      %dma_start3A_419 = tpu.memref_slice %arg3[%add3A_46] : memref<98304xf32, #tpu.memory_space<hbm>> -> memref<8192xf32, #tpu.memory_space<hbm>>
      tpu.enqueue_dma source(%dma_start3A_419 : memref<8192xf32, #tpu.memory_space<hbm>>) target(%arg8 : memref<8192xf32, #tpu.memory_space<vmem>>) target_semaphore(%run_scoped3A : memref<!tpu.dma_semaphore, #tpu.memory_space<semaphore_mem>>)
      %dma_wait3A = tpu.memref_slice %arg3[%add3A_46] : memref<98304xf32, #tpu.memory_space<hbm>> -> memref<8192xf32, #tpu.memory_space<hbm>>
      %dma_wait3A_420 = tpu.memref_slice %arg3[%add3A_46] : memref<98304xf32, #tpu.memory_space<hbm>> -> memref<8192xf32, #tpu.memory_space<hbm>>
      tpu.wait_dma2 semaphore(%run_scoped3A : memref<!tpu.dma_semaphore, #tpu.memory_space<semaphore_mem>>) src(%dma_wait3A_420 : memref<8192xf32, #tpu.memory_space<hbm>>) dst(%arg8 : memref<8192xf32, #tpu.memory_space<vmem>>)
      tpu.yield
    }) : () -> ()
    %mul3A_47 = arith.constant 3 : i32
    %mul3A_48 = arith.muli %select_n3A, %mul3A_47 : i32
    %mul3A_49 = arith.constant 8192 : i32
    %mul3A_50 = arith.muli %mul3A_48, %mul3A_49 : i32
    %add3A_51 = arith.constant 16384 : i32
    %add3A_52 = arith.addi %mul3A_50, %add3A_51 : i32
    "tpu.region"() ({
      %run_scoped3A = tpu.sem_alloc : memref<!tpu.dma_semaphore, #tpu.memory_space<semaphore_mem>>
      %dma_start3A_418 = tpu.memref_slice %arg3[%add3A_52] : memref<98304xf32, #tpu.memory_space<hbm>> -> memref<8192xf32, #tpu.memory_space<hbm>>
      %dma_start3A_419 = tpu.memref_slice %arg3[%add3A_52] : memref<98304xf32, #tpu.memory_space<hbm>> -> memref<8192xf32, #tpu.memory_space<hbm>>
      tpu.enqueue_dma source(%dma_start3A_419 : memref<8192xf32, #tpu.memory_space<hbm>>) target(%arg9 : memref<8192xf32, #tpu.memory_space<vmem>>) target_semaphore(%run_scoped3A : memref<!tpu.dma_semaphore, #tpu.memory_space<semaphore_mem>>)
      %dma_wait3A = tpu.memref_slice %arg3[%add3A_52] : memref<98304xf32, #tpu.memory_space<hbm>> -> memref<8192xf32, #tpu.memory_space<hbm>>
      %dma_wait3A_420 = tpu.memref_slice %arg3[%add3A_52] : memref<98304xf32, #tpu.memory_space<hbm>> -> memref<8192xf32, #tpu.memory_space<hbm>>
      tpu.wait_dma2 semaphore(%run_scoped3A : memref<!tpu.dma_semaphore, #tpu.memory_space<semaphore_mem>>) src(%dma_wait3A_420 : memref<8192xf32, #tpu.memory_space<hbm>>) dst(%arg9 : memref<8192xf32, #tpu.memory_space<vmem>>)
      tpu.yield
    }) : () -> ()
    %mul3A_53 = arith.constant 3 : i32
    %mul3A_54 = arith.muli %select_n3A, %mul3A_53 : i32
    %mul3A_55 = arith.constant 1024 : i32
    %mul3A_56 = arith.muli %mul3A_54, %mul3A_55 : i32
    %add3A_57 = arith.addi %mul3A_56, %mul3A_32 : i32
    "tpu.region"() ({
      %run_scoped3A = tpu.sem_alloc : memref<!tpu.dma_semaphore, #tpu.memory_space<semaphore_mem>>
      %dma_start3A_418 = tpu.memref_slice %arg2[%add3A_57] : memref<12288xf32, #tpu.memory_space<hbm>> -> memref<128xf32, #tpu.memory_space<hbm>>
      %dma_start3A_419 = tpu.memref_slice %arg2[%add3A_57] : memref<12288xf32, #tpu.memory_space<hbm>> -> memref<128xf32, #tpu.memory_space<hbm>>
      tpu.enqueue_dma source(%dma_start3A_419 : memref<128xf32, #tpu.memory_space<hbm>>) target(%arg10 : memref<128xf32, #tpu.memory_space<vmem>>) target_semaphore(%run_scoped3A : memref<!tpu.dma_semaphore, #tpu.memory_space<semaphore_mem>>)
      %dma_wait3A = tpu.memref_slice %arg2[%add3A_57] : memref<12288xf32, #tpu.memory_space<hbm>> -> memref<128xf32, #tpu.memory_space<hbm>>
      %dma_wait3A_420 = tpu.memref_slice %arg2[%add3A_57] : memref<12288xf32, #tpu.memory_space<hbm>> -> memref<128xf32, #tpu.memory_space<hbm>>
      tpu.wait_dma2 semaphore(%run_scoped3A : memref<!tpu.dma_semaphore, #tpu.memory_space<semaphore_mem>>) src(%dma_wait3A_420 : memref<128xf32, #tpu.memory_space<hbm>>) dst(%arg10 : memref<128xf32, #tpu.memory_space<vmem>>)
      tpu.yield
    }) : () -> ()
    %mul3A_58 = arith.constant 3 : i32
    %mul3A_59 = arith.muli %select_n3A, %mul3A_58 : i32
    %mul3A_60 = arith.constant 1024 : i32
    %mul3A_61 = arith.muli %mul3A_59, %mul3A_60 : i32
    %add3A_62 = arith.constant 1024 : i32
    %add3A_63 = arith.addi %mul3A_61, %add3A_62 : i32
    %add3A_64 = arith.addi %add3A_63, %mul3A_32 : i32
    "tpu.region"() ({
      %run_scoped3A = tpu.sem_alloc : memref<!tpu.dma_semaphore, #tpu.memory_space<semaphore_mem>>
      %dma_start3A_418 = tpu.memref_slice %arg2[%add3A_64] : memref<12288xf32, #tpu.memory_space<hbm>> -> memref<128xf32, #tpu.memory_space<hbm>>
      %dma_start3A_419 = tpu.memref_slice %arg2[%add3A_64] : memref<12288xf32, #tpu.memory_space<hbm>> -> memref<128xf32, #tpu.memory_space<hbm>>
      tpu.enqueue_dma source(%dma_start3A_419 : memref<128xf32, #tpu.memory_space<hbm>>) target(%arg11 : memref<128xf32, #tpu.memory_space<vmem>>) target_semaphore(%run_scoped3A : memref<!tpu.dma_semaphore, #tpu.memory_space<semaphore_mem>>)
      %dma_wait3A = tpu.memref_slice %arg2[%add3A_64] : memref<12288xf32, #tpu.memory_space<hbm>> -> memref<128xf32, #tpu.memory_space<hbm>>
      %dma_wait3A_420 = tpu.memref_slice %arg2[%add3A_64] : memref<12288xf32, #tpu.memory_space<hbm>> -> memref<128xf32, #tpu.memory_space<hbm>>
      tpu.wait_dma2 semaphore(%run_scoped3A : memref<!tpu.dma_semaphore, #tpu.memory_space<semaphore_mem>>) src(%dma_wait3A_420 : memref<128xf32, #tpu.memory_space<hbm>>) dst(%arg11 : memref<128xf32, #tpu.memory_space<vmem>>)
      tpu.yield
    }) : () -> ()
    %mul3A_65 = arith.constant 3 : i32
    %mul3A_66 = arith.muli %select_n3A, %mul3A_65 : i32
    %mul3A_67 = arith.constant 1024 : i32
    %mul3A_68 = arith.muli %mul3A_66, %mul3A_67 : i32
    %add3A_69 = arith.constant 2048 : i32
    %add3A_70 = arith.addi %mul3A_68, %add3A_69 : i32
    %add3A_71 = arith.addi %add3A_70, %mul3A_32 : i32
    "tpu.region"() ({
      %run_scoped3A = tpu.sem_alloc : memref<!tpu.dma_semaphore, #tpu.memory_space<semaphore_mem>>
      %dma_start3A_418 = tpu.memref_slice %arg2[%add3A_71] : memref<12288xf32, #tpu.memory_space<hbm>> -> memref<128xf32, #tpu.memory_space<hbm>>
      %dma_start3A_419 = tpu.memref_slice %arg2[%add3A_71] : memref<12288xf32, #tpu.memory_space<hbm>> -> memref<128xf32, #tpu.memory_space<hbm>>
      tpu.enqueue_dma source(%dma_start3A_419 : memref<128xf32, #tpu.memory_space<hbm>>) target(%arg12 : memref<128xf32, #tpu.memory_space<vmem>>) target_semaphore(%run_scoped3A : memref<!tpu.dma_semaphore, #tpu.memory_space<semaphore_mem>>)
      %dma_wait3A = tpu.memref_slice %arg2[%add3A_71] : memref<12288xf32, #tpu.memory_space<hbm>> -> memref<128xf32, #tpu.memory_space<hbm>>
      %dma_wait3A_420 = tpu.memref_slice %arg2[%add3A_71] : memref<12288xf32, #tpu.memory_space<hbm>> -> memref<128xf32, #tpu.memory_space<hbm>>
      tpu.wait_dma2 semaphore(%run_scoped3A : memref<!tpu.dma_semaphore, #tpu.memory_space<semaphore_mem>>) src(%dma_wait3A_420 : memref<128xf32, #tpu.memory_space<hbm>>) dst(%arg12 : memref<128xf32, #tpu.memory_space<vmem>>)
      tpu.yield
    }) : () -> ()
    %iota3A = tpu.iota {dimensions = array<i32: 0>} : vector<16xi32>
    %broadcast_in_dim3A = arith.constant 0 : i32
    %broadcast_in_dim3A_72 = vector.broadcast %broadcast_in_dim3A : i32 to vector<16xi32>
    %broadcast_in_dim3A_73 = arith.constant 1 : i32
    %broadcast_in_dim3A_74 = vector.broadcast %broadcast_in_dim3A_73 : i32 to vector<16xi32>
    %scan3A = arith.constant 0 : i32
    %scan3A_75 = arith.constant 0 : i32
    %mul3A_76 = arith.constant 8 : i32
    %mul3A_77 = arith.muli %scan3A_75, %mul3A_76 : i32
    %add3A_78 = arith.constant 0 : i32
    %add3A_79 = arith.addi %mul3A_77, %add3A_78 : i32
    %mul3A_80 = arith.constant 16 : i32
    %mul3A_81 = arith.muli %add3A_79, %mul3A_80 : i32
    %get3A = arith.index_cast %mul3A_81 : i32 to index
    %get3A_82 = tpu.vector_load %arg10[%get3A] {strides = array<i32>} : memref<128xf32, #tpu.memory_space<vmem>>, vector<16xf32>,
    %mul3A_83 = arith.constant 16 : i32
    %mul3A_84 = arith.muli %add3A_79, %mul3A_83 : i32
    %get3A_85 = arith.index_cast %mul3A_84 : i32 to index
    %get3A_86 = tpu.vector_load %arg11[%get3A_85] {strides = array<i32>} : memref<128xf32, #tpu.memory_space<vmem>>, vector<16xf32>,
    %mul3A_87 = arith.constant 16 : i32
    %mul3A_88 = arith.muli %add3A_79, %mul3A_87 : i32
    %get3A_89 = arith.index_cast %mul3A_88 : i32 to index
    %get3A_90 = tpu.vector_load %arg12[%get3A_89] {strides = array<i32>} : memref<128xf32, #tpu.memory_space<vmem>>, vector<16xf32>,
    %mul3A_91 = arith.constant 16 : i32
    %mul3A_92 = arith.muli %add3A_79, %mul3A_91 : i32
    %add3A_93 = vector.broadcast %mul3A_92 : i32 to vector<16xi32>
    %add3A_94 = arith.addi %add3A_93, %iota3A : vector<16xi32>
    %mul3A_95 = arith.constant 32 : i32
    %mul3A_96 = vector.broadcast %mul3A_95 : i32 to vector<16xi32>
    %mul3A_97 = arith.muli %add3A_94, %mul3A_96 : vector<16xi32>
    %mul3A_98 = arith.constant 8 : i32
    %mul3A_99 = arith.muli %scan3A_75, %mul3A_98 : i32
    %add3A_100 = arith.constant 1 : i32
    %add3A_101 = arith.addi %mul3A_99, %add3A_100 : i32
    %mul3A_102 = arith.constant 16 : i32
    %mul3A_103 = arith.muli %add3A_101, %mul3A_102 : i32
    %get3A_104 = arith.index_cast %mul3A_103 : i32 to index
    %get3A_105 = tpu.vector_load %arg10[%get3A_104] {strides = array<i32>} : memref<128xf32, #tpu.memory_space<vmem>>, vector<16xf32>,
    %mul3A_106 = arith.constant 16 : i32
    %mul3A_107 = arith.muli %add3A_101, %mul3A_106 : i32
    %get3A_108 = arith.index_cast %mul3A_107 : i32 to index
    %get3A_109 = tpu.vector_load %arg11[%get3A_108] {strides = array<i32>} : memref<128xf32, #tpu.memory_space<vmem>>, vector<16xf32>,
    %mul3A_110 = arith.constant 16 : i32
    %mul3A_111 = arith.muli %add3A_101, %mul3A_110 : i32
    %get3A_112 = arith.index_cast %mul3A_111 : i32 to index
    %get3A_113 = tpu.vector_load %arg12[%get3A_112] {strides = array<i32>} : memref<128xf32, #tpu.memory_space<vmem>>, vector<16xf32>,
    %mul3A_114 = arith.constant 16 : i32
    %mul3A_115 = arith.muli %add3A_101, %mul3A_114 : i32
    %add3A_116 = vector.broadcast %mul3A_115 : i32 to vector<16xi32>
    %add3A_117 = arith.addi %add3A_116, %iota3A : vector<16xi32>
    %mul3A_118 = arith.constant 32 : i32
    %mul3A_119 = vector.broadcast %mul3A_118 : i32 to vector<16xi32>
    %mul3A_120 = arith.muli %add3A_117, %mul3A_119 : vector<16xi32>
    %mul3A_121 = arith.constant 8 : i32
    %mul3A_122 = arith.muli %scan3A_75, %mul3A_121 : i32
    %add3A_123 = arith.constant 2 : i32
    %add3A_124 = arith.addi %mul3A_122, %add3A_123 : i32
    %mul3A_125 = arith.constant 16 : i32
    %mul3A_126 = arith.muli %add3A_124, %mul3A_125 : i32
    %get3A_127 = arith.index_cast %mul3A_126 : i32 to index
    %get3A_128 = tpu.vector_load %arg10[%get3A_127] {strides = array<i32>} : memref<128xf32, #tpu.memory_space<vmem>>, vector<16xf32>,
    %mul3A_129 = arith.constant 16 : i32
    %mul3A_130 = arith.muli %add3A_124, %mul3A_129 : i32
    %get3A_131 = arith.index_cast %mul3A_130 : i32 to index
    %get3A_132 = tpu.vector_load %arg11[%get3A_131] {strides = array<i32>} : memref<128xf32, #tpu.memory_space<vmem>>, vector<16xf32>,
    %mul3A_133 = arith.constant 16 : i32
    %mul3A_134 = arith.muli %add3A_124, %mul3A_133 : i32
    %get3A_135 = arith.index_cast %mul3A_134 : i32 to index
    %get3A_136 = tpu.vector_load %arg12[%get3A_135] {strides = array<i32>} : memref<128xf32, #tpu.memory_space<vmem>>, vector<16xf32>,
    %mul3A_137 = arith.constant 16 : i32
    %mul3A_138 = arith.muli %add3A_124, %mul3A_137 : i32
    %add3A_139 = vector.broadcast %mul3A_138 : i32 to vector<16xi32>
    %add3A_140 = arith.addi %add3A_139, %iota3A : vector<16xi32>
    %mul3A_141 = arith.constant 32 : i32
    %mul3A_142 = vector.broadcast %mul3A_141 : i32 to vector<16xi32>
    %mul3A_143 = arith.muli %add3A_140, %mul3A_142 : vector<16xi32>
    %mul3A_144 = arith.constant 8 : i32
    %mul3A_145 = arith.muli %scan3A_75, %mul3A_144 : i32
    %add3A_146 = arith.constant 3 : i32
    %add3A_147 = arith.addi %mul3A_145, %add3A_146 : i32
    %mul3A_148 = arith.constant 16 : i32
    %mul3A_149 = arith.muli %add3A_147, %mul3A_148 : i32
    %get3A_150 = arith.index_cast %mul3A_149 : i32 to index
    %get3A_151 = tpu.vector_load %arg10[%get3A_150] {strides = array<i32>} : memref<128xf32, #tpu.memory_space<vmem>>, vector<16xf32>,
    %mul3A_152 = arith.constant 16 : i32
    %mul3A_153 = arith.muli %add3A_147, %mul3A_152 : i32
    %get3A_154 = arith.index_cast %mul3A_153 : i32 to index
    %get3A_155 = tpu.vector_load %arg11[%get3A_154] {strides = array<i32>} : memref<128xf32, #tpu.memory_space<vmem>>, vector<16xf32>,
    %mul3A_156 = arith.constant 16 : i32
    %mul3A_157 = arith.muli %add3A_147, %mul3A_156 : i32
    %get3A_158 = arith.index_cast %mul3A_157 : i32 to index
    %get3A_159 = tpu.vector_load %arg12[%get3A_158] {strides = array<i32>} : memref<128xf32, #tpu.memory_space<vmem>>, vector<16xf32>,
    %mul3A_160 = arith.constant 16 : i32
    %mul3A_161 = arith.muli %add3A_147, %mul3A_160 : i32
    %add3A_162 = vector.broadcast %mul3A_161 : i32 to vector<16xi32>
    %add3A_163 = arith.addi %add3A_162, %iota3A : vector<16xi32>
    %mul3A_164 = arith.constant 32 : i32
    %mul3A_165 = vector.broadcast %mul3A_164 : i32 to vector<16xi32>
    %mul3A_166 = arith.muli %add3A_163, %mul3A_165 : vector<16xi32>
    %mul3A_167 = arith.constant 8 : i32
    %mul3A_168 = arith.muli %scan3A_75, %mul3A_167 : i32
    %add3A_169 = arith.constant 4 : i32
    %add3A_170 = arith.addi %mul3A_168, %add3A_169 : i32
    %mul3A_171 = arith.constant 16 : i32
    %mul3A_172 = arith.muli %add3A_170, %mul3A_171 : i32
    %get3A_173 = arith.index_cast %mul3A_172 : i32 to index
    %get3A_174 = tpu.vector_load %arg10[%get3A_173] {strides = array<i32>} : memref<128xf32, #tpu.memory_space<vmem>>, vector<16xf32>,
    %mul3A_175 = arith.constant 16 : i32
    %mul3A_176 = arith.muli %add3A_170, %mul3A_175 : i32
    %get3A_177 = arith.index_cast %mul3A_176 : i32 to index
    %get3A_178 = tpu.vector_load %arg11[%get3A_177] {strides = array<i32>} : memref<128xf32, #tpu.memory_space<vmem>>, vector<16xf32>,
    %mul3A_179 = arith.constant 16 : i32
    %mul3A_180 = arith.muli %add3A_170, %mul3A_179 : i32
    %get3A_181 = arith.index_cast %mul3A_180 : i32 to index
    %get3A_182 = tpu.vector_load %arg12[%get3A_181] {strides = array<i32>} : memref<128xf32, #tpu.memory_space<vmem>>, vector<16xf32>,
    %mul3A_183 = arith.constant 16 : i32
    %mul3A_184 = arith.muli %add3A_170, %mul3A_183 : i32
    %add3A_185 = vector.broadcast %mul3A_184 : i32 to vector<16xi32>
    %add3A_186 = arith.addi %add3A_185, %iota3A : vector<16xi32>
    %mul3A_187 = arith.constant 32 : i32
    %mul3A_188 = vector.broadcast %mul3A_187 : i32 to vector<16xi32>
    %mul3A_189 = arith.muli %add3A_186, %mul3A_188 : vector<16xi32>
    %mul3A_190 = arith.constant 8 : i32
    %mul3A_191 = arith.muli %scan3A_75, %mul3A_190 : i32
    %add3A_192 = arith.constant 5 : i32
    %add3A_193 = arith.addi %mul3A_191, %add3A_192 : i32
    %mul3A_194 = arith.constant 16 : i32
    %mul3A_195 = arith.muli %add3A_193, %mul3A_194 : i32
    %get3A_196 = arith.index_cast %mul3A_195 : i32 to index
    %get3A_197 = tpu.vector_load %arg10[%get3A_196] {strides = array<i32>} : memref<128xf32, #tpu.memory_space<vmem>>, vector<16xf32>,
    %mul3A_198 = arith.constant 16 : i32
    %mul3A_199 = arith.muli %add3A_193, %mul3A_198 : i32
    %get3A_200 = arith.index_cast %mul3A_199 : i32 to index
    %get3A_201 = tpu.vector_load %arg11[%get3A_200] {strides = array<i32>} : memref<128xf32, #tpu.memory_space<vmem>>, vector<16xf32>,
    %mul3A_202 = arith.constant 16 : i32
    %mul3A_203 = arith.muli %add3A_193, %mul3A_202 : i32
    %get3A_204 = arith.index_cast %mul3A_203 : i32 to index
    %get3A_205 = tpu.vector_load %arg12[%get3A_204] {strides = array<i32>} : memref<128xf32, #tpu.memory_space<vmem>>, vector<16xf32>,
    %mul3A_206 = arith.constant 16 : i32
    %mul3A_207 = arith.muli %add3A_193, %mul3A_206 : i32
    %add3A_208 = vector.broadcast %mul3A_207 : i32 to vector<16xi32>
    %add3A_209 = arith.addi %add3A_208, %iota3A : vector<16xi32>
    %mul3A_210 = arith.constant 32 : i32
    %mul3A_211 = vector.broadcast %mul3A_210 : i32 to vector<16xi32>
    %mul3A_212 = arith.muli %add3A_209, %mul3A_211 : vector<16xi32>
    %mul3A_213 = arith.constant 8 : i32
    %mul3A_214 = arith.muli %scan3A_75, %mul3A_213 : i32
    %add3A_215 = arith.constant 6 : i32
    %add3A_216 = arith.addi %mul3A_214, %add3A_215 : i32
    %mul3A_217 = arith.constant 16 : i32
    %mul3A_218 = arith.muli %add3A_216, %mul3A_217 : i32
    %get3A_219 = arith.index_cast %mul3A_218 : i32 to index
    %get3A_220 = tpu.vector_load %arg10[%get3A_219] {strides = array<i32>} : memref<128xf32, #tpu.memory_space<vmem>>, vector<16xf32>,
    %mul3A_221 = arith.constant 16 : i32
    %mul3A_222 = arith.muli %add3A_216, %mul3A_221 : i32
    %get3A_223 = arith.index_cast %mul3A_222 : i32 to index
    %get3A_224 = tpu.vector_load %arg11[%get3A_223] {strides = array<i32>} : memref<128xf32, #tpu.memory_space<vmem>>, vector<16xf32>,
    %mul3A_225 = arith.constant 16 : i32
    %mul3A_226 = arith.muli %add3A_216, %mul3A_225 : i32
    %get3A_227 = arith.index_cast %mul3A_226 : i32 to index
    %get3A_228 = tpu.vector_load %arg12[%get3A_227] {strides = array<i32>} : memref<128xf32, #tpu.memory_space<vmem>>, vector<16xf32>,
    %mul3A_229 = arith.constant 16 : i32
    %mul3A_230 = arith.muli %add3A_216, %mul3A_229 : i32
    %add3A_231 = vector.broadcast %mul3A_230 : i32 to vector<16xi32>
    %add3A_232 = arith.addi %add3A_231, %iota3A : vector<16xi32>
    %mul3A_233 = arith.constant 32 : i32
    %mul3A_234 = vector.broadcast %mul3A_233 : i32 to vector<16xi32>
    %mul3A_235 = arith.muli %add3A_232, %mul3A_234 : vector<16xi32>
    %mul3A_236 = arith.constant 8 : i32
    %mul3A_237 = arith.muli %scan3A_75, %mul3A_236 : i32
    %add3A_238 = arith.constant 7 : i32
    %add3A_239 = arith.addi %mul3A_237, %add3A_238 : i32
    %mul3A_240 = arith.constant 16 : i32
    %mul3A_241 = arith.muli %add3A_239, %mul3A_240 : i32
    %get3A_242 = arith.index_cast %mul3A_241 : i32 to index
    %get3A_243 = tpu.vector_load %arg10[%get3A_242] {strides = array<i32>} : memref<128xf32, #tpu.memory_space<vmem>>, vector<16xf32>,
    %mul3A_244 = arith.constant 16 : i32
    %mul3A_245 = arith.muli %add3A_239, %mul3A_244 : i32
    %get3A_246 = arith.index_cast %mul3A_245 : i32 to index
    %get3A_247 = tpu.vector_load %arg11[%get3A_246] {strides = array<i32>} : memref<128xf32, #tpu.memory_space<vmem>>, vector<16xf32>,
    %mul3A_248 = arith.constant 16 : i32
    %mul3A_249 = arith.muli %add3A_239, %mul3A_248 : i32
    %get3A_250 = arith.index_cast %mul3A_249 : i32 to index
    %get3A_251 = tpu.vector_load %arg12[%get3A_250] {strides = array<i32>} : memref<128xf32, #tpu.memory_space<vmem>>, vector<16xf32>,
    %mul3A_252 = arith.constant 16 : i32
    %mul3A_253 = arith.muli %add3A_239, %mul3A_252 : i32
    %add3A_254 = vector.broadcast %mul3A_253 : i32 to vector<16xi32>
    %add3A_255 = arith.addi %add3A_254, %iota3A : vector<16xi32>
    %mul3A_256 = arith.constant 32 : i32
    %mul3A_257 = vector.broadcast %mul3A_256 : i32 to vector<16xi32>
    %mul3A_258 = arith.muli %add3A_255, %mul3A_257 : vector<16xi32>
    %scan3A_259 = arith.constant 0 : i32
    %scan3A_260 = arith.constant 8192 : i32
    %scan3A_261 = arith.addi %scan3A_259, %scan3A_260 : i32
    %scan3A_262 = arith.constant 4 : i32
    %scan3A_263:9 = scf.for %scan3A_418 = %scan3A_259 to %scan3A_261 step %scan3A_262 iter_args(%scan3A_419 = %broadcast_in_dim3A_72, %scan3A_420 = %broadcast_in_dim3A_72, %scan3A_421 = %broadcast_in_dim3A_72, %scan3A_422 = %broadcast_in_dim3A_72, %scan3A_423 = %broadcast_in_dim3A_72, %scan3A_424 = %broadcast_in_dim3A_72, %scan3A_425 = %broadcast_in_dim3A_72, %scan3A_426 = %broadcast_in_dim3A_72, %scan3A_427 = %broadcast_in_dim3A_72) -> (vector<16xi32>, vector<16xi32>, vector<16xi32>, vector<16xi32>, vector<16xi32>, vector<16xi32>, vector<16xi32>, vector<16xi32>, vector<16xi32>)  : i32 {
      %gather3A_428 = tpu.vector_load_idx %arg7[%scan3A_419] : memref<8192xf32, #tpu.memory_space<vmem>>[vector<16xi32>], vector<16xf32>,
      %gather3A_429 = tpu.vector_load_idx %arg8[%scan3A_419] : memref<8192xf32, #tpu.memory_space<vmem>>[vector<16xi32>], vector<16xf32>,
      %gather3A_430 = tpu.vector_load_idx %arg9[%scan3A_419] : memref<8192xf32, #tpu.memory_space<vmem>>[vector<16xi32>], vector<16xf32>,
      %sub3A_431 = arith.subf %gather3A_428, %get3A_82 : vector<16xf32>
      %sub3A_432 = arith.subf %gather3A_429, %get3A_86 : vector<16xf32>
      %sub3A_433 = arith.subf %gather3A_430, %get3A_90 : vector<16xf32>
      %mul3A_434 = arith.mulf %sub3A_431, %sub3A_431 : vector<16xf32>
      %mul3A_435 = arith.mulf %sub3A_432, %sub3A_432 : vector<16xf32>
      %add3A_436 = arith.addf %mul3A_434, %mul3A_435 : vector<16xf32>
      %mul3A_437 = arith.mulf %sub3A_433, %sub3A_433 : vector<16xf32>
      %add3A_438 = arith.addf %add3A_436, %mul3A_437 : vector<16xf32>
      %lt3A_439 = arith.constant 0.00999999977 : f32
      %lt3A_440 = vector.broadcast %lt3A_439 : f32 to vector<16xf32>
      %lt3A_441 = arith.cmpf olt, %add3A_438, %lt3A_440 : vector<16xf32>
      %lt3A_442 = arith.constant 32 : i32
      %lt3A_443 = vector.broadcast %lt3A_442 : i32 to vector<16xi32>
      %lt3A_444 = arith.cmpi slt, %scan3A_420, %lt3A_443 : vector<16xi32>
      %and3A_445 = arith.andi %lt3A_441, %lt3A_444 : vector<16xi1>
      %add3A_446 = arith.addi %mul3A_97, %scan3A_420 : vector<16xi32>
      tpu.vector_store_idx %arg13[%add3A_446], %scan3A_419 masked %and3A_445 : memref<4096xi32, #tpu.memory_space<vmem>>[vector<16xi32>], vector<16xi32>, vector<16xi1>
      %select_n3A_447 = arith.select %and3A_445, %broadcast_in_dim3A_74, %broadcast_in_dim3A_72 : vector<16xi1>, vector<16xi32>
      %add3A_448 = arith.addi %scan3A_420, %select_n3A_447 : vector<16xi32>
      %sub3A_449 = arith.subf %gather3A_428, %get3A_105 : vector<16xf32>
      %sub3A_450 = arith.subf %gather3A_429, %get3A_109 : vector<16xf32>
      %sub3A_451 = arith.subf %gather3A_430, %get3A_113 : vector<16xf32>
      %mul3A_452 = arith.mulf %sub3A_449, %sub3A_449 : vector<16xf32>
      %mul3A_453 = arith.mulf %sub3A_450, %sub3A_450 : vector<16xf32>
      %add3A_454 = arith.addf %mul3A_452, %mul3A_453 : vector<16xf32>
      %mul3A_455 = arith.mulf %sub3A_451, %sub3A_451 : vector<16xf32>
      %add3A_456 = arith.addf %add3A_454, %mul3A_455 : vector<16xf32>
      %lt3A_457 = arith.constant 0.00999999977 : f32
      %lt3A_458 = vector.broadcast %lt3A_457 : f32 to vector<16xf32>
      %lt3A_459 = arith.cmpf olt, %add3A_456, %lt3A_458 : vector<16xf32>
      %lt3A_460 = arith.constant 32 : i32
      %lt3A_461 = vector.broadcast %lt3A_460 : i32 to vector<16xi32>
      %lt3A_462 = arith.cmpi slt, %scan3A_421, %lt3A_461 : vector<16xi32>
      %and3A_463 = arith.andi %lt3A_459, %lt3A_462 : vector<16xi1>
      %add3A_464 = arith.addi %mul3A_120, %scan3A_421 : vector<16xi32>
      tpu.vector_store_idx %arg13[%add3A_464], %scan3A_419 masked %and3A_463 : memref<4096xi32, #tpu.memory_space<vmem>>[vector<16xi32>], vector<16xi32>, vector<16xi1>
      %select_n3A_465 = arith.select %and3A_463, %broadcast_in_dim3A_74, %broadcast_in_dim3A_72 : vector<16xi1>, vector<16xi32>
      %add3A_466 = arith.addi %scan3A_421, %select_n3A_465 : vector<16xi32>
      %sub3A_467 = arith.subf %gather3A_428, %get3A_128 : vector<16xf32>
      %sub3A_468 = arith.subf %gather3A_429, %get3A_132 : vector<16xf32>
      %sub3A_469 = arith.subf %gather3A_430, %get3A_136 : vector<16xf32>
      %mul3A_470 = arith.mulf %sub3A_467, %sub3A_467 : vector<16xf32>
      %mul3A_471 = arith.mulf %sub3A_468, %sub3A_468 : vector<16xf32>
      %add3A_472 = arith.addf %mul3A_470, %mul3A_471 : vector<16xf32>
      %mul3A_473 = arith.mulf %sub3A_469, %sub3A_469 : vector<16xf32>
      %add3A_474 = arith.addf %add3A_472, %mul3A_473 : vector<16xf32>
      %lt3A_475 = arith.constant 0.00999999977 : f32
      %lt3A_476 = vector.broadcast %lt3A_475 : f32 to vector<16xf32>
      %lt3A_477 = arith.cmpf olt, %add3A_474, %lt3A_476 : vector<16xf32>
      %lt3A_478 = arith.constant 32 : i32
      %lt3A_479 = vector.broadcast %lt3A_478 : i32 to vector<16xi32>
      %lt3A_480 = arith.cmpi slt, %scan3A_422, %lt3A_479 : vector<16xi32>
      %and3A_481 = arith.andi %lt3A_477, %lt3A_480 : vector<16xi1>
      %add3A_482 = arith.addi %mul3A_143, %scan3A_422 : vector<16xi32>
      tpu.vector_store_idx %arg13[%add3A_482], %scan3A_419 masked %and3A_481 : memref<4096xi32, #tpu.memory_space<vmem>>[vector<16xi32>], vector<16xi32>, vector<16xi1>
      %select_n3A_483 = arith.select %and3A_481, %broadcast_in_dim3A_74, %broadcast_in_dim3A_72 : vector<16xi1>, vector<16xi32>
      %add3A_484 = arith.addi %scan3A_422, %select_n3A_483 : vector<16xi32>
      %sub3A_485 = arith.subf %gather3A_428, %get3A_151 : vector<16xf32>
      %sub3A_486 = arith.subf %gather3A_429, %get3A_155 : vector<16xf32>
      %sub3A_487 = arith.subf %gather3A_430, %get3A_159 : vector<16xf32>
      %mul3A_488 = arith.mulf %sub3A_485, %sub3A_485 : vector<16xf32>
      %mul3A_489 = arith.mulf %sub3A_486, %sub3A_486 : vector<16xf32>
      %add3A_490 = arith.addf %mul3A_488, %mul3A_489 : vector<16xf32>
      %mul3A_491 = arith.mulf %sub3A_487, %sub3A_487 : vector<16xf32>
      %add3A_492 = arith.addf %add3A_490, %mul3A_491 : vector<16xf32>
      %lt3A_493 = arith.constant 0.00999999977 : f32
      %lt3A_494 = vector.broadcast %lt3A_493 : f32 to vector<16xf32>
      %lt3A_495 = arith.cmpf olt, %add3A_492, %lt3A_494 : vector<16xf32>
      %lt3A_496 = arith.constant 32 : i32
      %lt3A_497 = vector.broadcast %lt3A_496 : i32 to vector<16xi32>
      %lt3A_498 = arith.cmpi slt, %scan3A_423, %lt3A_497 : vector<16xi32>
      %and3A_499 = arith.andi %lt3A_495, %lt3A_498 : vector<16xi1>
      %add3A_500 = arith.addi %mul3A_166, %scan3A_423 : vector<16xi32>
      tpu.vector_store_idx %arg13[%add3A_500], %scan3A_419 masked %and3A_499 : memref<4096xi32, #tpu.memory_space<vmem>>[vector<16xi32>], vector<16xi32>, vector<16xi1>
      %select_n3A_501 = arith.select %and3A_499, %broadcast_in_dim3A_74, %broadcast_in_dim3A_72 : vector<16xi1>, vector<16xi32>
      %add3A_502 = arith.addi %scan3A_423, %select_n3A_501 : vector<16xi32>
      %sub3A_503 = arith.subf %gather3A_428, %get3A_174 : vector<16xf32>
      %sub3A_504 = arith.subf %gather3A_429, %get3A_178 : vector<16xf32>
      %sub3A_505 = arith.subf %gather3A_430, %get3A_182 : vector<16xf32>
      %mul3A_506 = arith.mulf %sub3A_503, %sub3A_503 : vector<16xf32>
      %mul3A_507 = arith.mulf %sub3A_504, %sub3A_504 : vector<16xf32>
      %add3A_508 = arith.addf %mul3A_506, %mul3A_507 : vector<16xf32>
      %mul3A_509 = arith.mulf %sub3A_505, %sub3A_505 : vector<16xf32>
      %add3A_510 = arith.addf %add3A_508, %mul3A_509 : vector<16xf32>
      %lt3A_511 = arith.constant 0.00999999977 : f32
      %lt3A_512 = vector.broadcast %lt3A_511 : f32 to vector<16xf32>
      %lt3A_513 = arith.cmpf olt, %add3A_510, %lt3A_512 : vector<16xf32>
      %lt3A_514 = arith.constant 32 : i32
      %lt3A_515 = vector.broadcast %lt3A_514 : i32 to vector<16xi32>
      %lt3A_516 = arith.cmpi slt, %scan3A_424, %lt3A_515 : vector<16xi32>
      %and3A_517 = arith.andi %lt3A_513, %lt3A_516 : vector<16xi1>
      %add3A_518 = arith.addi %mul3A_189, %scan3A_424 : vector<16xi32>
      tpu.vector_store_idx %arg13[%add3A_518], %scan3A_419 masked %and3A_517 : memref<4096xi32, #tpu.memory_space<vmem>>[vector<16xi32>], vector<16xi32>, vector<16xi1>
      %select_n3A_519 = arith.select %and3A_517, %broadcast_in_dim3A_74, %broadcast_in_dim3A_72 : vector<16xi1>, vector<16xi32>
      %add3A_520 = arith.addi %scan3A_424, %select_n3A_519 : vector<16xi32>
      %sub3A_521 = arith.subf %gather3A_428, %get3A_197 : vector<16xf32>
      %sub3A_522 = arith.subf %gather3A_429, %get3A_201 : vector<16xf32>
      %sub3A_523 = arith.subf %gather3A_430, %get3A_205 : vector<16xf32>
      %mul3A_524 = arith.mulf %sub3A_521, %sub3A_521 : vector<16xf32>
      %mul3A_525 = arith.mulf %sub3A_522, %sub3A_522 : vector<16xf32>
      %add3A_526 = arith.addf %mul3A_524, %mul3A_525 : vector<16xf32>
      %mul3A_527 = arith.mulf %sub3A_523, %sub3A_523 : vector<16xf32>
      %add3A_528 = arith.addf %add3A_526, %mul3A_527 : vector<16xf32>
      %lt3A_529 = arith.constant 0.00999999977 : f32
      %lt3A_530 = vector.broadcast %lt3A_529 : f32 to vector<16xf32>
      %lt3A_531 = arith.cmpf olt, %add3A_528, %lt3A_530 : vector<16xf32>
      %lt3A_532 = arith.constant 32 : i32
      %lt3A_533 = vector.broadcast %lt3A_532 : i32 to vector<16xi32>
      %lt3A_534 = arith.cmpi slt, %scan3A_425, %lt3A_533 : vector<16xi32>
      %and3A_535 = arith.andi %lt3A_531, %lt3A_534 : vector<16xi1>
      %add3A_536 = arith.addi %mul3A_212, %scan3A_425 : vector<16xi32>
      tpu.vector_store_idx %arg13[%add3A_536], %scan3A_419 masked %and3A_535 : memref<4096xi32, #tpu.memory_space<vmem>>[vector<16xi32>], vector<16xi32>, vector<16xi1>
      %select_n3A_537 = arith.select %and3A_535, %broadcast_in_dim3A_74, %broadcast_in_dim3A_72 : vector<16xi1>, vector<16xi32>
      %add3A_538 = arith.addi %scan3A_425, %select_n3A_537 : vector<16xi32>
      %sub3A_539 = arith.subf %gather3A_428, %get3A_220 : vector<16xf32>
      %sub3A_540 = arith.subf %gather3A_429, %get3A_224 : vector<16xf32>
      %sub3A_541 = arith.subf %gather3A_430, %get3A_228 : vector<16xf32>
      %mul3A_542 = arith.mulf %sub3A_539, %sub3A_539 : vector<16xf32>
      %mul3A_543 = arith.mulf %sub3A_540, %sub3A_540 : vector<16xf32>
      %add3A_544 = arith.addf %mul3A_542, %mul3A_543 : vector<16xf32>
      %mul3A_545 = arith.mulf %sub3A_541, %sub3A_541 : vector<16xf32>
      %add3A_546 = arith.addf %add3A_544, %mul3A_545 : vector<16xf32>
      %lt3A_547 = arith.constant 0.00999999977 : f32
      %lt3A_548 = vector.broadcast %lt3A_547 : f32 to vector<16xf32>
      %lt3A_549 = arith.cmpf olt, %add3A_546, %lt3A_548 : vector<16xf32>
      %lt3A_550 = arith.constant 32 : i32
      %lt3A_551 = vector.broadcast %lt3A_550 : i32 to vector<16xi32>
      %lt3A_552 = arith.cmpi slt, %scan3A_426, %lt3A_551 : vector<16xi32>
      %and3A_553 = arith.andi %lt3A_549, %lt3A_552 : vector<16xi1>
      %add3A_554 = arith.addi %mul3A_235, %scan3A_426 : vector<16xi32>
      tpu.vector_store_idx %arg13[%add3A_554], %scan3A_419 masked %and3A_553 : memref<4096xi32, #tpu.memory_space<vmem>>[vector<16xi32>], vector<16xi32>, vector<16xi1>
      %select_n3A_555 = arith.select %and3A_553, %broadcast_in_dim3A_74, %broadcast_in_dim3A_72 : vector<16xi1>, vector<16xi32>
      %add3A_556 = arith.addi %scan3A_426, %select_n3A_555 : vector<16xi32>
      %sub3A_557 = arith.subf %gather3A_428, %get3A_243 : vector<16xf32>
      %sub3A_558 = arith.subf %gather3A_429, %get3A_247 : vector<16xf32>
      %sub3A_559 = arith.subf %gather3A_430, %get3A_251 : vector<16xf32>
      %mul3A_560 = arith.mulf %sub3A_557, %sub3A_557 : vector<16xf32>
      %mul3A_561 = arith.mulf %sub3A_558, %sub3A_558 : vector<16xf32>
      %add3A_562 = arith.addf %mul3A_560, %mul3A_561 : vector<16xf32>
      %mul3A_563 = arith.mulf %sub3A_559, %sub3A_559 : vector<16xf32>
      %add3A_564 = arith.addf %add3A_562, %mul3A_563 : vector<16xf32>
      %lt3A_565 = arith.constant 0.00999999977 : f32
      %lt3A_566 = vector.broadcast %lt3A_565 : f32 to vector<16xf32>
      %lt3A_567 = arith.cmpf olt, %add3A_564, %lt3A_566 : vector<16xf32>
      %lt3A_568 = arith.constant 32 : i32
      %lt3A_569 = vector.broadcast %lt3A_568 : i32 to vector<16xi32>
      %lt3A_570 = arith.cmpi slt, %scan3A_427, %lt3A_569 : vector<16xi32>
      %and3A_571 = arith.andi %lt3A_567, %lt3A_570 : vector<16xi1>
      %add3A_572 = arith.addi %mul3A_258, %scan3A_427 : vector<16xi32>
      tpu.vector_store_idx %arg13[%add3A_572], %scan3A_419 masked %and3A_571 : memref<4096xi32, #tpu.memory_space<vmem>>[vector<16xi32>], vector<16xi32>, vector<16xi1>
      %select_n3A_573 = arith.select %and3A_571, %broadcast_in_dim3A_74, %broadcast_in_dim3A_72 : vector<16xi1>, vector<16xi32>
      %add3A_574 = arith.addi %scan3A_427, %select_n3A_573 : vector<16xi32>
      %add3A_575 = arith.constant 1 : i32
      %add3A_576 = vector.broadcast %add3A_575 : i32 to vector<16xi32>
      %add3A_577 = arith.addi %scan3A_419, %add3A_576 : vector<16xi32>
      %scan3A_578 = arith.constant 1 : i32
      %scan3A_579 = arith.addi %scan3A_418, %scan3A_578 : i32
      %gather3A_580 = tpu.vector_load_idx %arg7[%add3A_577] : memref<8192xf32, #tpu.memory_space<vmem>>[vector<16xi32>], vector<16xf32>,
      %gather3A_581 = tpu.vector_load_idx %arg8[%add3A_577] : memref<8192xf32, #tpu.memory_space<vmem>>[vector<16xi32>], vector<16xf32>,
      %gather3A_582 = tpu.vector_load_idx %arg9[%add3A_577] : memref<8192xf32, #tpu.memory_space<vmem>>[vector<16xi32>], vector<16xf32>,
      %sub3A_583 = arith.subf %gather3A_580, %get3A_82 : vector<16xf32>
      %sub3A_584 = arith.subf %gather3A_581, %get3A_86 : vector<16xf32>
      %sub3A_585 = arith.subf %gather3A_582, %get3A_90 : vector<16xf32>
      %mul3A_586 = arith.mulf %sub3A_583, %sub3A_583 : vector<16xf32>
      %mul3A_587 = arith.mulf %sub3A_584, %sub3A_584 : vector<16xf32>
      %add3A_588 = arith.addf %mul3A_586, %mul3A_587 : vector<16xf32>
      %mul3A_589 = arith.mulf %sub3A_585, %sub3A_585 : vector<16xf32>
      %add3A_590 = arith.addf %add3A_588, %mul3A_589 : vector<16xf32>
      %lt3A_591 = arith.constant 0.00999999977 : f32
      %lt3A_592 = vector.broadcast %lt3A_591 : f32 to vector<16xf32>
      %lt3A_593 = arith.cmpf olt, %add3A_590, %lt3A_592 : vector<16xf32>
      %lt3A_594 = arith.constant 32 : i32
      %lt3A_595 = vector.broadcast %lt3A_594 : i32 to vector<16xi32>
      %lt3A_596 = arith.cmpi slt, %add3A_448, %lt3A_595 : vector<16xi32>
      %and3A_597 = arith.andi %lt3A_593, %lt3A_596 : vector<16xi1>
      %add3A_598 = arith.addi %mul3A_97, %add3A_448 : vector<16xi32>
      tpu.vector_store_idx %arg13[%add3A_598], %add3A_577 masked %and3A_597 : memref<4096xi32, #tpu.memory_space<vmem>>[vector<16xi32>], vector<16xi32>, vector<16xi1>
      %select_n3A_599 = arith.select %and3A_597, %broadcast_in_dim3A_74, %broadcast_in_dim3A_72 : vector<16xi1>, vector<16xi32>
      %add3A_600 = arith.addi %add3A_448, %select_n3A_599 : vector<16xi32>
      %sub3A_601 = arith.subf %gather3A_580, %get3A_105 : vector<16xf32>
      %sub3A_602 = arith.subf %gather3A_581, %get3A_109 : vector<16xf32>
      %sub3A_603 = arith.subf %gather3A_582, %get3A_113 : vector<16xf32>
      %mul3A_604 = arith.mulf %sub3A_601, %sub3A_601 : vector<16xf32>
      %mul3A_605 = arith.mulf %sub3A_602, %sub3A_602 : vector<16xf32>
      %add3A_606 = arith.addf %mul3A_604, %mul3A_605 : vector<16xf32>
      %mul3A_607 = arith.mulf %sub3A_603, %sub3A_603 : vector<16xf32>
      %add3A_608 = arith.addf %add3A_606, %mul3A_607 : vector<16xf32>
      %lt3A_609 = arith.constant 0.00999999977 : f32
      %lt3A_610 = vector.broadcast %lt3A_609 : f32 to vector<16xf32>
      %lt3A_611 = arith.cmpf olt, %add3A_608, %lt3A_610 : vector<16xf32>
      %lt3A_612 = arith.constant 32 : i32
      %lt3A_613 = vector.broadcast %lt3A_612 : i32 to vector<16xi32>
      %lt3A_614 = arith.cmpi slt, %add3A_466, %lt3A_613 : vector<16xi32>
      %and3A_615 = arith.andi %lt3A_611, %lt3A_614 : vector<16xi1>
      %add3A_616 = arith.addi %mul3A_120, %add3A_466 : vector<16xi32>
      tpu.vector_store_idx %arg13[%add3A_616], %add3A_577 masked %and3A_615 : memref<4096xi32, #tpu.memory_space<vmem>>[vector<16xi32>], vector<16xi32>, vector<16xi1>
      %select_n3A_617 = arith.select %and3A_615, %broadcast_in_dim3A_74, %broadcast_in_dim3A_72 : vector<16xi1>, vector<16xi32>
      %add3A_618 = arith.addi %add3A_466, %select_n3A_617 : vector<16xi32>
      %sub3A_619 = arith.subf %gather3A_580, %get3A_128 : vector<16xf32>
      %sub3A_620 = arith.subf %gather3A_581, %get3A_132 : vector<16xf32>
      %sub3A_621 = arith.subf %gather3A_582, %get3A_136 : vector<16xf32>
      %mul3A_622 = arith.mulf %sub3A_619, %sub3A_619 : vector<16xf32>
      %mul3A_623 = arith.mulf %sub3A_620, %sub3A_620 : vector<16xf32>
      %add3A_624 = arith.addf %mul3A_622, %mul3A_623 : vector<16xf32>
      %mul3A_625 = arith.mulf %sub3A_621, %sub3A_621 : vector<16xf32>
      %add3A_626 = arith.addf %add3A_624, %mul3A_625 : vector<16xf32>
      %lt3A_627 = arith.constant 0.00999999977 : f32
      %lt3A_628 = vector.broadcast %lt3A_627 : f32 to vector<16xf32>
      %lt3A_629 = arith.cmpf olt, %add3A_626, %lt3A_628 : vector<16xf32>
      %lt3A_630 = arith.constant 32 : i32
      %lt3A_631 = vector.broadcast %lt3A_630 : i32 to vector<16xi32>
      %lt3A_632 = arith.cmpi slt, %add3A_484, %lt3A_631 : vector<16xi32>
      %and3A_633 = arith.andi %lt3A_629, %lt3A_632 : vector<16xi1>
      %add3A_634 = arith.addi %mul3A_143, %add3A_484 : vector<16xi32>
      tpu.vector_store_idx %arg13[%add3A_634], %add3A_577 masked %and3A_633 : memref<4096xi32, #tpu.memory_space<vmem>>[vector<16xi32>], vector<16xi32>, vector<16xi1>
      %select_n3A_635 = arith.select %and3A_633, %broadcast_in_dim3A_74, %broadcast_in_dim3A_72 : vector<16xi1>, vector<16xi32>
      %add3A_636 = arith.addi %add3A_484, %select_n3A_635 : vector<16xi32>
      %sub3A_637 = arith.subf %gather3A_580, %get3A_151 : vector<16xf32>
      %sub3A_638 = arith.subf %gather3A_581, %get3A_155 : vector<16xf32>
      %sub3A_639 = arith.subf %gather3A_582, %get3A_159 : vector<16xf32>
      %mul3A_640 = arith.mulf %sub3A_637, %sub3A_637 : vector<16xf32>
      %mul3A_641 = arith.mulf %sub3A_638, %sub3A_638 : vector<16xf32>
      %add3A_642 = arith.addf %mul3A_640, %mul3A_641 : vector<16xf32>
      %mul3A_643 = arith.mulf %sub3A_639, %sub3A_639 : vector<16xf32>
      %add3A_644 = arith.addf %add3A_642, %mul3A_643 : vector<16xf32>
      %lt3A_645 = arith.constant 0.00999999977 : f32
      %lt3A_646 = vector.broadcast %lt3A_645 : f32 to vector<16xf32>
      %lt3A_647 = arith.cmpf olt, %add3A_644, %lt3A_646 : vector<16xf32>
      %lt3A_648 = arith.constant 32 : i32
      %lt3A_649 = vector.broadcast %lt3A_648 : i32 to vector<16xi32>
      %lt3A_650 = arith.cmpi slt, %add3A_502, %lt3A_649 : vector<16xi32>
      %and3A_651 = arith.andi %lt3A_647, %lt3A_650 : vector<16xi1>
      %add3A_652 = arith.addi %mul3A_166, %add3A_502 : vector<16xi32>
      tpu.vector_store_idx %arg13[%add3A_652], %add3A_577 masked %and3A_651 : memref<4096xi32, #tpu.memory_space<vmem>>[vector<16xi32>], vector<16xi32>, vector<16xi1>
      %select_n3A_653 = arith.select %and3A_651, %broadcast_in_dim3A_74, %broadcast_in_dim3A_72 : vector<16xi1>, vector<16xi32>
      %add3A_654 = arith.addi %add3A_502, %select_n3A_653 : vector<16xi32>
      %sub3A_655 = arith.subf %gather3A_580, %get3A_174 : vector<16xf32>
      %sub3A_656 = arith.subf %gather3A_581, %get3A_178 : vector<16xf32>
      %sub3A_657 = arith.subf %gather3A_582, %get3A_182 : vector<16xf32>
      %mul3A_658 = arith.mulf %sub3A_655, %sub3A_655 : vector<16xf32>
      %mul3A_659 = arith.mulf %sub3A_656, %sub3A_656 : vector<16xf32>
      %add3A_660 = arith.addf %mul3A_658, %mul3A_659 : vector<16xf32>
      %mul3A_661 = arith.mulf %sub3A_657, %sub3A_657 : vector<16xf32>
      %add3A_662 = arith.addf %add3A_660, %mul3A_661 : vector<16xf32>
      %lt3A_663 = arith.constant 0.00999999977 : f32
      %lt3A_664 = vector.broadcast %lt3A_663 : f32 to vector<16xf32>
      %lt3A_665 = arith.cmpf olt, %add3A_662, %lt3A_664 : vector<16xf32>
      %lt3A_666 = arith.constant 32 : i32
      %lt3A_667 = vector.broadcast %lt3A_666 : i32 to vector<16xi32>
      %lt3A_668 = arith.cmpi slt, %add3A_520, %lt3A_667 : vector<16xi32>
      %and3A_669 = arith.andi %lt3A_665, %lt3A_668 : vector<16xi1>
      %add3A_670 = arith.addi %mul3A_189, %add3A_520 : vector<16xi32>
      tpu.vector_store_idx %arg13[%add3A_670], %add3A_577 masked %and3A_669 : memref<4096xi32, #tpu.memory_space<vmem>>[vector<16xi32>], vector<16xi32>, vector<16xi1>
      %select_n3A_671 = arith.select %and3A_669, %broadcast_in_dim3A_74, %broadcast_in_dim3A_72 : vector<16xi1>, vector<16xi32>
      %add3A_672 = arith.addi %add3A_520, %select_n3A_671 : vector<16xi32>
      %sub3A_673 = arith.subf %gather3A_580, %get3A_197 : vector<16xf32>
      %sub3A_674 = arith.subf %gather3A_581, %get3A_201 : vector<16xf32>
      %sub3A_675 = arith.subf %gather3A_582, %get3A_205 : vector<16xf32>
      %mul3A_676 = arith.mulf %sub3A_673, %sub3A_673 : vector<16xf32>
      %mul3A_677 = arith.mulf %sub3A_674, %sub3A_674 : vector<16xf32>
      %add3A_678 = arith.addf %mul3A_676, %mul3A_677 : vector<16xf32>
      %mul3A_679 = arith.mulf %sub3A_675, %sub3A_675 : vector<16xf32>
      %add3A_680 = arith.addf %add3A_678, %mul3A_679 : vector<16xf32>
      %lt3A_681 = arith.constant 0.00999999977 : f32
      %lt3A_682 = vector.broadcast %lt3A_681 : f32 to vector<16xf32>
      %lt3A_683 = arith.cmpf olt, %add3A_680, %lt3A_682 : vector<16xf32>
      %lt3A_684 = arith.constant 32 : i32
      %lt3A_685 = vector.broadcast %lt3A_684 : i32 to vector<16xi32>
      %lt3A_686 = arith.cmpi slt, %add3A_538, %lt3A_685 : vector<16xi32>
      %and3A_687 = arith.andi %lt3A_683, %lt3A_686 : vector<16xi1>
      %add3A_688 = arith.addi %mul3A_212, %add3A_538 : vector<16xi32>
      tpu.vector_store_idx %arg13[%add3A_688], %add3A_577 masked %and3A_687 : memref<4096xi32, #tpu.memory_space<vmem>>[vector<16xi32>], vector<16xi32>, vector<16xi1>
      %select_n3A_689 = arith.select %and3A_687, %broadcast_in_dim3A_74, %broadcast_in_dim3A_72 : vector<16xi1>, vector<16xi32>
      %add3A_690 = arith.addi %add3A_538, %select_n3A_689 : vector<16xi32>
      %sub3A_691 = arith.subf %gather3A_580, %get3A_220 : vector<16xf32>
      %sub3A_692 = arith.subf %gather3A_581, %get3A_224 : vector<16xf32>
      %sub3A_693 = arith.subf %gather3A_582, %get3A_228 : vector<16xf32>
      %mul3A_694 = arith.mulf %sub3A_691, %sub3A_691 : vector<16xf32>
      %mul3A_695 = arith.mulf %sub3A_692, %sub3A_692 : vector<16xf32>
      %add3A_696 = arith.addf %mul3A_694, %mul3A_695 : vector<16xf32>
      %mul3A_697 = arith.mulf %sub3A_693, %sub3A_693 : vector<16xf32>
      %add3A_698 = arith.addf %add3A_696, %mul3A_697 : vector<16xf32>
      %lt3A_699 = arith.constant 0.00999999977 : f32
      %lt3A_700 = vector.broadcast %lt3A_699 : f32 to vector<16xf32>
      %lt3A_701 = arith.cmpf olt, %add3A_698, %lt3A_700 : vector<16xf32>
      %lt3A_702 = arith.constant 32 : i32
      %lt3A_703 = vector.broadcast %lt3A_702 : i32 to vector<16xi32>
      %lt3A_704 = arith.cmpi slt, %add3A_556, %lt3A_703 : vector<16xi32>
      %and3A_705 = arith.andi %lt3A_701, %lt3A_704 : vector<16xi1>
      %add3A_706 = arith.addi %mul3A_235, %add3A_556 : vector<16xi32>
      tpu.vector_store_idx %arg13[%add3A_706], %add3A_577 masked %and3A_705 : memref<4096xi32, #tpu.memory_space<vmem>>[vector<16xi32>], vector<16xi32>, vector<16xi1>
      %select_n3A_707 = arith.select %and3A_705, %broadcast_in_dim3A_74, %broadcast_in_dim3A_72 : vector<16xi1>, vector<16xi32>
      %add3A_708 = arith.addi %add3A_556, %select_n3A_707 : vector<16xi32>
      %sub3A_709 = arith.subf %gather3A_580, %get3A_243 : vector<16xf32>
      %sub3A_710 = arith.subf %gather3A_581, %get3A_247 : vector<16xf32>
      %sub3A_711 = arith.subf %gather3A_582, %get3A_251 : vector<16xf32>
      %mul3A_712 = arith.mulf %sub3A_709, %sub3A_709 : vector<16xf32>
      %mul3A_713 = arith.mulf %sub3A_710, %sub3A_710 : vector<16xf32>
      %add3A_714 = arith.addf %mul3A_712, %mul3A_713 : vector<16xf32>
      %mul3A_715 = arith.mulf %sub3A_711, %sub3A_711 : vector<16xf32>
      %add3A_716 = arith.addf %add3A_714, %mul3A_715 : vector<16xf32>
      %lt3A_717 = arith.constant 0.00999999977 : f32
      %lt3A_718 = vector.broadcast %lt3A_717 : f32 to vector<16xf32>
      %lt3A_719 = arith.cmpf olt, %add3A_716, %lt3A_718 : vector<16xf32>
      %lt3A_720 = arith.constant 32 : i32
      %lt3A_721 = vector.broadcast %lt3A_720 : i32 to vector<16xi32>
      %lt3A_722 = arith.cmpi slt, %add3A_574, %lt3A_721 : vector<16xi32>
      %and3A_723 = arith.andi %lt3A_719, %lt3A_722 : vector<16xi1>
      %add3A_724 = arith.addi %mul3A_258, %add3A_574 : vector<16xi32>
      tpu.vector_store_idx %arg13[%add3A_724], %add3A_577 masked %and3A_723 : memref<4096xi32, #tpu.memory_space<vmem>>[vector<16xi32>], vector<16xi32>, vector<16xi1>
      %select_n3A_725 = arith.select %and3A_723, %broadcast_in_dim3A_74, %broadcast_in_dim3A_72 : vector<16xi1>, vector<16xi32>
      %add3A_726 = arith.addi %add3A_574, %select_n3A_725 : vector<16xi32>
      %add3A_727 = arith.constant 1 : i32
      %add3A_728 = vector.broadcast %add3A_727 : i32 to vector<16xi32>
      %add3A_729 = arith.addi %add3A_577, %add3A_728 : vector<16xi32>
      %scan3A_730 = arith.constant 2 : i32
      %scan3A_731 = arith.addi %scan3A_418, %scan3A_730 : i32
      %gather3A_732 = tpu.vector_load_idx %arg7[%add3A_729] : memref<8192xf32, #tpu.memory_space<vmem>>[vector<16xi32>], vector<16xf32>,
      %gather3A_733 = tpu.vector_load_idx %arg8[%add3A_729] : memref<8192xf32, #tpu.memory_space<vmem>>[vector<16xi32>], vector<16xf32>,
      %gather3A_734 = tpu.vector_load_idx %arg9[%add3A_729] : memref<8192xf32, #tpu.memory_space<vmem>>[vector<16xi32>], vector<16xf32>,
      %sub3A_735 = arith.subf %gather3A_732, %get3A_82 : vector<16xf32>
      %sub3A_736 = arith.subf %gather3A_733, %get3A_86 : vector<16xf32>
      %sub3A_737 = arith.subf %gather3A_734, %get3A_90 : vector<16xf32>
      %mul3A_738 = arith.mulf %sub3A_735, %sub3A_735 : vector<16xf32>
      %mul3A_739 = arith.mulf %sub3A_736, %sub3A_736 : vector<16xf32>
      %add3A_740 = arith.addf %mul3A_738, %mul3A_739 : vector<16xf32>
      %mul3A_741 = arith.mulf %sub3A_737, %sub3A_737 : vector<16xf32>
      %add3A_742 = arith.addf %add3A_740, %mul3A_741 : vector<16xf32>
      %lt3A_743 = arith.constant 0.00999999977 : f32
      %lt3A_744 = vector.broadcast %lt3A_743 : f32 to vector<16xf32>
      %lt3A_745 = arith.cmpf olt, %add3A_742, %lt3A_744 : vector<16xf32>
      %lt3A_746 = arith.constant 32 : i32
      %lt3A_747 = vector.broadcast %lt3A_746 : i32 to vector<16xi32>
      %lt3A_748 = arith.cmpi slt, %add3A_600, %lt3A_747 : vector<16xi32>
      %and3A_749 = arith.andi %lt3A_745, %lt3A_748 : vector<16xi1>
      %add3A_750 = arith.addi %mul3A_97, %add3A_600 : vector<16xi32>
      tpu.vector_store_idx %arg13[%add3A_750], %add3A_729 masked %and3A_749 : memref<4096xi32, #tpu.memory_space<vmem>>[vector<16xi32>], vector<16xi32>, vector<16xi1>
      %select_n3A_751 = arith.select %and3A_749, %broadcast_in_dim3A_74, %broadcast_in_dim3A_72 : vector<16xi1>, vector<16xi32>
      %add3A_752 = arith.addi %add3A_600, %select_n3A_751 : vector<16xi32>
      %sub3A_753 = arith.subf %gather3A_732, %get3A_105 : vector<16xf32>
      %sub3A_754 = arith.subf %gather3A_733, %get3A_109 : vector<16xf32>
      %sub3A_755 = arith.subf %gather3A_734, %get3A_113 : vector<16xf32>
      %mul3A_756 = arith.mulf %sub3A_753, %sub3A_753 : vector<16xf32>
      %mul3A_757 = arith.mulf %sub3A_754, %sub3A_754 : vector<16xf32>
      %add3A_758 = arith.addf %mul3A_756, %mul3A_757 : vector<16xf32>
      %mul3A_759 = arith.mulf %sub3A_755, %sub3A_755 : vector<16xf32>
      %add3A_760 = arith.addf %add3A_758, %mul3A_759 : vector<16xf32>
      %lt3A_761 = arith.constant 0.00999999977 : f32
      %lt3A_762 = vector.broadcast %lt3A_761 : f32 to vector<16xf32>
      %lt3A_763 = arith.cmpf olt, %add3A_760, %lt3A_762 : vector<16xf32>
      %lt3A_764 = arith.constant 32 : i32
      %lt3A_765 = vector.broadcast %lt3A_764 : i32 to vector<16xi32>
      %lt3A_766 = arith.cmpi slt, %add3A_618, %lt3A_765 : vector<16xi32>
      %and3A_767 = arith.andi %lt3A_763, %lt3A_766 : vector<16xi1>
      %add3A_768 = arith.addi %mul3A_120, %add3A_618 : vector<16xi32>
      tpu.vector_store_idx %arg13[%add3A_768], %add3A_729 masked %and3A_767 : memref<4096xi32, #tpu.memory_space<vmem>>[vector<16xi32>], vector<16xi32>, vector<16xi1>
      %select_n3A_769 = arith.select %and3A_767, %broadcast_in_dim3A_74, %broadcast_in_dim3A_72 : vector<16xi1>, vector<16xi32>
      %add3A_770 = arith.addi %add3A_618, %select_n3A_769 : vector<16xi32>
      %sub3A_771 = arith.subf %gather3A_732, %get3A_128 : vector<16xf32>
      %sub3A_772 = arith.subf %gather3A_733, %get3A_132 : vector<16xf32>
      %sub3A_773 = arith.subf %gather3A_734, %get3A_136 : vector<16xf32>
      %mul3A_774 = arith.mulf %sub3A_771, %sub3A_771 : vector<16xf32>
      %mul3A_775 = arith.mulf %sub3A_772, %sub3A_772 : vector<16xf32>
      %add3A_776 = arith.addf %mul3A_774, %mul3A_775 : vector<16xf32>
      %mul3A_777 = arith.mulf %sub3A_773, %sub3A_773 : vector<16xf32>
      %add3A_778 = arith.addf %add3A_776, %mul3A_777 : vector<16xf32>
      %lt3A_779 = arith.constant 0.00999999977 : f32
      %lt3A_780 = vector.broadcast %lt3A_779 : f32 to vector<16xf32>
      %lt3A_781 = arith.cmpf olt, %add3A_778, %lt3A_780 : vector<16xf32>
      %lt3A_782 = arith.constant 32 : i32
      %lt3A_783 = vector.broadcast %lt3A_782 : i32 to vector<16xi32>
      %lt3A_784 = arith.cmpi slt, %add3A_636, %lt3A_783 : vector<16xi32>
      %and3A_785 = arith.andi %lt3A_781, %lt3A_784 : vector<16xi1>
      %add3A_786 = arith.addi %mul3A_143, %add3A_636 : vector<16xi32>
      tpu.vector_store_idx %arg13[%add3A_786], %add3A_729 masked %and3A_785 : memref<4096xi32, #tpu.memory_space<vmem>>[vector<16xi32>], vector<16xi32>, vector<16xi1>
      %select_n3A_787 = arith.select %and3A_785, %broadcast_in_dim3A_74, %broadcast_in_dim3A_72 : vector<16xi1>, vector<16xi32>
      %add3A_788 = arith.addi %add3A_636, %select_n3A_787 : vector<16xi32>
      %sub3A_789 = arith.subf %gather3A_732, %get3A_151 : vector<16xf32>
      %sub3A_790 = arith.subf %gather3A_733, %get3A_155 : vector<16xf32>
      %sub3A_791 = arith.subf %gather3A_734, %get3A_159 : vector<16xf32>
      %mul3A_792 = arith.mulf %sub3A_789, %sub3A_789 : vector<16xf32>
      %mul3A_793 = arith.mulf %sub3A_790, %sub3A_790 : vector<16xf32>
      %add3A_794 = arith.addf %mul3A_792, %mul3A_793 : vector<16xf32>
      %mul3A_795 = arith.mulf %sub3A_791, %sub3A_791 : vector<16xf32>
      %add3A_796 = arith.addf %add3A_794, %mul3A_795 : vector<16xf32>
      %lt3A_797 = arith.constant 0.00999999977 : f32
      %lt3A_798 = vector.broadcast %lt3A_797 : f32 to vector<16xf32>
      %lt3A_799 = arith.cmpf olt, %add3A_796, %lt3A_798 : vector<16xf32>
      %lt3A_800 = arith.constant 32 : i32
      %lt3A_801 = vector.broadcast %lt3A_800 : i32 to vector<16xi32>
      %lt3A_802 = arith.cmpi slt, %add3A_654, %lt3A_801 : vector<16xi32>
      %and3A_803 = arith.andi %lt3A_799, %lt3A_802 : vector<16xi1>
      %add3A_804 = arith.addi %mul3A_166, %add3A_654 : vector<16xi32>
      tpu.vector_store_idx %arg13[%add3A_804], %add3A_729 masked %and3A_803 : memref<4096xi32, #tpu.memory_space<vmem>>[vector<16xi32>], vector<16xi32>, vector<16xi1>
      %select_n3A_805 = arith.select %and3A_803, %broadcast_in_dim3A_74, %broadcast_in_dim3A_72 : vector<16xi1>, vector<16xi32>
      %add3A_806 = arith.addi %add3A_654, %select_n3A_805 : vector<16xi32>
      %sub3A_807 = arith.subf %gather3A_732, %get3A_174 : vector<16xf32>
      %sub3A_808 = arith.subf %gather3A_733, %get3A_178 : vector<16xf32>
      %sub3A_809 = arith.subf %gather3A_734, %get3A_182 : vector<16xf32>
      %mul3A_810 = arith.mulf %sub3A_807, %sub3A_807 : vector<16xf32>
      %mul3A_811 = arith.mulf %sub3A_808, %sub3A_808 : vector<16xf32>
      %add3A_812 = arith.addf %mul3A_810, %mul3A_811 : vector<16xf32>
      %mul3A_813 = arith.mulf %sub3A_809, %sub3A_809 : vector<16xf32>
      %add3A_814 = arith.addf %add3A_812, %mul3A_813 : vector<16xf32>
      %lt3A_815 = arith.constant 0.00999999977 : f32
      %lt3A_816 = vector.broadcast %lt3A_815 : f32 to vector<16xf32>
      %lt3A_817 = arith.cmpf olt, %add3A_814, %lt3A_816 : vector<16xf32>
      %lt3A_818 = arith.constant 32 : i32
      %lt3A_819 = vector.broadcast %lt3A_818 : i32 to vector<16xi32>
      %lt3A_820 = arith.cmpi slt, %add3A_672, %lt3A_819 : vector<16xi32>
      %and3A_821 = arith.andi %lt3A_817, %lt3A_820 : vector<16xi1>
      %add3A_822 = arith.addi %mul3A_189, %add3A_672 : vector<16xi32>
      tpu.vector_store_idx %arg13[%add3A_822], %add3A_729 masked %and3A_821 : memref<4096xi32, #tpu.memory_space<vmem>>[vector<16xi32>], vector<16xi32>, vector<16xi1>
      %select_n3A_823 = arith.select %and3A_821, %broadcast_in_dim3A_74, %broadcast_in_dim3A_72 : vector<16xi1>, vector<16xi32>
      %add3A_824 = arith.addi %add3A_672, %select_n3A_823 : vector<16xi32>
      %sub3A_825 = arith.subf %gather3A_732, %get3A_197 : vector<16xf32>
      %sub3A_826 = arith.subf %gather3A_733, %get3A_201 : vector<16xf32>
      %sub3A_827 = arith.subf %gather3A_734, %get3A_205 : vector<16xf32>
      %mul3A_828 = arith.mulf %sub3A_825, %sub3A_825 : vector<16xf32>
      %mul3A_829 = arith.mulf %sub3A_826, %sub3A_826 : vector<16xf32>
      %add3A_830 = arith.addf %mul3A_828, %mul3A_829 : vector<16xf32>
      %mul3A_831 = arith.mulf %sub3A_827, %sub3A_827 : vector<16xf32>
      %add3A_832 = arith.addf %add3A_830, %mul3A_831 : vector<16xf32>
      %lt3A_833 = arith.constant 0.00999999977 : f32
      %lt3A_834 = vector.broadcast %lt3A_833 : f32 to vector<16xf32>
      %lt3A_835 = arith.cmpf olt, %add3A_832, %lt3A_834 : vector<16xf32>
      %lt3A_836 = arith.constant 32 : i32
      %lt3A_837 = vector.broadcast %lt3A_836 : i32 to vector<16xi32>
      %lt3A_838 = arith.cmpi slt, %add3A_690, %lt3A_837 : vector<16xi32>
      %and3A_839 = arith.andi %lt3A_835, %lt3A_838 : vector<16xi1>
      %add3A_840 = arith.addi %mul3A_212, %add3A_690 : vector<16xi32>
      tpu.vector_store_idx %arg13[%add3A_840], %add3A_729 masked %and3A_839 : memref<4096xi32, #tpu.memory_space<vmem>>[vector<16xi32>], vector<16xi32>, vector<16xi1>
      %select_n3A_841 = arith.select %and3A_839, %broadcast_in_dim3A_74, %broadcast_in_dim3A_72 : vector<16xi1>, vector<16xi32>
      %add3A_842 = arith.addi %add3A_690, %select_n3A_841 : vector<16xi32>
      %sub3A_843 = arith.subf %gather3A_732, %get3A_220 : vector<16xf32>
      %sub3A_844 = arith.subf %gather3A_733, %get3A_224 : vector<16xf32>
      %sub3A_845 = arith.subf %gather3A_734, %get3A_228 : vector<16xf32>
      %mul3A_846 = arith.mulf %sub3A_843, %sub3A_843 : vector<16xf32>
      %mul3A_847 = arith.mulf %sub3A_844, %sub3A_844 : vector<16xf32>
      %add3A_848 = arith.addf %mul3A_846, %mul3A_847 : vector<16xf32>
      %mul3A_849 = arith.mulf %sub3A_845, %sub3A_845 : vector<16xf32>
      %add3A_850 = arith.addf %add3A_848, %mul3A_849 : vector<16xf32>
      %lt3A_851 = arith.constant 0.00999999977 : f32
      %lt3A_852 = vector.broadcast %lt3A_851 : f32 to vector<16xf32>
      %lt3A_853 = arith.cmpf olt, %add3A_850, %lt3A_852 : vector<16xf32>
      %lt3A_854 = arith.constant 32 : i32
      %lt3A_855 = vector.broadcast %lt3A_854 : i32 to vector<16xi32>
      %lt3A_856 = arith.cmpi slt, %add3A_708, %lt3A_855 : vector<16xi32>
      %and3A_857 = arith.andi %lt3A_853, %lt3A_856 : vector<16xi1>
      %add3A_858 = arith.addi %mul3A_235, %add3A_708 : vector<16xi32>
      tpu.vector_store_idx %arg13[%add3A_858], %add3A_729 masked %and3A_857 : memref<4096xi32, #tpu.memory_space<vmem>>[vector<16xi32>], vector<16xi32>, vector<16xi1>
      %select_n3A_859 = arith.select %and3A_857, %broadcast_in_dim3A_74, %broadcast_in_dim3A_72 : vector<16xi1>, vector<16xi32>
      %add3A_860 = arith.addi %add3A_708, %select_n3A_859 : vector<16xi32>
      %sub3A_861 = arith.subf %gather3A_732, %get3A_243 : vector<16xf32>
      %sub3A_862 = arith.subf %gather3A_733, %get3A_247 : vector<16xf32>
      %sub3A_863 = arith.subf %gather3A_734, %get3A_251 : vector<16xf32>
      %mul3A_864 = arith.mulf %sub3A_861, %sub3A_861 : vector<16xf32>
      %mul3A_865 = arith.mulf %sub3A_862, %sub3A_862 : vector<16xf32>
      %add3A_866 = arith.addf %mul3A_864, %mul3A_865 : vector<16xf32>
      %mul3A_867 = arith.mulf %sub3A_863, %sub3A_863 : vector<16xf32>
      %add3A_868 = arith.addf %add3A_866, %mul3A_867 : vector<16xf32>
      %lt3A_869 = arith.constant 0.00999999977 : f32
      %lt3A_870 = vector.broadcast %lt3A_869 : f32 to vector<16xf32>
      %lt3A_871 = arith.cmpf olt, %add3A_868, %lt3A_870 : vector<16xf32>
      %lt3A_872 = arith.constant 32 : i32
      %lt3A_873 = vector.broadcast %lt3A_872 : i32 to vector<16xi32>
      %lt3A_874 = arith.cmpi slt, %add3A_726, %lt3A_873 : vector<16xi32>
      %and3A_875 = arith.andi %lt3A_871, %lt3A_874 : vector<16xi1>
      %add3A_876 = arith.addi %mul3A_258, %add3A_726 : vector<16xi32>
      tpu.vector_store_idx %arg13[%add3A_876], %add3A_729 masked %and3A_875 : memref<4096xi32, #tpu.memory_space<vmem>>[vector<16xi32>], vector<16xi32>, vector<16xi1>
      %select_n3A_877 = arith.select %and3A_875, %broadcast_in_dim3A_74, %broadcast_in_dim3A_72 : vector<16xi1>, vector<16xi32>
      %add3A_878 = arith.addi %add3A_726, %select_n3A_877 : vector<16xi32>
      %add3A_879 = arith.constant 1 : i32
      %add3A_880 = vector.broadcast %add3A_879 : i32 to vector<16xi32>
      %add3A_881 = arith.addi %add3A_729, %add3A_880 : vector<16xi32>
      %scan3A_882 = arith.constant 3 : i32
      %scan3A_883 = arith.addi %scan3A_418, %scan3A_882 : i32
      %gather3A_884 = tpu.vector_load_idx %arg7[%add3A_881] : memref<8192xf32, #tpu.memory_space<vmem>>[vector<16xi32>], vector<16xf32>,
      %gather3A_885 = tpu.vector_load_idx %arg8[%add3A_881] : memref<8192xf32, #tpu.memory_space<vmem>>[vector<16xi32>], vector<16xf32>,
      %gather3A_886 = tpu.vector_load_idx %arg9[%add3A_881] : memref<8192xf32, #tpu.memory_space<vmem>>[vector<16xi32>], vector<16xf32>,
      %sub3A_887 = arith.subf %gather3A_884, %get3A_82 : vector<16xf32>
      %sub3A_888 = arith.subf %gather3A_885, %get3A_86 : vector<16xf32>
      %sub3A_889 = arith.subf %gather3A_886, %get3A_90 : vector<16xf32>
      %mul3A_890 = arith.mulf %sub3A_887, %sub3A_887 : vector<16xf32>
      %mul3A_891 = arith.mulf %sub3A_888, %sub3A_888 : vector<16xf32>
      %add3A_892 = arith.addf %mul3A_890, %mul3A_891 : vector<16xf32>
      %mul3A_893 = arith.mulf %sub3A_889, %sub3A_889 : vector<16xf32>
      %add3A_894 = arith.addf %add3A_892, %mul3A_893 : vector<16xf32>
      %lt3A_895 = arith.constant 0.00999999977 : f32
      %lt3A_896 = vector.broadcast %lt3A_895 : f32 to vector<16xf32>
      %lt3A_897 = arith.cmpf olt, %add3A_894, %lt3A_896 : vector<16xf32>
      %lt3A_898 = arith.constant 32 : i32
      %lt3A_899 = vector.broadcast %lt3A_898 : i32 to vector<16xi32>
      %lt3A_900 = arith.cmpi slt, %add3A_752, %lt3A_899 : vector<16xi32>
      %and3A_901 = arith.andi %lt3A_897, %lt3A_900 : vector<16xi1>
      %add3A_902 = arith.addi %mul3A_97, %add3A_752 : vector<16xi32>
      tpu.vector_store_idx %arg13[%add3A_902], %add3A_881 masked %and3A_901 : memref<4096xi32, #tpu.memory_space<vmem>>[vector<16xi32>], vector<16xi32>, vector<16xi1>
      %select_n3A_903 = arith.select %and3A_901, %broadcast_in_dim3A_74, %broadcast_in_dim3A_72 : vector<16xi1>, vector<16xi32>
      %add3A_904 = arith.addi %add3A_752, %select_n3A_903 : vector<16xi32>
      %sub3A_905 = arith.subf %gather3A_884, %get3A_105 : vector<16xf32>
      %sub3A_906 = arith.subf %gather3A_885, %get3A_109 : vector<16xf32>
      %sub3A_907 = arith.subf %gather3A_886, %get3A_113 : vector<16xf32>
      %mul3A_908 = arith.mulf %sub3A_905, %sub3A_905 : vector<16xf32>
      %mul3A_909 = arith.mulf %sub3A_906, %sub3A_906 : vector<16xf32>
      %add3A_910 = arith.addf %mul3A_908, %mul3A_909 : vector<16xf32>
      %mul3A_911 = arith.mulf %sub3A_907, %sub3A_907 : vector<16xf32>
      %add3A_912 = arith.addf %add3A_910, %mul3A_911 : vector<16xf32>
      %lt3A_913 = arith.constant 0.00999999977 : f32
      %lt3A_914 = vector.broadcast %lt3A_913 : f32 to vector<16xf32>
      %lt3A_915 = arith.cmpf olt, %add3A_912, %lt3A_914 : vector<16xf32>
      %lt3A_916 = arith.constant 32 : i32
      %lt3A_917 = vector.broadcast %lt3A_916 : i32 to vector<16xi32>
      %lt3A_918 = arith.cmpi slt, %add3A_770, %lt3A_917 : vector<16xi32>
      %and3A_919 = arith.andi %lt3A_915, %lt3A_918 : vector<16xi1>
      %add3A_920 = arith.addi %mul3A_120, %add3A_770 : vector<16xi32>
      tpu.vector_store_idx %arg13[%add3A_920], %add3A_881 masked %and3A_919 : memref<4096xi32, #tpu.memory_space<vmem>>[vector<16xi32>], vector<16xi32>, vector<16xi1>
      %select_n3A_921 = arith.select %and3A_919, %broadcast_in_dim3A_74, %broadcast_in_dim3A_72 : vector<16xi1>, vector<16xi32>
      %add3A_922 = arith.addi %add3A_770, %select_n3A_921 : vector<16xi32>
      %sub3A_923 = arith.subf %gather3A_884, %get3A_128 : vector<16xf32>
      %sub3A_924 = arith.subf %gather3A_885, %get3A_132 : vector<16xf32>
      %sub3A_925 = arith.subf %gather3A_886, %get3A_136 : vector<16xf32>
      %mul3A_926 = arith.mulf %sub3A_923, %sub3A_923 : vector<16xf32>
      %mul3A_927 = arith.mulf %sub3A_924, %sub3A_924 : vector<16xf32>
      %add3A_928 = arith.addf %mul3A_926, %mul3A_927 : vector<16xf32>
      %mul3A_929 = arith.mulf %sub3A_925, %sub3A_925 : vector<16xf32>
      %add3A_930 = arith.addf %add3A_928, %mul3A_929 : vector<16xf32>
      %lt3A_931 = arith.constant 0.00999999977 : f32
      %lt3A_932 = vector.broadcast %lt3A_931 : f32 to vector<16xf32>
      %lt3A_933 = arith.cmpf olt, %add3A_930, %lt3A_932 : vector<16xf32>
      %lt3A_934 = arith.constant 32 : i32
      %lt3A_935 = vector.broadcast %lt3A_934 : i32 to vector<16xi32>
      %lt3A_936 = arith.cmpi slt, %add3A_788, %lt3A_935 : vector<16xi32>
      %and3A_937 = arith.andi %lt3A_933, %lt3A_936 : vector<16xi1>
      %add3A_938 = arith.addi %mul3A_143, %add3A_788 : vector<16xi32>
      tpu.vector_store_idx %arg13[%add3A_938], %add3A_881 masked %and3A_937 : memref<4096xi32, #tpu.memory_space<vmem>>[vector<16xi32>], vector<16xi32>, vector<16xi1>
      %select_n3A_939 = arith.select %and3A_937, %broadcast_in_dim3A_74, %broadcast_in_dim3A_72 : vector<16xi1>, vector<16xi32>
      %add3A_940 = arith.addi %add3A_788, %select_n3A_939 : vector<16xi32>
      %sub3A_941 = arith.subf %gather3A_884, %get3A_151 : vector<16xf32>
      %sub3A_942 = arith.subf %gather3A_885, %get3A_155 : vector<16xf32>
      %sub3A_943 = arith.subf %gather3A_886, %get3A_159 : vector<16xf32>
      %mul3A_944 = arith.mulf %sub3A_941, %sub3A_941 : vector<16xf32>
      %mul3A_945 = arith.mulf %sub3A_942, %sub3A_942 : vector<16xf32>
      %add3A_946 = arith.addf %mul3A_944, %mul3A_945 : vector<16xf32>
      %mul3A_947 = arith.mulf %sub3A_943, %sub3A_943 : vector<16xf32>
      %add3A_948 = arith.addf %add3A_946, %mul3A_947 : vector<16xf32>
      %lt3A_949 = arith.constant 0.00999999977 : f32
      %lt3A_950 = vector.broadcast %lt3A_949 : f32 to vector<16xf32>
      %lt3A_951 = arith.cmpf olt, %add3A_948, %lt3A_950 : vector<16xf32>
      %lt3A_952 = arith.constant 32 : i32
      %lt3A_953 = vector.broadcast %lt3A_952 : i32 to vector<16xi32>
      %lt3A_954 = arith.cmpi slt, %add3A_806, %lt3A_953 : vector<16xi32>
      %and3A_955 = arith.andi %lt3A_951, %lt3A_954 : vector<16xi1>
      %add3A_956 = arith.addi %mul3A_166, %add3A_806 : vector<16xi32>
      tpu.vector_store_idx %arg13[%add3A_956], %add3A_881 masked %and3A_955 : memref<4096xi32, #tpu.memory_space<vmem>>[vector<16xi32>], vector<16xi32>, vector<16xi1>
      %select_n3A_957 = arith.select %and3A_955, %broadcast_in_dim3A_74, %broadcast_in_dim3A_72 : vector<16xi1>, vector<16xi32>
      %add3A_958 = arith.addi %add3A_806, %select_n3A_957 : vector<16xi32>
      %sub3A_959 = arith.subf %gather3A_884, %get3A_174 : vector<16xf32>
      %sub3A_960 = arith.subf %gather3A_885, %get3A_178 : vector<16xf32>
      %sub3A_961 = arith.subf %gather3A_886, %get3A_182 : vector<16xf32>
      %mul3A_962 = arith.mulf %sub3A_959, %sub3A_959 : vector<16xf32>
      %mul3A_963 = arith.mulf %sub3A_960, %sub3A_960 : vector<16xf32>
      %add3A_964 = arith.addf %mul3A_962, %mul3A_963 : vector<16xf32>
      %mul3A_965 = arith.mulf %sub3A_961, %sub3A_961 : vector<16xf32>
      %add3A_966 = arith.addf %add3A_964, %mul3A_965 : vector<16xf32>
      %lt3A_967 = arith.constant 0.00999999977 : f32
      %lt3A_968 = vector.broadcast %lt3A_967 : f32 to vector<16xf32>
      %lt3A_969 = arith.cmpf olt, %add3A_966, %lt3A_968 : vector<16xf32>
      %lt3A_970 = arith.constant 32 : i32
      %lt3A_971 = vector.broadcast %lt3A_970 : i32 to vector<16xi32>
      %lt3A_972 = arith.cmpi slt, %add3A_824, %lt3A_971 : vector<16xi32>
      %and3A_973 = arith.andi %lt3A_969, %lt3A_972 : vector<16xi1>
      %add3A_974 = arith.addi %mul3A_189, %add3A_824 : vector<16xi32>
      tpu.vector_store_idx %arg13[%add3A_974], %add3A_881 masked %and3A_973 : memref<4096xi32, #tpu.memory_space<vmem>>[vector<16xi32>], vector<16xi32>, vector<16xi1>
      %select_n3A_975 = arith.select %and3A_973, %broadcast_in_dim3A_74, %broadcast_in_dim3A_72 : vector<16xi1>, vector<16xi32>
      %add3A_976 = arith.addi %add3A_824, %select_n3A_975 : vector<16xi32>
      %sub3A_977 = arith.subf %gather3A_884, %get3A_197 : vector<16xf32>
      %sub3A_978 = arith.subf %gather3A_885, %get3A_201 : vector<16xf32>
      %sub3A_979 = arith.subf %gather3A_886, %get3A_205 : vector<16xf32>
      %mul3A_980 = arith.mulf %sub3A_977, %sub3A_977 : vector<16xf32>
      %mul3A_981 = arith.mulf %sub3A_978, %sub3A_978 : vector<16xf32>
      %add3A_982 = arith.addf %mul3A_980, %mul3A_981 : vector<16xf32>
      %mul3A_983 = arith.mulf %sub3A_979, %sub3A_979 : vector<16xf32>
      %add3A_984 = arith.addf %add3A_982, %mul3A_983 : vector<16xf32>
      %lt3A_985 = arith.constant 0.00999999977 : f32
      %lt3A_986 = vector.broadcast %lt3A_985 : f32 to vector<16xf32>
      %lt3A_987 = arith.cmpf olt, %add3A_984, %lt3A_986 : vector<16xf32>
      %lt3A_988 = arith.constant 32 : i32
      %lt3A_989 = vector.broadcast %lt3A_988 : i32 to vector<16xi32>
      %lt3A_990 = arith.cmpi slt, %add3A_842, %lt3A_989 : vector<16xi32>
      %and3A_991 = arith.andi %lt3A_987, %lt3A_990 : vector<16xi1>
      %add3A_992 = arith.addi %mul3A_212, %add3A_842 : vector<16xi32>
      tpu.vector_store_idx %arg13[%add3A_992], %add3A_881 masked %and3A_991 : memref<4096xi32, #tpu.memory_space<vmem>>[vector<16xi32>], vector<16xi32>, vector<16xi1>
      %select_n3A_993 = arith.select %and3A_991, %broadcast_in_dim3A_74, %broadcast_in_dim3A_72 : vector<16xi1>, vector<16xi32>
      %add3A_994 = arith.addi %add3A_842, %select_n3A_993 : vector<16xi32>
      %sub3A_995 = arith.subf %gather3A_884, %get3A_220 : vector<16xf32>
      %sub3A_996 = arith.subf %gather3A_885, %get3A_224 : vector<16xf32>
      %sub3A_997 = arith.subf %gather3A_886, %get3A_228 : vector<16xf32>
      %mul3A_998 = arith.mulf %sub3A_995, %sub3A_995 : vector<16xf32>
      %mul3A_999 = arith.mulf %sub3A_996, %sub3A_996 : vector<16xf32>
      %add3A_1000 = arith.addf %mul3A_998, %mul3A_999 : vector<16xf32>
      %mul3A_1001 = arith.mulf %sub3A_997, %sub3A_997 : vector<16xf32>
      %add3A_1002 = arith.addf %add3A_1000, %mul3A_1001 : vector<16xf32>
      %lt3A_1003 = arith.constant 0.00999999977 : f32
      %lt3A_1004 = vector.broadcast %lt3A_1003 : f32 to vector<16xf32>
      %lt3A_1005 = arith.cmpf olt, %add3A_1002, %lt3A_1004 : vector<16xf32>
      %lt3A_1006 = arith.constant 32 : i32
      %lt3A_1007 = vector.broadcast %lt3A_1006 : i32 to vector<16xi32>
      %lt3A_1008 = arith.cmpi slt, %add3A_860, %lt3A_1007 : vector<16xi32>
      %and3A_1009 = arith.andi %lt3A_1005, %lt3A_1008 : vector<16xi1>
      %add3A_1010 = arith.addi %mul3A_235, %add3A_860 : vector<16xi32>
      tpu.vector_store_idx %arg13[%add3A_1010], %add3A_881 masked %and3A_1009 : memref<4096xi32, #tpu.memory_space<vmem>>[vector<16xi32>], vector<16xi32>, vector<16xi1>
      %select_n3A_1011 = arith.select %and3A_1009, %broadcast_in_dim3A_74, %broadcast_in_dim3A_72 : vector<16xi1>, vector<16xi32>
      %add3A_1012 = arith.addi %add3A_860, %select_n3A_1011 : vector<16xi32>
      %sub3A_1013 = arith.subf %gather3A_884, %get3A_243 : vector<16xf32>
      %sub3A_1014 = arith.subf %gather3A_885, %get3A_247 : vector<16xf32>
      %sub3A_1015 = arith.subf %gather3A_886, %get3A_251 : vector<16xf32>
      %mul3A_1016 = arith.mulf %sub3A_1013, %sub3A_1013 : vector<16xf32>
      %mul3A_1017 = arith.mulf %sub3A_1014, %sub3A_1014 : vector<16xf32>
      %add3A_1018 = arith.addf %mul3A_1016, %mul3A_1017 : vector<16xf32>
      %mul3A_1019 = arith.mulf %sub3A_1015, %sub3A_1015 : vector<16xf32>
      %add3A_1020 = arith.addf %add3A_1018, %mul3A_1019 : vector<16xf32>
      %lt3A_1021 = arith.constant 0.00999999977 : f32
      %lt3A_1022 = vector.broadcast %lt3A_1021 : f32 to vector<16xf32>
      %lt3A_1023 = arith.cmpf olt, %add3A_1020, %lt3A_1022 : vector<16xf32>
      %lt3A_1024 = arith.constant 32 : i32
      %lt3A_1025 = vector.broadcast %lt3A_1024 : i32 to vector<16xi32>
      %lt3A_1026 = arith.cmpi slt, %add3A_878, %lt3A_1025 : vector<16xi32>
      %and3A_1027 = arith.andi %lt3A_1023, %lt3A_1026 : vector<16xi1>
      %add3A_1028 = arith.addi %mul3A_258, %add3A_878 : vector<16xi32>
      tpu.vector_store_idx %arg13[%add3A_1028], %add3A_881 masked %and3A_1027 : memref<4096xi32, #tpu.memory_space<vmem>>[vector<16xi32>], vector<16xi32>, vector<16xi1>
      %select_n3A_1029 = arith.select %and3A_1027, %broadcast_in_dim3A_74, %broadcast_in_dim3A_72 : vector<16xi1>, vector<16xi32>
      %add3A_1030 = arith.addi %add3A_878, %select_n3A_1029 : vector<16xi32>
      %add3A_1031 = arith.constant 1 : i32
      %add3A_1032 = vector.broadcast %add3A_1031 : i32 to vector<16xi32>
      %add3A_1033 = arith.addi %add3A_881, %add3A_1032 : vector<16xi32>
      scf.yield %add3A_1033, %add3A_904, %add3A_922, %add3A_940, %add3A_958, %add3A_976, %add3A_994, %add3A_1012, %add3A_1030 : vector<16xi32>, vector<16xi32>, vector<16xi32>, vector<16xi32>, vector<16xi32>, vector<16xi32>, vector<16xi32>, vector<16xi32>, vector<16xi32>
    }
    %scan3A_264 = arith.constant 8192 : i32
    %gt3A = arith.constant 0 : i32
    %gt3A_265 = vector.broadcast %gt3A : i32 to vector<16xi32>
    %gt3A_266 = arith.cmpi sgt, %scan3A_263#1, %gt3A_265 : vector<16xi32>
    %gather3A = tpu.vector_load_idx %arg13[%mul3A_97] : memref<4096xi32, #tpu.memory_space<vmem>>[vector<16xi32>], vector<16xi32>,
    %select_n3A_267 = arith.select %gt3A_266, %gather3A, %broadcast_in_dim3A_72 : vector<16xi1>, vector<16xi32>
    %scan3A_268 = arith.constant 0 : i32
    %scan3A_269 = arith.constant 0 : i32
    %scan3A_270 = arith.constant 32 : i32
    %scan3A_271 = arith.addi %scan3A_269, %scan3A_270 : i32
    %scan3A_272 = arith.constant 8 : i32
    %scan3A_273 = scf.for %scan3A_418 = %scan3A_269 to %scan3A_271 step %scan3A_272 iter_args(%scan3A_419 = %scan3A_268) -> (i32)  : i32 {
      %add3A_420 = vector.broadcast %scan3A_418 : i32 to vector<16xi32>
      %add3A_421 = arith.addi %mul3A_97, %add3A_420 : vector<16xi32>
      %le3A = vector.broadcast %scan3A_418 : i32 to vector<16xi32>
      %le3A_422 = arith.cmpi sle, %scan3A_263#1, %le3A : vector<16xi32>
      tpu.vector_store_idx %arg13[%add3A_421], %select_n3A_267 masked %le3A_422 : memref<4096xi32, #tpu.memory_space<vmem>>[vector<16xi32>], vector<16xi32>, vector<16xi1>
      %scan3A_423 = arith.constant 0 : i32
      %scan3A_424 = arith.constant 1 : i32
      %scan3A_425 = arith.addi %scan3A_418, %scan3A_424 : i32
      %add3A_426 = vector.broadcast %scan3A_425 : i32 to vector<16xi32>
      %add3A_427 = arith.addi %mul3A_97, %add3A_426 : vector<16xi32>
      %le3A_428 = vector.broadcast %scan3A_425 : i32 to vector<16xi32>
      %le3A_429 = arith.cmpi sle, %scan3A_263#1, %le3A_428 : vector<16xi32>
      tpu.vector_store_idx %arg13[%add3A_427], %select_n3A_267 masked %le3A_429 : memref<4096xi32, #tpu.memory_space<vmem>>[vector<16xi32>], vector<16xi32>, vector<16xi1>
      %scan3A_430 = arith.constant 0 : i32
      %scan3A_431 = arith.constant 2 : i32
      %scan3A_432 = arith.addi %scan3A_418, %scan3A_431 : i32
      %add3A_433 = vector.broadcast %scan3A_432 : i32 to vector<16xi32>
      %add3A_434 = arith.addi %mul3A_97, %add3A_433 : vector<16xi32>
      %le3A_435 = vector.broadcast %scan3A_432 : i32 to vector<16xi32>
      %le3A_436 = arith.cmpi sle, %scan3A_263#1, %le3A_435 : vector<16xi32>
      tpu.vector_store_idx %arg13[%add3A_434], %select_n3A_267 masked %le3A_436 : memref<4096xi32, #tpu.memory_space<vmem>>[vector<16xi32>], vector<16xi32>, vector<16xi1>
      %scan3A_437 = arith.constant 0 : i32
      %scan3A_438 = arith.constant 3 : i32
      %scan3A_439 = arith.addi %scan3A_418, %scan3A_438 : i32
      %add3A_440 = vector.broadcast %scan3A_439 : i32 to vector<16xi32>
      %add3A_441 = arith.addi %mul3A_97, %add3A_440 : vector<16xi32>
      %le3A_442 = vector.broadcast %scan3A_439 : i32 to vector<16xi32>
      %le3A_443 = arith.cmpi sle, %scan3A_263#1, %le3A_442 : vector<16xi32>
      tpu.vector_store_idx %arg13[%add3A_441], %select_n3A_267 masked %le3A_443 : memref<4096xi32, #tpu.memory_space<vmem>>[vector<16xi32>], vector<16xi32>, vector<16xi1>
      %scan3A_444 = arith.constant 0 : i32
      %scan3A_445 = arith.constant 4 : i32
      %scan3A_446 = arith.addi %scan3A_418, %scan3A_445 : i32
      %add3A_447 = vector.broadcast %scan3A_446 : i32 to vector<16xi32>
      %add3A_448 = arith.addi %mul3A_97, %add3A_447 : vector<16xi32>
      %le3A_449 = vector.broadcast %scan3A_446 : i32 to vector<16xi32>
      %le3A_450 = arith.cmpi sle, %scan3A_263#1, %le3A_449 : vector<16xi32>
      tpu.vector_store_idx %arg13[%add3A_448], %select_n3A_267 masked %le3A_450 : memref<4096xi32, #tpu.memory_space<vmem>>[vector<16xi32>], vector<16xi32>, vector<16xi1>
      %scan3A_451 = arith.constant 0 : i32
      %scan3A_452 = arith.constant 5 : i32
      %scan3A_453 = arith.addi %scan3A_418, %scan3A_452 : i32
      %add3A_454 = vector.broadcast %scan3A_453 : i32 to vector<16xi32>
      %add3A_455 = arith.addi %mul3A_97, %add3A_454 : vector<16xi32>
      %le3A_456 = vector.broadcast %scan3A_453 : i32 to vector<16xi32>
      %le3A_457 = arith.cmpi sle, %scan3A_263#1, %le3A_456 : vector<16xi32>
      tpu.vector_store_idx %arg13[%add3A_455], %select_n3A_267 masked %le3A_457 : memref<4096xi32, #tpu.memory_space<vmem>>[vector<16xi32>], vector<16xi32>, vector<16xi1>
      %scan3A_458 = arith.constant 0 : i32
      %scan3A_459 = arith.constant 6 : i32
      %scan3A_460 = arith.addi %scan3A_418, %scan3A_459 : i32
      %add3A_461 = vector.broadcast %scan3A_460 : i32 to vector<16xi32>
      %add3A_462 = arith.addi %mul3A_97, %add3A_461 : vector<16xi32>
      %le3A_463 = vector.broadcast %scan3A_460 : i32 to vector<16xi32>
      %le3A_464 = arith.cmpi sle, %scan3A_263#1, %le3A_463 : vector<16xi32>
      tpu.vector_store_idx %arg13[%add3A_462], %select_n3A_267 masked %le3A_464 : memref<4096xi32, #tpu.memory_space<vmem>>[vector<16xi32>], vector<16xi32>, vector<16xi1>
      %scan3A_465 = arith.constant 0 : i32
      %scan3A_466 = arith.constant 7 : i32
      %scan3A_467 = arith.addi %scan3A_418, %scan3A_466 : i32
      %add3A_468 = vector.broadcast %scan3A_467 : i32 to vector<16xi32>
      %add3A_469 = arith.addi %mul3A_97, %add3A_468 : vector<16xi32>
      %le3A_470 = vector.broadcast %scan3A_467 : i32 to vector<16xi32>
      %le3A_471 = arith.cmpi sle, %scan3A_263#1, %le3A_470 : vector<16xi32>
      tpu.vector_store_idx %arg13[%add3A_469], %select_n3A_267 masked %le3A_471 : memref<4096xi32, #tpu.memory_space<vmem>>[vector<16xi32>], vector<16xi32>, vector<16xi1>
      %scan3A_472 = arith.constant 0 : i32
      scf.yield %scan3A_472 : i32
    }
    %scan3A_274 = arith.constant 32 : i32
    %gt3A_275 = arith.constant 0 : i32
    %gt3A_276 = vector.broadcast %gt3A_275 : i32 to vector<16xi32>
    %gt3A_277 = arith.cmpi sgt, %scan3A_263#2, %gt3A_276 : vector<16xi32>
    %gather3A_278 = tpu.vector_load_idx %arg13[%mul3A_120] : memref<4096xi32, #tpu.memory_space<vmem>>[vector<16xi32>], vector<16xi32>,
    %select_n3A_279 = arith.select %gt3A_277, %gather3A_278, %broadcast_in_dim3A_72 : vector<16xi1>, vector<16xi32>
    %scan3A_280 = arith.constant 0 : i32
    %scan3A_281 = arith.constant 0 : i32
    %scan3A_282 = arith.constant 32 : i32
    %scan3A_283 = arith.addi %scan3A_281, %scan3A_282 : i32
    %scan3A_284 = arith.constant 8 : i32
    %scan3A_285 = scf.for %scan3A_418 = %scan3A_281 to %scan3A_283 step %scan3A_284 iter_args(%scan3A_419 = %scan3A_280) -> (i32)  : i32 {
      %add3A_420 = vector.broadcast %scan3A_418 : i32 to vector<16xi32>
      %add3A_421 = arith.addi %mul3A_120, %add3A_420 : vector<16xi32>
      %le3A = vector.broadcast %scan3A_418 : i32 to vector<16xi32>
      %le3A_422 = arith.cmpi sle, %scan3A_263#2, %le3A : vector<16xi32>
      tpu.vector_store_idx %arg13[%add3A_421], %select_n3A_279 masked %le3A_422 : memref<4096xi32, #tpu.memory_space<vmem>>[vector<16xi32>], vector<16xi32>, vector<16xi1>
      %scan3A_423 = arith.constant 0 : i32
      %scan3A_424 = arith.constant 1 : i32
      %scan3A_425 = arith.addi %scan3A_418, %scan3A_424 : i32
      %add3A_426 = vector.broadcast %scan3A_425 : i32 to vector<16xi32>
      %add3A_427 = arith.addi %mul3A_120, %add3A_426 : vector<16xi32>
      %le3A_428 = vector.broadcast %scan3A_425 : i32 to vector<16xi32>
      %le3A_429 = arith.cmpi sle, %scan3A_263#2, %le3A_428 : vector<16xi32>
      tpu.vector_store_idx %arg13[%add3A_427], %select_n3A_279 masked %le3A_429 : memref<4096xi32, #tpu.memory_space<vmem>>[vector<16xi32>], vector<16xi32>, vector<16xi1>
      %scan3A_430 = arith.constant 0 : i32
      %scan3A_431 = arith.constant 2 : i32
      %scan3A_432 = arith.addi %scan3A_418, %scan3A_431 : i32
      %add3A_433 = vector.broadcast %scan3A_432 : i32 to vector<16xi32>
      %add3A_434 = arith.addi %mul3A_120, %add3A_433 : vector<16xi32>
      %le3A_435 = vector.broadcast %scan3A_432 : i32 to vector<16xi32>
      %le3A_436 = arith.cmpi sle, %scan3A_263#2, %le3A_435 : vector<16xi32>
      tpu.vector_store_idx %arg13[%add3A_434], %select_n3A_279 masked %le3A_436 : memref<4096xi32, #tpu.memory_space<vmem>>[vector<16xi32>], vector<16xi32>, vector<16xi1>
      %scan3A_437 = arith.constant 0 : i32
      %scan3A_438 = arith.constant 3 : i32
      %scan3A_439 = arith.addi %scan3A_418, %scan3A_438 : i32
      %add3A_440 = vector.broadcast %scan3A_439 : i32 to vector<16xi32>
      %add3A_441 = arith.addi %mul3A_120, %add3A_440 : vector<16xi32>
      %le3A_442 = vector.broadcast %scan3A_439 : i32 to vector<16xi32>
      %le3A_443 = arith.cmpi sle, %scan3A_263#2, %le3A_442 : vector<16xi32>
      tpu.vector_store_idx %arg13[%add3A_441], %select_n3A_279 masked %le3A_443 : memref<4096xi32, #tpu.memory_space<vmem>>[vector<16xi32>], vector<16xi32>, vector<16xi1>
      %scan3A_444 = arith.constant 0 : i32
      %scan3A_445 = arith.constant 4 : i32
      %scan3A_446 = arith.addi %scan3A_418, %scan3A_445 : i32
      %add3A_447 = vector.broadcast %scan3A_446 : i32 to vector<16xi32>
      %add3A_448 = arith.addi %mul3A_120, %add3A_447 : vector<16xi32>
      %le3A_449 = vector.broadcast %scan3A_446 : i32 to vector<16xi32>
      %le3A_450 = arith.cmpi sle, %scan3A_263#2, %le3A_449 : vector<16xi32>
      tpu.vector_store_idx %arg13[%add3A_448], %select_n3A_279 masked %le3A_450 : memref<4096xi32, #tpu.memory_space<vmem>>[vector<16xi32>], vector<16xi32>, vector<16xi1>
      %scan3A_451 = arith.constant 0 : i32
      %scan3A_452 = arith.constant 5 : i32
      %scan3A_453 = arith.addi %scan3A_418, %scan3A_452 : i32
      %add3A_454 = vector.broadcast %scan3A_453 : i32 to vector<16xi32>
      %add3A_455 = arith.addi %mul3A_120, %add3A_454 : vector<16xi32>
      %le3A_456 = vector.broadcast %scan3A_453 : i32 to vector<16xi32>
      %le3A_457 = arith.cmpi sle, %scan3A_263#2, %le3A_456 : vector<16xi32>
      tpu.vector_store_idx %arg13[%add3A_455], %select_n3A_279 masked %le3A_457 : memref<4096xi32, #tpu.memory_space<vmem>>[vector<16xi32>], vector<16xi32>, vector<16xi1>
      %scan3A_458 = arith.constant 0 : i32
      %scan3A_459 = arith.constant 6 : i32
      %scan3A_460 = arith.addi %scan3A_418, %scan3A_459 : i32
      %add3A_461 = vector.broadcast %scan3A_460 : i32 to vector<16xi32>
      %add3A_462 = arith.addi %mul3A_120, %add3A_461 : vector<16xi32>
      %le3A_463 = vector.broadcast %scan3A_460 : i32 to vector<16xi32>
      %le3A_464 = arith.cmpi sle, %scan3A_263#2, %le3A_463 : vector<16xi32>
      tpu.vector_store_idx %arg13[%add3A_462], %select_n3A_279 masked %le3A_464 : memref<4096xi32, #tpu.memory_space<vmem>>[vector<16xi32>], vector<16xi32>, vector<16xi1>
      %scan3A_465 = arith.constant 0 : i32
      %scan3A_466 = arith.constant 7 : i32
      %scan3A_467 = arith.addi %scan3A_418, %scan3A_466 : i32
      %add3A_468 = vector.broadcast %scan3A_467 : i32 to vector<16xi32>
      %add3A_469 = arith.addi %mul3A_120, %add3A_468 : vector<16xi32>
      %le3A_470 = vector.broadcast %scan3A_467 : i32 to vector<16xi32>
      %le3A_471 = arith.cmpi sle, %scan3A_263#2, %le3A_470 : vector<16xi32>
      tpu.vector_store_idx %arg13[%add3A_469], %select_n3A_279 masked %le3A_471 : memref<4096xi32, #tpu.memory_space<vmem>>[vector<16xi32>], vector<16xi32>, vector<16xi1>
      %scan3A_472 = arith.constant 0 : i32
      scf.yield %scan3A_472 : i32
    }
    %scan3A_286 = arith.constant 32 : i32
    %gt3A_287 = arith.constant 0 : i32
    %gt3A_288 = vector.broadcast %gt3A_287 : i32 to vector<16xi32>
    %gt3A_289 = arith.cmpi sgt, %scan3A_263#3, %gt3A_288 : vector<16xi32>
    %gather3A_290 = tpu.vector_load_idx %arg13[%mul3A_143] : memref<4096xi32, #tpu.memory_space<vmem>>[vector<16xi32>], vector<16xi32>,
    %select_n3A_291 = arith.select %gt3A_289, %gather3A_290, %broadcast_in_dim3A_72 : vector<16xi1>, vector<16xi32>
    %scan3A_292 = arith.constant 0 : i32
    %scan3A_293 = arith.constant 0 : i32
    %scan3A_294 = arith.constant 32 : i32
    %scan3A_295 = arith.addi %scan3A_293, %scan3A_294 : i32
    %scan3A_296 = arith.constant 8 : i32
    %scan3A_297 = scf.for %scan3A_418 = %scan3A_293 to %scan3A_295 step %scan3A_296 iter_args(%scan3A_419 = %scan3A_292) -> (i32)  : i32 {
      %add3A_420 = vector.broadcast %scan3A_418 : i32 to vector<16xi32>
      %add3A_421 = arith.addi %mul3A_143, %add3A_420 : vector<16xi32>
      %le3A = vector.broadcast %scan3A_418 : i32 to vector<16xi32>
      %le3A_422 = arith.cmpi sle, %scan3A_263#3, %le3A : vector<16xi32>
      tpu.vector_store_idx %arg13[%add3A_421], %select_n3A_291 masked %le3A_422 : memref<4096xi32, #tpu.memory_space<vmem>>[vector<16xi32>], vector<16xi32>, vector<16xi1>
      %scan3A_423 = arith.constant 0 : i32
      %scan3A_424 = arith.constant 1 : i32
      %scan3A_425 = arith.addi %scan3A_418, %scan3A_424 : i32
      %add3A_426 = vector.broadcast %scan3A_425 : i32 to vector<16xi32>
      %add3A_427 = arith.addi %mul3A_143, %add3A_426 : vector<16xi32>
      %le3A_428 = vector.broadcast %scan3A_425 : i32 to vector<16xi32>
      %le3A_429 = arith.cmpi sle, %scan3A_263#3, %le3A_428 : vector<16xi32>
      tpu.vector_store_idx %arg13[%add3A_427], %select_n3A_291 masked %le3A_429 : memref<4096xi32, #tpu.memory_space<vmem>>[vector<16xi32>], vector<16xi32>, vector<16xi1>
      %scan3A_430 = arith.constant 0 : i32
      %scan3A_431 = arith.constant 2 : i32
      %scan3A_432 = arith.addi %scan3A_418, %scan3A_431 : i32
      %add3A_433 = vector.broadcast %scan3A_432 : i32 to vector<16xi32>
      %add3A_434 = arith.addi %mul3A_143, %add3A_433 : vector<16xi32>
      %le3A_435 = vector.broadcast %scan3A_432 : i32 to vector<16xi32>
      %le3A_436 = arith.cmpi sle, %scan3A_263#3, %le3A_435 : vector<16xi32>
      tpu.vector_store_idx %arg13[%add3A_434], %select_n3A_291 masked %le3A_436 : memref<4096xi32, #tpu.memory_space<vmem>>[vector<16xi32>], vector<16xi32>, vector<16xi1>
      %scan3A_437 = arith.constant 0 : i32
      %scan3A_438 = arith.constant 3 : i32
      %scan3A_439 = arith.addi %scan3A_418, %scan3A_438 : i32
      %add3A_440 = vector.broadcast %scan3A_439 : i32 to vector<16xi32>
      %add3A_441 = arith.addi %mul3A_143, %add3A_440 : vector<16xi32>
      %le3A_442 = vector.broadcast %scan3A_439 : i32 to vector<16xi32>
      %le3A_443 = arith.cmpi sle, %scan3A_263#3, %le3A_442 : vector<16xi32>
      tpu.vector_store_idx %arg13[%add3A_441], %select_n3A_291 masked %le3A_443 : memref<4096xi32, #tpu.memory_space<vmem>>[vector<16xi32>], vector<16xi32>, vector<16xi1>
      %scan3A_444 = arith.constant 0 : i32
      %scan3A_445 = arith.constant 4 : i32
      %scan3A_446 = arith.addi %scan3A_418, %scan3A_445 : i32
      %add3A_447 = vector.broadcast %scan3A_446 : i32 to vector<16xi32>
      %add3A_448 = arith.addi %mul3A_143, %add3A_447 : vector<16xi32>
      %le3A_449 = vector.broadcast %scan3A_446 : i32 to vector<16xi32>
      %le3A_450 = arith.cmpi sle, %scan3A_263#3, %le3A_449 : vector<16xi32>
      tpu.vector_store_idx %arg13[%add3A_448], %select_n3A_291 masked %le3A_450 : memref<4096xi32, #tpu.memory_space<vmem>>[vector<16xi32>], vector<16xi32>, vector<16xi1>
      %scan3A_451 = arith.constant 0 : i32
      %scan3A_452 = arith.constant 5 : i32
      %scan3A_453 = arith.addi %scan3A_418, %scan3A_452 : i32
      %add3A_454 = vector.broadcast %scan3A_453 : i32 to vector<16xi32>
      %add3A_455 = arith.addi %mul3A_143, %add3A_454 : vector<16xi32>
      %le3A_456 = vector.broadcast %scan3A_453 : i32 to vector<16xi32>
      %le3A_457 = arith.cmpi sle, %scan3A_263#3, %le3A_456 : vector<16xi32>
      tpu.vector_store_idx %arg13[%add3A_455], %select_n3A_291 masked %le3A_457 : memref<4096xi32, #tpu.memory_space<vmem>>[vector<16xi32>], vector<16xi32>, vector<16xi1>
      %scan3A_458 = arith.constant 0 : i32
      %scan3A_459 = arith.constant 6 : i32
      %scan3A_460 = arith.addi %scan3A_418, %scan3A_459 : i32
      %add3A_461 = vector.broadcast %scan3A_460 : i32 to vector<16xi32>
      %add3A_462 = arith.addi %mul3A_143, %add3A_461 : vector<16xi32>
      %le3A_463 = vector.broadcast %scan3A_460 : i32 to vector<16xi32>
      %le3A_464 = arith.cmpi sle, %scan3A_263#3, %le3A_463 : vector<16xi32>
      tpu.vector_store_idx %arg13[%add3A_462], %select_n3A_291 masked %le3A_464 : memref<4096xi32, #tpu.memory_space<vmem>>[vector<16xi32>], vector<16xi32>, vector<16xi1>
      %scan3A_465 = arith.constant 0 : i32
      %scan3A_466 = arith.constant 7 : i32
      %scan3A_467 = arith.addi %scan3A_418, %scan3A_466 : i32
      %add3A_468 = vector.broadcast %scan3A_467 : i32 to vector<16xi32>
      %add3A_469 = arith.addi %mul3A_143, %add3A_468 : vector<16xi32>
      %le3A_470 = vector.broadcast %scan3A_467 : i32 to vector<16xi32>
      %le3A_471 = arith.cmpi sle, %scan3A_263#3, %le3A_470 : vector<16xi32>
      tpu.vector_store_idx %arg13[%add3A_469], %select_n3A_291 masked %le3A_471 : memref<4096xi32, #tpu.memory_space<vmem>>[vector<16xi32>], vector<16xi32>, vector<16xi1>
      %scan3A_472 = arith.constant 0 : i32
      scf.yield %scan3A_472 : i32
    }
    %scan3A_298 = arith.constant 32 : i32
    %gt3A_299 = arith.constant 0 : i32
    %gt3A_300 = vector.broadcast %gt3A_299 : i32 to vector<16xi32>
    %gt3A_301 = arith.cmpi sgt, %scan3A_263#4, %gt3A_300 : vector<16xi32>
    %gather3A_302 = tpu.vector_load_idx %arg13[%mul3A_166] : memref<4096xi32, #tpu.memory_space<vmem>>[vector<16xi32>], vector<16xi32>,
    %select_n3A_303 = arith.select %gt3A_301, %gather3A_302, %broadcast_in_dim3A_72 : vector<16xi1>, vector<16xi32>
    %scan3A_304 = arith.constant 0 : i32
    %scan3A_305 = arith.constant 0 : i32
    %scan3A_306 = arith.constant 32 : i32
    %scan3A_307 = arith.addi %scan3A_305, %scan3A_306 : i32
    %scan3A_308 = arith.constant 8 : i32
    %scan3A_309 = scf.for %scan3A_418 = %scan3A_305 to %scan3A_307 step %scan3A_308 iter_args(%scan3A_419 = %scan3A_304) -> (i32)  : i32 {
      %add3A_420 = vector.broadcast %scan3A_418 : i32 to vector<16xi32>
      %add3A_421 = arith.addi %mul3A_166, %add3A_420 : vector<16xi32>
      %le3A = vector.broadcast %scan3A_418 : i32 to vector<16xi32>
      %le3A_422 = arith.cmpi sle, %scan3A_263#4, %le3A : vector<16xi32>
      tpu.vector_store_idx %arg13[%add3A_421], %select_n3A_303 masked %le3A_422 : memref<4096xi32, #tpu.memory_space<vmem>>[vector<16xi32>], vector<16xi32>, vector<16xi1>
      %scan3A_423 = arith.constant 0 : i32
      %scan3A_424 = arith.constant 1 : i32
      %scan3A_425 = arith.addi %scan3A_418, %scan3A_424 : i32
      %add3A_426 = vector.broadcast %scan3A_425 : i32 to vector<16xi32>
      %add3A_427 = arith.addi %mul3A_166, %add3A_426 : vector<16xi32>
      %le3A_428 = vector.broadcast %scan3A_425 : i32 to vector<16xi32>
      %le3A_429 = arith.cmpi sle, %scan3A_263#4, %le3A_428 : vector<16xi32>
      tpu.vector_store_idx %arg13[%add3A_427], %select_n3A_303 masked %le3A_429 : memref<4096xi32, #tpu.memory_space<vmem>>[vector<16xi32>], vector<16xi32>, vector<16xi1>
      %scan3A_430 = arith.constant 0 : i32
      %scan3A_431 = arith.constant 2 : i32
      %scan3A_432 = arith.addi %scan3A_418, %scan3A_431 : i32
      %add3A_433 = vector.broadcast %scan3A_432 : i32 to vector<16xi32>
      %add3A_434 = arith.addi %mul3A_166, %add3A_433 : vector<16xi32>
      %le3A_435 = vector.broadcast %scan3A_432 : i32 to vector<16xi32>
      %le3A_436 = arith.cmpi sle, %scan3A_263#4, %le3A_435 : vector<16xi32>
      tpu.vector_store_idx %arg13[%add3A_434], %select_n3A_303 masked %le3A_436 : memref<4096xi32, #tpu.memory_space<vmem>>[vector<16xi32>], vector<16xi32>, vector<16xi1>
      %scan3A_437 = arith.constant 0 : i32
      %scan3A_438 = arith.constant 3 : i32
      %scan3A_439 = arith.addi %scan3A_418, %scan3A_438 : i32
      %add3A_440 = vector.broadcast %scan3A_439 : i32 to vector<16xi32>
      %add3A_441 = arith.addi %mul3A_166, %add3A_440 : vector<16xi32>
      %le3A_442 = vector.broadcast %scan3A_439 : i32 to vector<16xi32>
      %le3A_443 = arith.cmpi sle, %scan3A_263#4, %le3A_442 : vector<16xi32>
      tpu.vector_store_idx %arg13[%add3A_441], %select_n3A_303 masked %le3A_443 : memref<4096xi32, #tpu.memory_space<vmem>>[vector<16xi32>], vector<16xi32>, vector<16xi1>
      %scan3A_444 = arith.constant 0 : i32
      %scan3A_445 = arith.constant 4 : i32
      %scan3A_446 = arith.addi %scan3A_418, %scan3A_445 : i32
      %add3A_447 = vector.broadcast %scan3A_446 : i32 to vector<16xi32>
      %add3A_448 = arith.addi %mul3A_166, %add3A_447 : vector<16xi32>
      %le3A_449 = vector.broadcast %scan3A_446 : i32 to vector<16xi32>
      %le3A_450 = arith.cmpi sle, %scan3A_263#4, %le3A_449 : vector<16xi32>
      tpu.vector_store_idx %arg13[%add3A_448], %select_n3A_303 masked %le3A_450 : memref<4096xi32, #tpu.memory_space<vmem>>[vector<16xi32>], vector<16xi32>, vector<16xi1>
      %scan3A_451 = arith.constant 0 : i32
      %scan3A_452 = arith.constant 5 : i32
      %scan3A_453 = arith.addi %scan3A_418, %scan3A_452 : i32
      %add3A_454 = vector.broadcast %scan3A_453 : i32 to vector<16xi32>
      %add3A_455 = arith.addi %mul3A_166, %add3A_454 : vector<16xi32>
      %le3A_456 = vector.broadcast %scan3A_453 : i32 to vector<16xi32>
      %le3A_457 = arith.cmpi sle, %scan3A_263#4, %le3A_456 : vector<16xi32>
      tpu.vector_store_idx %arg13[%add3A_455], %select_n3A_303 masked %le3A_457 : memref<4096xi32, #tpu.memory_space<vmem>>[vector<16xi32>], vector<16xi32>, vector<16xi1>
      %scan3A_458 = arith.constant 0 : i32
      %scan3A_459 = arith.constant 6 : i32
      %scan3A_460 = arith.addi %scan3A_418, %scan3A_459 : i32
      %add3A_461 = vector.broadcast %scan3A_460 : i32 to vector<16xi32>
      %add3A_462 = arith.addi %mul3A_166, %add3A_461 : vector<16xi32>
      %le3A_463 = vector.broadcast %scan3A_460 : i32 to vector<16xi32>
      %le3A_464 = arith.cmpi sle, %scan3A_263#4, %le3A_463 : vector<16xi32>
      tpu.vector_store_idx %arg13[%add3A_462], %select_n3A_303 masked %le3A_464 : memref<4096xi32, #tpu.memory_space<vmem>>[vector<16xi32>], vector<16xi32>, vector<16xi1>
      %scan3A_465 = arith.constant 0 : i32
      %scan3A_466 = arith.constant 7 : i32
      %scan3A_467 = arith.addi %scan3A_418, %scan3A_466 : i32
      %add3A_468 = vector.broadcast %scan3A_467 : i32 to vector<16xi32>
      %add3A_469 = arith.addi %mul3A_166, %add3A_468 : vector<16xi32>
      %le3A_470 = vector.broadcast %scan3A_467 : i32 to vector<16xi32>
      %le3A_471 = arith.cmpi sle, %scan3A_263#4, %le3A_470 : vector<16xi32>
      tpu.vector_store_idx %arg13[%add3A_469], %select_n3A_303 masked %le3A_471 : memref<4096xi32, #tpu.memory_space<vmem>>[vector<16xi32>], vector<16xi32>, vector<16xi1>
      %scan3A_472 = arith.constant 0 : i32
      scf.yield %scan3A_472 : i32
    }
    %scan3A_310 = arith.constant 32 : i32
    %gt3A_311 = arith.constant 0 : i32
    %gt3A_312 = vector.broadcast %gt3A_311 : i32 to vector<16xi32>
    %gt3A_313 = arith.cmpi sgt, %scan3A_263#5, %gt3A_312 : vector<16xi32>
    %gather3A_314 = tpu.vector_load_idx %arg13[%mul3A_189] : memref<4096xi32, #tpu.memory_space<vmem>>[vector<16xi32>], vector<16xi32>,
    %select_n3A_315 = arith.select %gt3A_313, %gather3A_314, %broadcast_in_dim3A_72 : vector<16xi1>, vector<16xi32>
    %scan3A_316 = arith.constant 0 : i32
    %scan3A_317 = arith.constant 0 : i32
    %scan3A_318 = arith.constant 32 : i32
    %scan3A_319 = arith.addi %scan3A_317, %scan3A_318 : i32
    %scan3A_320 = arith.constant 8 : i32
    %scan3A_321 = scf.for %scan3A_418 = %scan3A_317 to %scan3A_319 step %scan3A_320 iter_args(%scan3A_419 = %scan3A_316) -> (i32)  : i32 {
      %add3A_420 = vector.broadcast %scan3A_418 : i32 to vector<16xi32>
      %add3A_421 = arith.addi %mul3A_189, %add3A_420 : vector<16xi32>
      %le3A = vector.broadcast %scan3A_418 : i32 to vector<16xi32>
      %le3A_422 = arith.cmpi sle, %scan3A_263#5, %le3A : vector<16xi32>
      tpu.vector_store_idx %arg13[%add3A_421], %select_n3A_315 masked %le3A_422 : memref<4096xi32, #tpu.memory_space<vmem>>[vector<16xi32>], vector<16xi32>, vector<16xi1>
      %scan3A_423 = arith.constant 0 : i32
      %scan3A_424 = arith.constant 1 : i32
      %scan3A_425 = arith.addi %scan3A_418, %scan3A_424 : i32
      %add3A_426 = vector.broadcast %scan3A_425 : i32 to vector<16xi32>
      %add3A_427 = arith.addi %mul3A_189, %add3A_426 : vector<16xi32>
      %le3A_428 = vector.broadcast %scan3A_425 : i32 to vector<16xi32>
      %le3A_429 = arith.cmpi sle, %scan3A_263#5, %le3A_428 : vector<16xi32>
      tpu.vector_store_idx %arg13[%add3A_427], %select_n3A_315 masked %le3A_429 : memref<4096xi32, #tpu.memory_space<vmem>>[vector<16xi32>], vector<16xi32>, vector<16xi1>
      %scan3A_430 = arith.constant 0 : i32
      %scan3A_431 = arith.constant 2 : i32
      %scan3A_432 = arith.addi %scan3A_418, %scan3A_431 : i32
      %add3A_433 = vector.broadcast %scan3A_432 : i32 to vector<16xi32>
      %add3A_434 = arith.addi %mul3A_189, %add3A_433 : vector<16xi32>
      %le3A_435 = vector.broadcast %scan3A_432 : i32 to vector<16xi32>
      %le3A_436 = arith.cmpi sle, %scan3A_263#5, %le3A_435 : vector<16xi32>
      tpu.vector_store_idx %arg13[%add3A_434], %select_n3A_315 masked %le3A_436 : memref<4096xi32, #tpu.memory_space<vmem>>[vector<16xi32>], vector<16xi32>, vector<16xi1>
      %scan3A_437 = arith.constant 0 : i32
      %scan3A_438 = arith.constant 3 : i32
      %scan3A_439 = arith.addi %scan3A_418, %scan3A_438 : i32
      %add3A_440 = vector.broadcast %scan3A_439 : i32 to vector<16xi32>
      %add3A_441 = arith.addi %mul3A_189, %add3A_440 : vector<16xi32>
      %le3A_442 = vector.broadcast %scan3A_439 : i32 to vector<16xi32>
      %le3A_443 = arith.cmpi sle, %scan3A_263#5, %le3A_442 : vector<16xi32>
      tpu.vector_store_idx %arg13[%add3A_441], %select_n3A_315 masked %le3A_443 : memref<4096xi32, #tpu.memory_space<vmem>>[vector<16xi32>], vector<16xi32>, vector<16xi1>
      %scan3A_444 = arith.constant 0 : i32
      %scan3A_445 = arith.constant 4 : i32
      %scan3A_446 = arith.addi %scan3A_418, %scan3A_445 : i32
      %add3A_447 = vector.broadcast %scan3A_446 : i32 to vector<16xi32>
      %add3A_448 = arith.addi %mul3A_189, %add3A_447 : vector<16xi32>
      %le3A_449 = vector.broadcast %scan3A_446 : i32 to vector<16xi32>
      %le3A_450 = arith.cmpi sle, %scan3A_263#5, %le3A_449 : vector<16xi32>
      tpu.vector_store_idx %arg13[%add3A_448], %select_n3A_315 masked %le3A_450 : memref<4096xi32, #tpu.memory_space<vmem>>[vector<16xi32>], vector<16xi32>, vector<16xi1>
      %scan3A_451 = arith.constant 0 : i32
      %scan3A_452 = arith.constant 5 : i32
      %scan3A_453 = arith.addi %scan3A_418, %scan3A_452 : i32
      %add3A_454 = vector.broadcast %scan3A_453 : i32 to vector<16xi32>
      %add3A_455 = arith.addi %mul3A_189, %add3A_454 : vector<16xi32>
      %le3A_456 = vector.broadcast %scan3A_453 : i32 to vector<16xi32>
      %le3A_457 = arith.cmpi sle, %scan3A_263#5, %le3A_456 : vector<16xi32>
      tpu.vector_store_idx %arg13[%add3A_455], %select_n3A_315 masked %le3A_457 : memref<4096xi32, #tpu.memory_space<vmem>>[vector<16xi32>], vector<16xi32>, vector<16xi1>
      %scan3A_458 = arith.constant 0 : i32
      %scan3A_459 = arith.constant 6 : i32
      %scan3A_460 = arith.addi %scan3A_418, %scan3A_459 : i32
      %add3A_461 = vector.broadcast %scan3A_460 : i32 to vector<16xi32>
      %add3A_462 = arith.addi %mul3A_189, %add3A_461 : vector<16xi32>
      %le3A_463 = vector.broadcast %scan3A_460 : i32 to vector<16xi32>
      %le3A_464 = arith.cmpi sle, %scan3A_263#5, %le3A_463 : vector<16xi32>
      tpu.vector_store_idx %arg13[%add3A_462], %select_n3A_315 masked %le3A_464 : memref<4096xi32, #tpu.memory_space<vmem>>[vector<16xi32>], vector<16xi32>, vector<16xi1>
      %scan3A_465 = arith.constant 0 : i32
      %scan3A_466 = arith.constant 7 : i32
      %scan3A_467 = arith.addi %scan3A_418, %scan3A_466 : i32
      %add3A_468 = vector.broadcast %scan3A_467 : i32 to vector<16xi32>
      %add3A_469 = arith.addi %mul3A_189, %add3A_468 : vector<16xi32>
      %le3A_470 = vector.broadcast %scan3A_467 : i32 to vector<16xi32>
      %le3A_471 = arith.cmpi sle, %scan3A_263#5, %le3A_470 : vector<16xi32>
      tpu.vector_store_idx %arg13[%add3A_469], %select_n3A_315 masked %le3A_471 : memref<4096xi32, #tpu.memory_space<vmem>>[vector<16xi32>], vector<16xi32>, vector<16xi1>
      %scan3A_472 = arith.constant 0 : i32
      scf.yield %scan3A_472 : i32
    }
    %scan3A_322 = arith.constant 32 : i32
    %gt3A_323 = arith.constant 0 : i32
    %gt3A_324 = vector.broadcast %gt3A_323 : i32 to vector<16xi32>
    %gt3A_325 = arith.cmpi sgt, %scan3A_263#6, %gt3A_324 : vector<16xi32>
    %gather3A_326 = tpu.vector_load_idx %arg13[%mul3A_212] : memref<4096xi32, #tpu.memory_space<vmem>>[vector<16xi32>], vector<16xi32>,
    %select_n3A_327 = arith.select %gt3A_325, %gather3A_326, %broadcast_in_dim3A_72 : vector<16xi1>, vector<16xi32>
    %scan3A_328 = arith.constant 0 : i32
    %scan3A_329 = arith.constant 0 : i32
    %scan3A_330 = arith.constant 32 : i32
    %scan3A_331 = arith.addi %scan3A_329, %scan3A_330 : i32
    %scan3A_332 = arith.constant 8 : i32
    %scan3A_333 = scf.for %scan3A_418 = %scan3A_329 to %scan3A_331 step %scan3A_332 iter_args(%scan3A_419 = %scan3A_328) -> (i32)  : i32 {
      %add3A_420 = vector.broadcast %scan3A_418 : i32 to vector<16xi32>
      %add3A_421 = arith.addi %mul3A_212, %add3A_420 : vector<16xi32>
      %le3A = vector.broadcast %scan3A_418 : i32 to vector<16xi32>
      %le3A_422 = arith.cmpi sle, %scan3A_263#6, %le3A : vector<16xi32>
      tpu.vector_store_idx %arg13[%add3A_421], %select_n3A_327 masked %le3A_422 : memref<4096xi32, #tpu.memory_space<vmem>>[vector<16xi32>], vector<16xi32>, vector<16xi1>
      %scan3A_423 = arith.constant 0 : i32
      %scan3A_424 = arith.constant 1 : i32
      %scan3A_425 = arith.addi %scan3A_418, %scan3A_424 : i32
      %add3A_426 = vector.broadcast %scan3A_425 : i32 to vector<16xi32>
      %add3A_427 = arith.addi %mul3A_212, %add3A_426 : vector<16xi32>
      %le3A_428 = vector.broadcast %scan3A_425 : i32 to vector<16xi32>
      %le3A_429 = arith.cmpi sle, %scan3A_263#6, %le3A_428 : vector<16xi32>
      tpu.vector_store_idx %arg13[%add3A_427], %select_n3A_327 masked %le3A_429 : memref<4096xi32, #tpu.memory_space<vmem>>[vector<16xi32>], vector<16xi32>, vector<16xi1>
      %scan3A_430 = arith.constant 0 : i32
      %scan3A_431 = arith.constant 2 : i32
      %scan3A_432 = arith.addi %scan3A_418, %scan3A_431 : i32
      %add3A_433 = vector.broadcast %scan3A_432 : i32 to vector<16xi32>
      %add3A_434 = arith.addi %mul3A_212, %add3A_433 : vector<16xi32>
      %le3A_435 = vector.broadcast %scan3A_432 : i32 to vector<16xi32>
      %le3A_436 = arith.cmpi sle, %scan3A_263#6, %le3A_435 : vector<16xi32>
      tpu.vector_store_idx %arg13[%add3A_434], %select_n3A_327 masked %le3A_436 : memref<4096xi32, #tpu.memory_space<vmem>>[vector<16xi32>], vector<16xi32>, vector<16xi1>
      %scan3A_437 = arith.constant 0 : i32
      %scan3A_438 = arith.constant 3 : i32
      %scan3A_439 = arith.addi %scan3A_418, %scan3A_438 : i32
      %add3A_440 = vector.broadcast %scan3A_439 : i32 to vector<16xi32>
      %add3A_441 = arith.addi %mul3A_212, %add3A_440 : vector<16xi32>
      %le3A_442 = vector.broadcast %scan3A_439 : i32 to vector<16xi32>
      %le3A_443 = arith.cmpi sle, %scan3A_263#6, %le3A_442 : vector<16xi32>
      tpu.vector_store_idx %arg13[%add3A_441], %select_n3A_327 masked %le3A_443 : memref<4096xi32, #tpu.memory_space<vmem>>[vector<16xi32>], vector<16xi32>, vector<16xi1>
      %scan3A_444 = arith.constant 0 : i32
      %scan3A_445 = arith.constant 4 : i32
      %scan3A_446 = arith.addi %scan3A_418, %scan3A_445 : i32
      %add3A_447 = vector.broadcast %scan3A_446 : i32 to vector<16xi32>
      %add3A_448 = arith.addi %mul3A_212, %add3A_447 : vector<16xi32>
      %le3A_449 = vector.broadcast %scan3A_446 : i32 to vector<16xi32>
      %le3A_450 = arith.cmpi sle, %scan3A_263#6, %le3A_449 : vector<16xi32>
      tpu.vector_store_idx %arg13[%add3A_448], %select_n3A_327 masked %le3A_450 : memref<4096xi32, #tpu.memory_space<vmem>>[vector<16xi32>], vector<16xi32>, vector<16xi1>
      %scan3A_451 = arith.constant 0 : i32
      %scan3A_452 = arith.constant 5 : i32
      %scan3A_453 = arith.addi %scan3A_418, %scan3A_452 : i32
      %add3A_454 = vector.broadcast %scan3A_453 : i32 to vector<16xi32>
      %add3A_455 = arith.addi %mul3A_212, %add3A_454 : vector<16xi32>
      %le3A_456 = vector.broadcast %scan3A_453 : i32 to vector<16xi32>
      %le3A_457 = arith.cmpi sle, %scan3A_263#6, %le3A_456 : vector<16xi32>
      tpu.vector_store_idx %arg13[%add3A_455], %select_n3A_327 masked %le3A_457 : memref<4096xi32, #tpu.memory_space<vmem>>[vector<16xi32>], vector<16xi32>, vector<16xi1>
      %scan3A_458 = arith.constant 0 : i32
      %scan3A_459 = arith.constant 6 : i32
      %scan3A_460 = arith.addi %scan3A_418, %scan3A_459 : i32
      %add3A_461 = vector.broadcast %scan3A_460 : i32 to vector<16xi32>
      %add3A_462 = arith.addi %mul3A_212, %add3A_461 : vector<16xi32>
      %le3A_463 = vector.broadcast %scan3A_460 : i32 to vector<16xi32>
      %le3A_464 = arith.cmpi sle, %scan3A_263#6, %le3A_463 : vector<16xi32>
      tpu.vector_store_idx %arg13[%add3A_462], %select_n3A_327 masked %le3A_464 : memref<4096xi32, #tpu.memory_space<vmem>>[vector<16xi32>], vector<16xi32>, vector<16xi1>
      %scan3A_465 = arith.constant 0 : i32
      %scan3A_466 = arith.constant 7 : i32
      %scan3A_467 = arith.addi %scan3A_418, %scan3A_466 : i32
      %add3A_468 = vector.broadcast %scan3A_467 : i32 to vector<16xi32>
      %add3A_469 = arith.addi %mul3A_212, %add3A_468 : vector<16xi32>
      %le3A_470 = vector.broadcast %scan3A_467 : i32 to vector<16xi32>
      %le3A_471 = arith.cmpi sle, %scan3A_263#6, %le3A_470 : vector<16xi32>
      tpu.vector_store_idx %arg13[%add3A_469], %select_n3A_327 masked %le3A_471 : memref<4096xi32, #tpu.memory_space<vmem>>[vector<16xi32>], vector<16xi32>, vector<16xi1>
      %scan3A_472 = arith.constant 0 : i32
      scf.yield %scan3A_472 : i32
    }
    %scan3A_334 = arith.constant 32 : i32
    %gt3A_335 = arith.constant 0 : i32
    %gt3A_336 = vector.broadcast %gt3A_335 : i32 to vector<16xi32>
    %gt3A_337 = arith.cmpi sgt, %scan3A_263#7, %gt3A_336 : vector<16xi32>
    %gather3A_338 = tpu.vector_load_idx %arg13[%mul3A_235] : memref<4096xi32, #tpu.memory_space<vmem>>[vector<16xi32>], vector<16xi32>,
    %select_n3A_339 = arith.select %gt3A_337, %gather3A_338, %broadcast_in_dim3A_72 : vector<16xi1>, vector<16xi32>
    %scan3A_340 = arith.constant 0 : i32
    %scan3A_341 = arith.constant 0 : i32
    %scan3A_342 = arith.constant 32 : i32
    %scan3A_343 = arith.addi %scan3A_341, %scan3A_342 : i32
    %scan3A_344 = arith.constant 8 : i32
    %scan3A_345 = scf.for %scan3A_418 = %scan3A_341 to %scan3A_343 step %scan3A_344 iter_args(%scan3A_419 = %scan3A_340) -> (i32)  : i32 {
      %add3A_420 = vector.broadcast %scan3A_418 : i32 to vector<16xi32>
      %add3A_421 = arith.addi %mul3A_235, %add3A_420 : vector<16xi32>
      %le3A = vector.broadcast %scan3A_418 : i32 to vector<16xi32>
      %le3A_422 = arith.cmpi sle, %scan3A_263#7, %le3A : vector<16xi32>
      tpu.vector_store_idx %arg13[%add3A_421], %select_n3A_339 masked %le3A_422 : memref<4096xi32, #tpu.memory_space<vmem>>[vector<16xi32>], vector<16xi32>, vector<16xi1>
      %scan3A_423 = arith.constant 0 : i32
      %scan3A_424 = arith.constant 1 : i32
      %scan3A_425 = arith.addi %scan3A_418, %scan3A_424 : i32
      %add3A_426 = vector.broadcast %scan3A_425 : i32 to vector<16xi32>
      %add3A_427 = arith.addi %mul3A_235, %add3A_426 : vector<16xi32>
      %le3A_428 = vector.broadcast %scan3A_425 : i32 to vector<16xi32>
      %le3A_429 = arith.cmpi sle, %scan3A_263#7, %le3A_428 : vector<16xi32>
      tpu.vector_store_idx %arg13[%add3A_427], %select_n3A_339 masked %le3A_429 : memref<4096xi32, #tpu.memory_space<vmem>>[vector<16xi32>], vector<16xi32>, vector<16xi1>
      %scan3A_430 = arith.constant 0 : i32
      %scan3A_431 = arith.constant 2 : i32
      %scan3A_432 = arith.addi %scan3A_418, %scan3A_431 : i32
      %add3A_433 = vector.broadcast %scan3A_432 : i32 to vector<16xi32>
      %add3A_434 = arith.addi %mul3A_235, %add3A_433 : vector<16xi32>
      %le3A_435 = vector.broadcast %scan3A_432 : i32 to vector<16xi32>
      %le3A_436 = arith.cmpi sle, %scan3A_263#7, %le3A_435 : vector<16xi32>
      tpu.vector_store_idx %arg13[%add3A_434], %select_n3A_339 masked %le3A_436 : memref<4096xi32, #tpu.memory_space<vmem>>[vector<16xi32>], vector<16xi32>, vector<16xi1>
      %scan3A_437 = arith.constant 0 : i32
      %scan3A_438 = arith.constant 3 : i32
      %scan3A_439 = arith.addi %scan3A_418, %scan3A_438 : i32
      %add3A_440 = vector.broadcast %scan3A_439 : i32 to vector<16xi32>
      %add3A_441 = arith.addi %mul3A_235, %add3A_440 : vector<16xi32>
      %le3A_442 = vector.broadcast %scan3A_439 : i32 to vector<16xi32>
      %le3A_443 = arith.cmpi sle, %scan3A_263#7, %le3A_442 : vector<16xi32>
      tpu.vector_store_idx %arg13[%add3A_441], %select_n3A_339 masked %le3A_443 : memref<4096xi32, #tpu.memory_space<vmem>>[vector<16xi32>], vector<16xi32>, vector<16xi1>
      %scan3A_444 = arith.constant 0 : i32
      %scan3A_445 = arith.constant 4 : i32
      %scan3A_446 = arith.addi %scan3A_418, %scan3A_445 : i32
      %add3A_447 = vector.broadcast %scan3A_446 : i32 to vector<16xi32>
      %add3A_448 = arith.addi %mul3A_235, %add3A_447 : vector<16xi32>
      %le3A_449 = vector.broadcast %scan3A_446 : i32 to vector<16xi32>
      %le3A_450 = arith.cmpi sle, %scan3A_263#7, %le3A_449 : vector<16xi32>
      tpu.vector_store_idx %arg13[%add3A_448], %select_n3A_339 masked %le3A_450 : memref<4096xi32, #tpu.memory_space<vmem>>[vector<16xi32>], vector<16xi32>, vector<16xi1>
      %scan3A_451 = arith.constant 0 : i32
      %scan3A_452 = arith.constant 5 : i32
      %scan3A_453 = arith.addi %scan3A_418, %scan3A_452 : i32
      %add3A_454 = vector.broadcast %scan3A_453 : i32 to vector<16xi32>
      %add3A_455 = arith.addi %mul3A_235, %add3A_454 : vector<16xi32>
      %le3A_456 = vector.broadcast %scan3A_453 : i32 to vector<16xi32>
      %le3A_457 = arith.cmpi sle, %scan3A_263#7, %le3A_456 : vector<16xi32>
      tpu.vector_store_idx %arg13[%add3A_455], %select_n3A_339 masked %le3A_457 : memref<4096xi32, #tpu.memory_space<vmem>>[vector<16xi32>], vector<16xi32>, vector<16xi1>
      %scan3A_458 = arith.constant 0 : i32
      %scan3A_459 = arith.constant 6 : i32
      %scan3A_460 = arith.addi %scan3A_418, %scan3A_459 : i32
      %add3A_461 = vector.broadcast %scan3A_460 : i32 to vector<16xi32>
      %add3A_462 = arith.addi %mul3A_235, %add3A_461 : vector<16xi32>
      %le3A_463 = vector.broadcast %scan3A_460 : i32 to vector<16xi32>
      %le3A_464 = arith.cmpi sle, %scan3A_263#7, %le3A_463 : vector<16xi32>
      tpu.vector_store_idx %arg13[%add3A_462], %select_n3A_339 masked %le3A_464 : memref<4096xi32, #tpu.memory_space<vmem>>[vector<16xi32>], vector<16xi32>, vector<16xi1>
      %scan3A_465 = arith.constant 0 : i32
      %scan3A_466 = arith.constant 7 : i32
      %scan3A_467 = arith.addi %scan3A_418, %scan3A_466 : i32
      %add3A_468 = vector.broadcast %scan3A_467 : i32 to vector<16xi32>
      %add3A_469 = arith.addi %mul3A_235, %add3A_468 : vector<16xi32>
      %le3A_470 = vector.broadcast %scan3A_467 : i32 to vector<16xi32>
      %le3A_471 = arith.cmpi sle, %scan3A_263#7, %le3A_470 : vector<16xi32>
      tpu.vector_store_idx %arg13[%add3A_469], %select_n3A_339 masked %le3A_471 : memref<4096xi32, #tpu.memory_space<vmem>>[vector<16xi32>], vector<16xi32>, vector<16xi1>
      %scan3A_472 = arith.constant 0 : i32
      scf.yield %scan3A_472 : i32
    }
    %scan3A_346 = arith.constant 32 : i32
    %gt3A_347 = arith.constant 0 : i32
    %gt3A_348 = vector.broadcast %gt3A_347 : i32 to vector<16xi32>
    %gt3A_349 = arith.cmpi sgt, %scan3A_263#8, %gt3A_348 : vector<16xi32>
    %gather3A_350 = tpu.vector_load_idx %arg13[%mul3A_258] : memref<4096xi32, #tpu.memory_space<vmem>>[vector<16xi32>], vector<16xi32>,
    %select_n3A_351 = arith.select %gt3A_349, %gather3A_350, %broadcast_in_dim3A_72 : vector<16xi1>, vector<16xi32>
    %scan3A_352 = arith.constant 0 : i32
    %scan3A_353 = arith.constant 0 : i32
    %scan3A_354 = arith.constant 32 : i32
    %scan3A_355 = arith.addi %scan3A_353, %scan3A_354 : i32
    %scan3A_356 = arith.constant 8 : i32
    %scan3A_357 = scf.for %scan3A_418 = %scan3A_353 to %scan3A_355 step %scan3A_356 iter_args(%scan3A_419 = %scan3A_352) -> (i32)  : i32 {
      %add3A_420 = vector.broadcast %scan3A_418 : i32 to vector<16xi32>
      %add3A_421 = arith.addi %mul3A_258, %add3A_420 : vector<16xi32>
      %le3A = vector.broadcast %scan3A_418 : i32 to vector<16xi32>
      %le3A_422 = arith.cmpi sle, %scan3A_263#8, %le3A : vector<16xi32>
      tpu.vector_store_idx %arg13[%add3A_421], %select_n3A_351 masked %le3A_422 : memref<4096xi32, #tpu.memory_space<vmem>>[vector<16xi32>], vector<16xi32>, vector<16xi1>
      %scan3A_423 = arith.constant 0 : i32
      %scan3A_424 = arith.constant 1 : i32
      %scan3A_425 = arith.addi %scan3A_418, %scan3A_424 : i32
      %add3A_426 = vector.broadcast %scan3A_425 : i32 to vector<16xi32>
      %add3A_427 = arith.addi %mul3A_258, %add3A_426 : vector<16xi32>
      %le3A_428 = vector.broadcast %scan3A_425 : i32 to vector<16xi32>
      %le3A_429 = arith.cmpi sle, %scan3A_263#8, %le3A_428 : vector<16xi32>
      tpu.vector_store_idx %arg13[%add3A_427], %select_n3A_351 masked %le3A_429 : memref<4096xi32, #tpu.memory_space<vmem>>[vector<16xi32>], vector<16xi32>, vector<16xi1>
      %scan3A_430 = arith.constant 0 : i32
      %scan3A_431 = arith.constant 2 : i32
      %scan3A_432 = arith.addi %scan3A_418, %scan3A_431 : i32
      %add3A_433 = vector.broadcast %scan3A_432 : i32 to vector<16xi32>
      %add3A_434 = arith.addi %mul3A_258, %add3A_433 : vector<16xi32>
      %le3A_435 = vector.broadcast %scan3A_432 : i32 to vector<16xi32>
      %le3A_436 = arith.cmpi sle, %scan3A_263#8, %le3A_435 : vector<16xi32>
      tpu.vector_store_idx %arg13[%add3A_434], %select_n3A_351 masked %le3A_436 : memref<4096xi32, #tpu.memory_space<vmem>>[vector<16xi32>], vector<16xi32>, vector<16xi1>
      %scan3A_437 = arith.constant 0 : i32
      %scan3A_438 = arith.constant 3 : i32
      %scan3A_439 = arith.addi %scan3A_418, %scan3A_438 : i32
      %add3A_440 = vector.broadcast %scan3A_439 : i32 to vector<16xi32>
      %add3A_441 = arith.addi %mul3A_258, %add3A_440 : vector<16xi32>
      %le3A_442 = vector.broadcast %scan3A_439 : i32 to vector<16xi32>
      %le3A_443 = arith.cmpi sle, %scan3A_263#8, %le3A_442 : vector<16xi32>
      tpu.vector_store_idx %arg13[%add3A_441], %select_n3A_351 masked %le3A_443 : memref<4096xi32, #tpu.memory_space<vmem>>[vector<16xi32>], vector<16xi32>, vector<16xi1>
      %scan3A_444 = arith.constant 0 : i32
      %scan3A_445 = arith.constant 4 : i32
      %scan3A_446 = arith.addi %scan3A_418, %scan3A_445 : i32
      %add3A_447 = vector.broadcast %scan3A_446 : i32 to vector<16xi32>
      %add3A_448 = arith.addi %mul3A_258, %add3A_447 : vector<16xi32>
      %le3A_449 = vector.broadcast %scan3A_446 : i32 to vector<16xi32>
      %le3A_450 = arith.cmpi sle, %scan3A_263#8, %le3A_449 : vector<16xi32>
      tpu.vector_store_idx %arg13[%add3A_448], %select_n3A_351 masked %le3A_450 : memref<4096xi32, #tpu.memory_space<vmem>>[vector<16xi32>], vector<16xi32>, vector<16xi1>
      %scan3A_451 = arith.constant 0 : i32
      %scan3A_452 = arith.constant 5 : i32
      %scan3A_453 = arith.addi %scan3A_418, %scan3A_452 : i32
      %add3A_454 = vector.broadcast %scan3A_453 : i32 to vector<16xi32>
      %add3A_455 = arith.addi %mul3A_258, %add3A_454 : vector<16xi32>
      %le3A_456 = vector.broadcast %scan3A_453 : i32 to vector<16xi32>
      %le3A_457 = arith.cmpi sle, %scan3A_263#8, %le3A_456 : vector<16xi32>
      tpu.vector_store_idx %arg13[%add3A_455], %select_n3A_351 masked %le3A_457 : memref<4096xi32, #tpu.memory_space<vmem>>[vector<16xi32>], vector<16xi32>, vector<16xi1>
      %scan3A_458 = arith.constant 0 : i32
      %scan3A_459 = arith.constant 6 : i32
      %scan3A_460 = arith.addi %scan3A_418, %scan3A_459 : i32
      %add3A_461 = vector.broadcast %scan3A_460 : i32 to vector<16xi32>
      %add3A_462 = arith.addi %mul3A_258, %add3A_461 : vector<16xi32>
      %le3A_463 = vector.broadcast %scan3A_460 : i32 to vector<16xi32>
      %le3A_464 = arith.cmpi sle, %scan3A_263#8, %le3A_463 : vector<16xi32>
      tpu.vector_store_idx %arg13[%add3A_462], %select_n3A_351 masked %le3A_464 : memref<4096xi32, #tpu.memory_space<vmem>>[vector<16xi32>], vector<16xi32>, vector<16xi1>
      %scan3A_465 = arith.constant 0 : i32
      %scan3A_466 = arith.constant 7 : i32
      %scan3A_467 = arith.addi %scan3A_418, %scan3A_466 : i32
      %add3A_468 = vector.broadcast %scan3A_467 : i32 to vector<16xi32>
      %add3A_469 = arith.addi %mul3A_258, %add3A_468 : vector<16xi32>
      %le3A_470 = vector.broadcast %scan3A_467 : i32 to vector<16xi32>
      %le3A_471 = arith.cmpi sle, %scan3A_263#8, %le3A_470 : vector<16xi32>
      tpu.vector_store_idx %arg13[%add3A_469], %select_n3A_351 masked %le3A_471 : memref<4096xi32, #tpu.memory_space<vmem>>[vector<16xi32>], vector<16xi32>, vector<16xi1>
      %scan3A_472 = arith.constant 0 : i32
      scf.yield %scan3A_472 : i32
    }
    %scan3A_358 = arith.constant 32 : i32
    %scan3A_359 = arith.constant 0 : i32
    %scan3A_360 = arith.constant 1 : i32
    %broadcast_in_dim3A_361 = vector.broadcast %mul3A_34 : i32 to vector<16xi32>
    %scan3A_362 = arith.constant 0 : i32
    %scan3A_363 = arith.constant 0 : i32
    %scan3A_364 = arith.constant 128 : i32
    %scan3A_365 = arith.addi %scan3A_363, %scan3A_364 : i32
    %scan3A_366 = arith.constant 1 : i32
    %scan3A_367 = scf.for %scan3A_418 = %scan3A_363 to %scan3A_365 step %scan3A_366 iter_args(%scan3A_419 = %scan3A_362) -> (i32)  : i32 {
      %broadcast_in_dim3A_420 = vector.broadcast %scan3A_418 : i32 to vector<16xi32>
      %gather3A_421 = tpu.vector_load_idx %arg10[%broadcast_in_dim3A_420] : memref<128xf32, #tpu.memory_space<vmem>>[vector<16xi32>], vector<16xf32>,
      %gather3A_422 = tpu.vector_load_idx %arg11[%broadcast_in_dim3A_420] : memref<128xf32, #tpu.memory_space<vmem>>[vector<16xi32>], vector<16xf32>,
      %gather3A_423 = tpu.vector_load_idx %arg12[%broadcast_in_dim3A_420] : memref<128xf32, #tpu.memory_space<vmem>>[vector<16xi32>], vector<16xf32>,
      %mul3A_424 = arith.constant 32 : i32
      %mul3A_425 = arith.muli %scan3A_418, %mul3A_424 : i32
      %add3A_426 = arith.constant 0 : i32
      %add3A_427 = arith.addi %mul3A_425, %add3A_426 : i32
      %get3A_428 = arith.index_cast %add3A_427 : i32 to index
      %get3A_429 = tpu.vector_load %arg13[%get3A_428] {strides = array<i32>} : memref<4096xi32, #tpu.memory_space<vmem>>, vector<16xi32>,
      %gather3A_430 = tpu.vector_load_idx %arg7[%get3A_429] : memref<8192xf32, #tpu.memory_space<vmem>>[vector<16xi32>], vector<16xf32>,
      %gather3A_431 = tpu.vector_load_idx %arg8[%get3A_429] : memref<8192xf32, #tpu.memory_space<vmem>>[vector<16xi32>], vector<16xf32>,
      %gather3A_432 = tpu.vector_load_idx %arg9[%get3A_429] : memref<8192xf32, #tpu.memory_space<vmem>>[vector<16xi32>], vector<16xf32>,
      %sub3A_433 = arith.subf %gather3A_430, %gather3A_421 : vector<16xf32>
      %swap3A = arith.index_cast %add3A_427 : i32 to index
      %swap3A_434 = tpu.vector_load %arg15[%swap3A] {strides = array<i32>} : memref<4096xf32, #tpu.memory_space<vmem>>, vector<16xf32>,
      tpu.vector_store %arg15[%swap3A], %sub3A_433 {strides = array<i32>} : memref<4096xf32, #tpu.memory_space<vmem>>, vector<16xf32>,
      %sub3A_435 = arith.subf %gather3A_431, %gather3A_422 : vector<16xf32>
      %swap3A_436 = arith.index_cast %add3A_427 : i32 to index
      %swap3A_437 = tpu.vector_load %arg16[%swap3A_436] {strides = array<i32>} : memref<4096xf32, #tpu.memory_space<vmem>>, vector<16xf32>,
      tpu.vector_store %arg16[%swap3A_436], %sub3A_435 {strides = array<i32>} : memref<4096xf32, #tpu.memory_space<vmem>>, vector<16xf32>,
      %sub3A_438 = arith.subf %gather3A_432, %gather3A_423 : vector<16xf32>
      %swap3A_439 = arith.index_cast %add3A_427 : i32 to index
      %swap3A_440 = tpu.vector_load %arg17[%swap3A_439] {strides = array<i32>} : memref<4096xf32, #tpu.memory_space<vmem>>, vector<16xf32>,
      tpu.vector_store %arg17[%swap3A_439], %sub3A_438 {strides = array<i32>} : memref<4096xf32, #tpu.memory_space<vmem>>, vector<16xf32>,
      %add3A_441 = arith.addi %get3A_429, %broadcast_in_dim3A_361 : vector<16xi32>
      %swap3A_442 = arith.index_cast %add3A_427 : i32 to index
      %swap3A_443 = tpu.vector_load %arg14[%swap3A_442] {strides = array<i32>} : memref<4096xi32, #tpu.memory_space<vmem>>, vector<16xi32>,
      tpu.vector_store %arg14[%swap3A_442], %add3A_441 {strides = array<i32>} : memref<4096xi32, #tpu.memory_space<vmem>>, vector<16xi32>,
      %mul3A_444 = arith.constant 32 : i32
      %mul3A_445 = arith.muli %scan3A_418, %mul3A_444 : i32
      %add3A_446 = arith.constant 16 : i32
      %add3A_447 = arith.addi %mul3A_445, %add3A_446 : i32
      %get3A_448 = arith.index_cast %add3A_447 : i32 to index
      %get3A_449 = tpu.vector_load %arg13[%get3A_448] {strides = array<i32>} : memref<4096xi32, #tpu.memory_space<vmem>>, vector<16xi32>,
      %gather3A_450 = tpu.vector_load_idx %arg7[%get3A_449] : memref<8192xf32, #tpu.memory_space<vmem>>[vector<16xi32>], vector<16xf32>,
      %gather3A_451 = tpu.vector_load_idx %arg8[%get3A_449] : memref<8192xf32, #tpu.memory_space<vmem>>[vector<16xi32>], vector<16xf32>,
      %gather3A_452 = tpu.vector_load_idx %arg9[%get3A_449] : memref<8192xf32, #tpu.memory_space<vmem>>[vector<16xi32>], vector<16xf32>,
      %sub3A_453 = arith.subf %gather3A_450, %gather3A_421 : vector<16xf32>
      %swap3A_454 = arith.index_cast %add3A_447 : i32 to index
      %swap3A_455 = tpu.vector_load %arg15[%swap3A_454] {strides = array<i32>} : memref<4096xf32, #tpu.memory_space<vmem>>, vector<16xf32>,
      tpu.vector_store %arg15[%swap3A_454], %sub3A_453 {strides = array<i32>} : memref<4096xf32, #tpu.memory_space<vmem>>, vector<16xf32>,
      %sub3A_456 = arith.subf %gather3A_451, %gather3A_422 : vector<16xf32>
      %swap3A_457 = arith.index_cast %add3A_447 : i32 to index
      %swap3A_458 = tpu.vector_load %arg16[%swap3A_457] {strides = array<i32>} : memref<4096xf32, #tpu.memory_space<vmem>>, vector<16xf32>,
      tpu.vector_store %arg16[%swap3A_457], %sub3A_456 {strides = array<i32>} : memref<4096xf32, #tpu.memory_space<vmem>>, vector<16xf32>,
      %sub3A_459 = arith.subf %gather3A_452, %gather3A_423 : vector<16xf32>
      %swap3A_460 = arith.index_cast %add3A_447 : i32 to index
      %swap3A_461 = tpu.vector_load %arg17[%swap3A_460] {strides = array<i32>} : memref<4096xf32, #tpu.memory_space<vmem>>, vector<16xf32>,
      tpu.vector_store %arg17[%swap3A_460], %sub3A_459 {strides = array<i32>} : memref<4096xf32, #tpu.memory_space<vmem>>, vector<16xf32>,
      %add3A_462 = arith.addi %get3A_449, %broadcast_in_dim3A_361 : vector<16xi32>
      %swap3A_463 = arith.index_cast %add3A_447 : i32 to index
      %swap3A_464 = tpu.vector_load %arg14[%swap3A_463] {strides = array<i32>} : memref<4096xi32, #tpu.memory_space<vmem>>, vector<16xi32>,
      tpu.vector_store %arg14[%swap3A_463], %add3A_462 {strides = array<i32>} : memref<4096xi32, #tpu.memory_space<vmem>>, vector<16xi32>,
      %scan3A_465 = arith.constant 0 : i32
      scf.yield %scan3A_465 : i32
    }
    %scan3A_368 = arith.constant 128 : i32
    %mul3A_369 = arith.constant 3 : i32
    %mul3A_370 = arith.muli %select_n3A, %mul3A_369 : i32
    %add3A_371 = arith.constant 0 : i32
    %add3A_372 = arith.addi %mul3A_370, %add3A_371 : i32
    %mul3A_373 = arith.constant 1024 : i32
    %mul3A_374 = arith.muli %add3A_372, %mul3A_373 : i32
    %mul3A_375 = arith.constant 32 : i32
    %mul3A_376 = arith.muli %mul3A_374, %mul3A_375 : i32
    %mul3A_377 = arith.constant 32 : i32
    %mul3A_378 = arith.muli %mul3A_32, %mul3A_377 : i32
    %add3A_379 = arith.addi %mul3A_376, %mul3A_378 : i32
    "tpu.region"() ({
      %run_scoped3A = tpu.sem_alloc : memref<!tpu.dma_semaphore, #tpu.memory_space<semaphore_mem>>
      %dma_start3A_418 = tpu.memref_slice %arg5[%add3A_379] : memref<393216xf32, #tpu.memory_space<hbm>> -> memref<4096xf32, #tpu.memory_space<hbm>>
      %dma_start3A_419 = tpu.memref_slice %arg5[%add3A_379] : memref<393216xf32, #tpu.memory_space<hbm>> -> memref<4096xf32, #tpu.memory_space<hbm>>
      tpu.enqueue_dma source(%arg15 : memref<4096xf32, #tpu.memory_space<vmem>>) target(%dma_start3A_419 : memref<4096xf32, #tpu.memory_space<hbm>>) target_semaphore(%run_scoped3A : memref<!tpu.dma_semaphore, #tpu.memory_space<semaphore_mem>>)
      %dma_wait3A = tpu.memref_slice %arg5[%add3A_379] : memref<393216xf32, #tpu.memory_space<hbm>> -> memref<4096xf32, #tpu.memory_space<hbm>>
      %dma_wait3A_420 = tpu.memref_slice %arg5[%add3A_379] : memref<393216xf32, #tpu.memory_space<hbm>> -> memref<4096xf32, #tpu.memory_space<hbm>>
      tpu.wait_dma2 semaphore(%run_scoped3A : memref<!tpu.dma_semaphore, #tpu.memory_space<semaphore_mem>>) src(%arg15 : memref<4096xf32, #tpu.memory_space<vmem>>) dst(%dma_wait3A_420 : memref<4096xf32, #tpu.memory_space<hbm>>)
      tpu.yield
    }) : () -> ()
    %mul3A_380 = arith.constant 3 : i32
    %mul3A_381 = arith.muli %select_n3A, %mul3A_380 : i32
    %add3A_382 = arith.constant 1 : i32
    %add3A_383 = arith.addi %mul3A_381, %add3A_382 : i32
    %mul3A_384 = arith.constant 1024 : i32
    %mul3A_385 = arith.muli %add3A_383, %mul3A_384 : i32
    %mul3A_386 = arith.constant 32 : i32
    %mul3A_387 = arith.muli %mul3A_385, %mul3A_386 : i32
    %mul3A_388 = arith.constant 32 : i32
    %mul3A_389 = arith.muli %mul3A_32, %mul3A_388 : i32
    %add3A_390 = arith.addi %mul3A_387, %mul3A_389 : i32
    "tpu.region"() ({
      %run_scoped3A = tpu.sem_alloc : memref<!tpu.dma_semaphore, #tpu.memory_space<semaphore_mem>>
      %dma_start3A_418 = tpu.memref_slice %arg5[%add3A_390] : memref<393216xf32, #tpu.memory_space<hbm>> -> memref<4096xf32, #tpu.memory_space<hbm>>
      %dma_start3A_419 = tpu.memref_slice %arg5[%add3A_390] : memref<393216xf32, #tpu.memory_space<hbm>> -> memref<4096xf32, #tpu.memory_space<hbm>>
      tpu.enqueue_dma source(%arg16 : memref<4096xf32, #tpu.memory_space<vmem>>) target(%dma_start3A_419 : memref<4096xf32, #tpu.memory_space<hbm>>) target_semaphore(%run_scoped3A : memref<!tpu.dma_semaphore, #tpu.memory_space<semaphore_mem>>)
      %dma_wait3A = tpu.memref_slice %arg5[%add3A_390] : memref<393216xf32, #tpu.memory_space<hbm>> -> memref<4096xf32, #tpu.memory_space<hbm>>
      %dma_wait3A_420 = tpu.memref_slice %arg5[%add3A_390] : memref<393216xf32, #tpu.memory_space<hbm>> -> memref<4096xf32, #tpu.memory_space<hbm>>
      tpu.wait_dma2 semaphore(%run_scoped3A : memref<!tpu.dma_semaphore, #tpu.memory_space<semaphore_mem>>) src(%arg16 : memref<4096xf32, #tpu.memory_space<vmem>>) dst(%dma_wait3A_420 : memref<4096xf32, #tpu.memory_space<hbm>>)
      tpu.yield
    }) : () -> ()
    %mul3A_391 = arith.constant 3 : i32
    %mul3A_392 = arith.muli %select_n3A, %mul3A_391 : i32
    %add3A_393 = arith.constant 2 : i32
    %add3A_394 = arith.addi %mul3A_392, %add3A_393 : i32
    %mul3A_395 = arith.constant 1024 : i32
    %mul3A_396 = arith.muli %add3A_394, %mul3A_395 : i32
    %mul3A_397 = arith.constant 32 : i32
    %mul3A_398 = arith.muli %mul3A_396, %mul3A_397 : i32
    %mul3A_399 = arith.constant 32 : i32
    %mul3A_400 = arith.muli %mul3A_32, %mul3A_399 : i32
    %add3A_401 = arith.addi %mul3A_398, %mul3A_400 : i32
    "tpu.region"() ({
      %run_scoped3A = tpu.sem_alloc : memref<!tpu.dma_semaphore, #tpu.memory_space<semaphore_mem>>
      %dma_start3A_418 = tpu.memref_slice %arg5[%add3A_401] : memref<393216xf32, #tpu.memory_space<hbm>> -> memref<4096xf32, #tpu.memory_space<hbm>>
      %dma_start3A_419 = tpu.memref_slice %arg5[%add3A_401] : memref<393216xf32, #tpu.memory_space<hbm>> -> memref<4096xf32, #tpu.memory_space<hbm>>
      tpu.enqueue_dma source(%arg17 : memref<4096xf32, #tpu.memory_space<vmem>>) target(%dma_start3A_419 : memref<4096xf32, #tpu.memory_space<hbm>>) target_semaphore(%run_scoped3A : memref<!tpu.dma_semaphore, #tpu.memory_space<semaphore_mem>>)
      %dma_wait3A = tpu.memref_slice %arg5[%add3A_401] : memref<393216xf32, #tpu.memory_space<hbm>> -> memref<4096xf32, #tpu.memory_space<hbm>>
      %dma_wait3A_420 = tpu.memref_slice %arg5[%add3A_401] : memref<393216xf32, #tpu.memory_space<hbm>> -> memref<4096xf32, #tpu.memory_space<hbm>>
      tpu.wait_dma2 semaphore(%run_scoped3A : memref<!tpu.dma_semaphore, #tpu.memory_space<semaphore_mem>>) src(%arg17 : memref<4096xf32, #tpu.memory_space<vmem>>) dst(%dma_wait3A_420 : memref<4096xf32, #tpu.memory_space<hbm>>)
      tpu.yield
    }) : () -> ()
    %dma_start3A = arith.constant 0 : i32
    %dma_start3A_402 = tpu.memref_slice %arg14[%dma_start3A] : memref<4096xi32, #tpu.memory_space<vmem>> -> memref<128xi32, #tpu.memory_space<vmem>>
    %dma_start3A_403 = arith.constant 0 : i32
    %dma_start3A_404 = arith.constant 0 : i32
    %dma_start3A_405 = tpu.memref_slice %arg4[%dma_start3A_403, %dma_start3A_404] : memref<32768x128xf32, #tpu.memory_space<hbm>> -> memref<32768x128xf32, #tpu.memory_space<hbm>>
    tpu.enqueue_indirect_dma source(%dma_start3A_405 : memref<32768x128xf32, #tpu.memory_space<hbm>>) target(%arg18 : memref<128x128xf32, #tpu.memory_space<vmem>>) offsets(%dma_start3A_402 : memref<128xi32, #tpu.memory_space<vmem>>) semaphore(%arg20 : memref<!tpu.dma_semaphore, #tpu.memory_space<semaphore_mem>>)
    %dma_start3A_406 = arith.constant 128 : i32
    %dma_start3A_407 = tpu.memref_slice %arg14[%dma_start3A_406] : memref<4096xi32, #tpu.memory_space<vmem>> -> memref<128xi32, #tpu.memory_space<vmem>>
    %dma_start3A_408 = arith.constant 0 : i32
    %dma_start3A_409 = arith.constant 0 : i32
    %dma_start3A_410 = tpu.memref_slice %arg4[%dma_start3A_408, %dma_start3A_409] : memref<32768x128xf32, #tpu.memory_space<hbm>> -> memref<32768x128xf32, #tpu.memory_space<hbm>>
    tpu.enqueue_indirect_dma source(%dma_start3A_410 : memref<32768x128xf32, #tpu.memory_space<hbm>>) target(%arg19 : memref<128x128xf32, #tpu.memory_space<vmem>>) offsets(%dma_start3A_407 : memref<128xi32, #tpu.memory_space<vmem>>) semaphore(%arg21 : memref<!tpu.dma_semaphore, #tpu.memory_space<semaphore_mem>>)
    %scan3A_411 = arith.constant 0 : i32
    %scan3A_412 = arith.constant 0 : i32
    %scan3A_413 = arith.constant 16 : i32
    %scan3A_414 = arith.addi %scan3A_412, %scan3A_413 : i32
    %scan3A_415 = arith.constant 1 : i32
    %scan3A_416 = scf.for %scan3A_418 = %scan3A_412 to %scan3A_414 step %scan3A_415 iter_args(%scan3A_419 = %scan3A_411) -> (i32)  : i32 {
      %mul3A_420 = arith.constant 2 : i32
      %mul3A_421 = arith.muli %scan3A_418, %mul3A_420 : i32
      %mul3A_422 = arith.constant 2 : i32
      %mul3A_423 = arith.muli %scan3A_418, %mul3A_422 : i32
      %add3A_424 = arith.constant 1 : i32
      %add3A_425 = arith.addi %mul3A_423, %add3A_424 : i32
      %mul3A_426 = arith.constant 128 : i32
      %mul3A_427 = arith.muli %mul3A_421, %mul3A_426 : i32
      %dma_wait3A = tpu.memref_slice %arg14[%mul3A_427] : memref<4096xi32, #tpu.memory_space<vmem>> -> memref<128xi32, #tpu.memory_space<vmem>>
      %dma_wait3A_428 = arith.constant 0 : i32
      %dma_wait3A_429 = arith.constant 0 : i32
      %dma_wait3A_430 = tpu.memref_slice %arg4[%dma_wait3A_428, %dma_wait3A_429] : memref<32768x128xf32, #tpu.memory_space<hbm>> -> memref<32768x128xf32, #tpu.memory_space<hbm>>
      tpu.wait_indirect_dma semaphore(%arg20 : memref<!tpu.dma_semaphore, #tpu.memory_space<semaphore_mem>>) src(%dma_wait3A_430 : memref<32768x128xf32, #tpu.memory_space<hbm>>) dst(%arg18 : memref<128x128xf32, #tpu.memory_space<vmem>>)
      %mul3A_431 = arith.constant 128 : i32
      %mul3A_432 = arith.muli %mul3A_421, %mul3A_431 : i32
      %add3A_433 = arith.addi %mul3A_36, %mul3A_432 : i32
      "tpu.region"() ({
        %run_scoped3A = tpu.sem_alloc : memref<!tpu.dma_semaphore, #tpu.memory_space<semaphore_mem>>
        %dma_start3A_456 = arith.constant 0 : i32
        %dma_start3A_457 = tpu.memref_slice %arg6[%add3A_433, %dma_start3A_456] : memref<131072x128xf32, #tpu.memory_space<hbm>> -> memref<128x128xf32, #tpu.memory_space<hbm>>
        %dma_start3A_458 = arith.constant 0 : i32
        %dma_start3A_459 = tpu.memref_slice %arg6[%add3A_433, %dma_start3A_458] : memref<131072x128xf32, #tpu.memory_space<hbm>> -> memref<128x128xf32, #tpu.memory_space<hbm>>
        tpu.enqueue_dma source(%arg18 : memref<128x128xf32, #tpu.memory_space<vmem>>) target(%dma_start3A_459 : memref<128x128xf32, #tpu.memory_space<hbm>>) target_semaphore(%run_scoped3A : memref<!tpu.dma_semaphore, #tpu.memory_space<semaphore_mem>>)
        %dma_wait3A_460 = arith.constant 0 : i32
        %dma_wait3A_461 = tpu.memref_slice %arg6[%add3A_433, %dma_wait3A_460] : memref<131072x128xf32, #tpu.memory_space<hbm>> -> memref<128x128xf32, #tpu.memory_space<hbm>>
        %dma_wait3A_462 = arith.constant 0 : i32
        %dma_wait3A_463 = tpu.memref_slice %arg6[%add3A_433, %dma_wait3A_462] : memref<131072x128xf32, #tpu.memory_space<hbm>> -> memref<128x128xf32, #tpu.memory_space<hbm>>
        tpu.wait_dma2 semaphore(%run_scoped3A : memref<!tpu.dma_semaphore, #tpu.memory_space<semaphore_mem>>) src(%arg18 : memref<128x128xf32, #tpu.memory_space<vmem>>) dst(%dma_wait3A_463 : memref<128x128xf32, #tpu.memory_space<hbm>>)
        tpu.yield
      }) : () -> ()
      %add3A_434 = arith.constant 2 : i32
      %add3A_435 = arith.addi %mul3A_421, %add3A_434 : i32
      %lt3A_436 = arith.constant 32 : i32
      %lt3A_437 = arith.cmpi slt, %add3A_435, %lt3A_436 : i32
      %convert_element_type3A = arith.extui %lt3A_437 : i1 to i32
      %cond3A = arith.constant 0 : i32
      %cond3A_438 = arith.cmpi ne, %convert_element_type3A, %cond3A : i32
      scf.if %cond3A_438 {
        %add3A_456 = arith.constant 2 : i32
        %add3A_457 = arith.addi %mul3A_421, %add3A_456 : i32
        %mul3A_458 = arith.constant 128 : i32
        %mul3A_459 = arith.muli %add3A_457, %mul3A_458 : i32
        %dma_start3A_460 = tpu.memref_slice %arg14[%mul3A_459] : memref<4096xi32, #tpu.memory_space<vmem>> -> memref<128xi32, #tpu.memory_space<vmem>>
        %dma_start3A_461 = arith.constant 0 : i32
        %dma_start3A_462 = arith.constant 0 : i32
        %dma_start3A_463 = tpu.memref_slice %arg4[%dma_start3A_461, %dma_start3A_462] : memref<32768x128xf32, #tpu.memory_space<hbm>> -> memref<32768x128xf32, #tpu.memory_space<hbm>>
        tpu.enqueue_indirect_dma source(%dma_start3A_463 : memref<32768x128xf32, #tpu.memory_space<hbm>>) target(%arg18 : memref<128x128xf32, #tpu.memory_space<vmem>>) offsets(%dma_start3A_460 : memref<128xi32, #tpu.memory_space<vmem>>) semaphore(%arg20 : memref<!tpu.dma_semaphore, #tpu.memory_space<semaphore_mem>>)
      } else {
      }
      %mul3A_439 = arith.constant 128 : i32
      %mul3A_440 = arith.muli %add3A_425, %mul3A_439 : i32
      %dma_wait3A_441 = tpu.memref_slice %arg14[%mul3A_440] : memref<4096xi32, #tpu.memory_space<vmem>> -> memref<128xi32, #tpu.memory_space<vmem>>
      %dma_wait3A_442 = arith.constant 0 : i32
      %dma_wait3A_443 = arith.constant 0 : i32
      %dma_wait3A_444 = tpu.memref_slice %arg4[%dma_wait3A_442, %dma_wait3A_443] : memref<32768x128xf32, #tpu.memory_space<hbm>> -> memref<32768x128xf32, #tpu.memory_space<hbm>>
      tpu.wait_indirect_dma semaphore(%arg21 : memref<!tpu.dma_semaphore, #tpu.memory_space<semaphore_mem>>) src(%dma_wait3A_444 : memref<32768x128xf32, #tpu.memory_space<hbm>>) dst(%arg19 : memref<128x128xf32, #tpu.memory_space<vmem>>)
      %mul3A_445 = arith.constant 128 : i32
      %mul3A_446 = arith.muli %add3A_425, %mul3A_445 : i32
      %add3A_447 = arith.addi %mul3A_36, %mul3A_446 : i32
      "tpu.region"() ({
        %run_scoped3A = tpu.sem_alloc : memref<!tpu.dma_semaphore, #tpu.memory_space<semaphore_mem>>
        %dma_start3A_456 = arith.constant 0 : i32
        %dma_start3A_457 = tpu.memref_slice %arg6[%add3A_447, %dma_start3A_456] : memref<131072x128xf32, #tpu.memory_space<hbm>> -> memref<128x128xf32, #tpu.memory_space<hbm>>
        %dma_start3A_458 = arith.constant 0 : i32
        %dma_start3A_459 = tpu.memref_slice %arg6[%add3A_447, %dma_start3A_458] : memref<131072x128xf32, #tpu.memory_space<hbm>> -> memref<128x128xf32, #tpu.memory_space<hbm>>
        tpu.enqueue_dma source(%arg19 : memref<128x128xf32, #tpu.memory_space<vmem>>) target(%dma_start3A_459 : memref<128x128xf32, #tpu.memory_space<hbm>>) target_semaphore(%run_scoped3A : memref<!tpu.dma_semaphore, #tpu.memory_space<semaphore_mem>>)
        %dma_wait3A_460 = arith.constant 0 : i32
        %dma_wait3A_461 = tpu.memref_slice %arg6[%add3A_447, %dma_wait3A_460] : memref<131072x128xf32, #tpu.memory_space<hbm>> -> memref<128x128xf32, #tpu.memory_space<hbm>>
        %dma_wait3A_462 = arith.constant 0 : i32
        %dma_wait3A_463 = tpu.memref_slice %arg6[%add3A_447, %dma_wait3A_462] : memref<131072x128xf32, #tpu.memory_space<hbm>> -> memref<128x128xf32, #tpu.memory_space<hbm>>
        tpu.wait_dma2 semaphore(%run_scoped3A : memref<!tpu.dma_semaphore, #tpu.memory_space<semaphore_mem>>) src(%arg19 : memref<128x128xf32, #tpu.memory_space<vmem>>) dst(%dma_wait3A_463 : memref<128x128xf32, #tpu.memory_space<hbm>>)
        tpu.yield
      }) : () -> ()
      %add3A_448 = arith.constant 2 : i32
      %add3A_449 = arith.addi %add3A_425, %add3A_448 : i32
      %lt3A_450 = arith.constant 32 : i32
      %lt3A_451 = arith.cmpi slt, %add3A_449, %lt3A_450 : i32
      %convert_element_type3A_452 = arith.extui %lt3A_451 : i1 to i32
      %cond3A_453 = arith.constant 0 : i32
      %cond3A_454 = arith.cmpi ne, %convert_element_type3A_452, %cond3A_453 : i32
      scf.if %cond3A_454 {
        %add3A_456 = arith.constant 2 : i32
        %add3A_457 = arith.addi %add3A_425, %add3A_456 : i32
        %mul3A_458 = arith.constant 128 : i32
        %mul3A_459 = arith.muli %add3A_457, %mul3A_458 : i32
        %dma_start3A_460 = tpu.memref_slice %arg14[%mul3A_459] : memref<4096xi32, #tpu.memory_space<vmem>> -> memref<128xi32, #tpu.memory_space<vmem>>
        %dma_start3A_461 = arith.constant 0 : i32
        %dma_start3A_462 = arith.constant 0 : i32
        %dma_start3A_463 = tpu.memref_slice %arg4[%dma_start3A_461, %dma_start3A_462] : memref<32768x128xf32, #tpu.memory_space<hbm>> -> memref<32768x128xf32, #tpu.memory_space<hbm>>
        tpu.enqueue_indirect_dma source(%dma_start3A_463 : memref<32768x128xf32, #tpu.memory_space<hbm>>) target(%arg19 : memref<128x128xf32, #tpu.memory_space<vmem>>) offsets(%dma_start3A_460 : memref<128xi32, #tpu.memory_space<vmem>>) semaphore(%arg21 : memref<!tpu.dma_semaphore, #tpu.memory_space<semaphore_mem>>)
      } else {
      }
      %scan3A_455 = arith.constant 0 : i32
      scf.yield %scan3A_455 : i32
    }
    %scan3A_417 = arith.constant 16 : i32
    return
  }
}

</mosaic_0001>

<sc_bundles>
// kernel: kernel.3.cloned.1.call-start
scs
__scs_entry_jumppad:
0x0: {  	(pc) =	sbr.rel $0x88, $3  }
0x1: {  	(tag) =	ssettag $0x0;
	lr =	simm.s32 $0x1  }
0x2: {  	[smem:$0x3F9E] =	sst lr;
	_ =	strace $0xD0000000  }
0x3: {  	_ = 	snop  }
0x4: {  	_ = 	snop  }
0x5: {  	_ = 	snop  }
0x6: {  	_ = 	snop  }
0x7: {  	_ = 	snop  }
__scs_overlays_trampoline_lowered:
0x8: {  	[smem:$0x3FAD] =	sst s0  }
0x9: {  	[smem:$0x3FAE] =	sst s1  }
0xa: {  	[smem:$0x3FAF] =	sst s2  }
0xb: {  	[smem:$0x3FB0] =	sst s3  }
0xc: {  	[smem:$0x3FB1] =	sst s4  }
0xd: {  	[smem:$0x3FB2] =	sst s5  }
0xe: {  	[smem:$0x3FB3] =	sst s6  }
0xf: {  	[smem:$0x3FB4] =	sst s7  }
0x10: {  	[smem:$0x3FB5] =	sst s8  }
0x11: {  	[smem:$0x3FB6] =	sst s9;
	s0 =	simm.s32 @!p0 $0x0  }
0x12: {  	s1 =	sld [smem:$0x3F9C];
	s0 =	simm.s32 @p0 $0x1  }
0x13: {  	[smem:$0x3FB7] =	sst s0;
	s0 =	simm.s32 @!p1 $0x0  }
0x14: {  	s2 =	sld [smem:$0x3F9B];
	s0 =	simm.s32 @p1 $0x1  }
0x15: {  	[smem:$0x3FB8] =	sst s0;
	s0 =	simm.s32 @!p2 $0x0  }
0x16: {  	s3 =	sld [smem:$0x3FDB];
	s0 =	simm.s32 @p2 $0x1  }
0x17: {  	s4 =	simm.s32 $0x1BF5;
	[smem:$0x3FBA] =	sst s0  }
0x18: {  	s0 =	sld [smem:$0x3F9D];
	_ =	swait.ge [sflag:s4], $0x0  }
0x19: {  	s7 =	sld [smem:$0x3F9E]  }
0x1a: {  	s8 =	sadd.s32 $0xFFFFE003, lr  }
0x1b: {  	s9 =	sadd.s32 $0xFFFFFEF7, lr;
	s5 =	simm.s32 $0xFFFFFFFF;
	p2 =	slt.u32 s8, $0xFFFFF086  }
0x1c: {  	p1 =	slt.u32 s9, $0xF7A;
	s5 =	simm.s32 @!p2 $0x0  }
0x1d: {  	s5 =	simm.s32 @p1 $0x1;
	p0 =	seq.s32 s7, s2  }
0x1e: {  	s7 =	smul.u32 @!p0 $0xF7A, s2;
	p2 =	seq.s32 @!p0 s5, $0x0  }
0x1f: {  	s9 =	smul.u32 $0xF7A, s1;
	s8 =	simm.s32 @!p0 $0x1BF5;
	p2 =	por !p2, p0  }
0x20: {  	[sflag:s8] =	ssyncset.s32 @!p0 $0xFFFFF086;
	s6 =	sadd.s32 @!p0 s3, s7;
	s7 =	simm.s32 @!p0 $0x108  }
0x21: {  	s3 =	sadd.s32 s3, s9;
	s6 =	sadd.s32 @!p0 $0x88, s6;
	s7 =	simm.s32 @p2 $0x1082  }
0x22: {  	[simem:s7], [sflag:s8] =	dma.local @!p0 [hbm:s6], $0xF7A  }
0x23: {  	s9 =	sor.u32 $0xD0000000, s2;
	s6 =	simm.s32 $0x108;
	_ =	swait.ge @!p0 [sflag:s8], $0x0  }
0x24: {  	s3 =	sadd.s32 $0x88, s3;
	s6 =	simm.s32 @!p1 $0x1082;
	[sflag:s4] =	ssyncset.s32 $0xFFFFF086  }
0x25: {  	[simem:s6], [sflag:s4] =	dma.local [hbm:s3], $0xF7A  }
0x26: {  	[smem:$0x3F9E] =	sst s1;
	(tag) =	ssettag s2;
	_ =	strace s9  }
0x27: {  	s1 =	sld [smem:$0x3FAE]  }
0x28: {  	s2 =	sld [smem:$0x3FAF]  }
0x29: {  	s4 =	sld [smem:$0x3FB1]  }
0x2a: {  	p0 =	seq.s32 s5, $0x0;
	s5 =	sld [smem:$0x3FB2]  }
0x2b: {  	s6 =	sld [smem:$0x3FB3]  }
0x2c: {  	s7 =	sld [smem:$0x3FB4]  }
0x2d: {  	s3 =	simm.s32 $0x108;
	s8 =	sld [smem:$0x3FB5]  }
0x2e: {  	s3 =	simm.s32 @!p0 $0x1082;
	s9 =	sld [smem:$0x3FB6]  }
0x2f: {  	lr =	sadd.s32 s0, s3;
	s0 =	sld [smem:$0x3FAD]  }
0x30: {  	s3 =	sld [smem:$0x3FB0]  }
0x31: {  	[smem:$0x3FB9] =	sst s10  }
0x32: {  	s10 =	sld [smem:$0x3FB7];
	_ =	sdelay $0x3  }
0x33: {  	p0 =	seq.s32 s10, $0x1;
	s10 =	sld [smem:$0x3FB9];
	_ =	sdelay $0x3  }
0x34: {  	[smem:$0x3FB9] =	sst s10  }
0x35: {  	s10 =	sld [smem:$0x3FB8];
	_ =	sdelay $0x3  }
0x36: {  	p1 =	seq.s32 s10, $0x1;
	s10 =	sld [smem:$0x3FB9];
	_ =	sdelay $0x3  }
0x37: {  	[smem:$0x3FB9] =	sst s10  }
0x38: {  	s10 =	sld [smem:$0x3FBA]  }
0x39: {  	_ = 	snop;
	(pc) =	sbr.ind lr, $3  }
0x3a: {  	_ = 	snop  }
0x3b: {  	_ = 	snop  }
0x3c: {  	p2 =	seq.s32 s10, $0x1;
	s10 =	sld [smem:$0x3FB9]  }
0x3d: {  	_ =	shalt  }
0x3e: {  	_ =	shalt  }
0x3f: {  	_ =	shalt  }
0x40: {  	_ =	shalt  }
0x41: {  	_ =	shalt  }
0x42: {  	_ =	shalt  }
0x43: {  	_ =	shalt  }
0x44: {  	_ =	shalt  }
0x45: {  	_ =	shalt  }
0x46: {  	_ =	shalt  }
0x47: {  	_ =	shalt  }
0x48: {  	_ =	shalt  }
0x49: {  	_ =	shalt  }
0x4a: {  	_ =	shalt  }
0x4b: {  	_ =	shalt  }
0x4c: {  	_ =	shalt  }
0x4d: {  	_ =	shalt  }
0x4e: {  	_ =	shalt  }
0x4f: {  	_ =	shalt  }
0x50: {  	_ =	shalt  }
0x51: {  	_ =	shalt  }
0x52: {  	_ =	shalt  }
0x53: {  	_ =	shalt  }
0x54: {  	_ =	shalt  }
0x55: {  	_ =	shalt  }
0x56: {  	_ =	shalt  }
0x57: {  	_ =	shalt  }
0x58: {  	_ =	shalt  }
0x59: {  	_ =	shalt  }
0x5a: {  	_ =	shalt  }
0x5b: {  	_ =	shalt  }
0x5c: {  	_ =	shalt  }
0x5d: {  	_ =	shalt  }
0x5e: {  	_ =	shalt  }
0x5f: {  	_ =	shalt  }
0x60: {  	_ =	shalt  }
0x61: {  	_ =	shalt  }
0x62: {  	_ =	shalt  }
0x63: {  	_ =	shalt  }
0x64: {  	_ =	shalt  }
0x65: {  	_ =	shalt  }
0x66: {  	_ =	shalt  }
0x67: {  	_ =	shalt  }
0x68: {  	_ =	shalt  }
0x69: {  	_ =	shalt  }
0x6a: {  	_ =	shalt  }
0x6b: {  	_ =	shalt  }
0x6c: {  	_ =	shalt  }
0x6d: {  	_ =	shalt  }
0x6e: {  	_ =	shalt  }
0x6f: {  	_ =	shalt  }
0x70: {  	_ =	shalt  }
0x71: {  	_ =	shalt  }
0x72: {  	_ =	shalt  }
0x73: {  	_ =	shalt  }
0x74: {  	_ =	shalt  }
0x75: {  	_ =	shalt  }
0x76: {  	_ =	shalt  }
0x77: {  	_ =	shalt  }
0x78: {  	_ =	shalt  }
0x79: {  	_ =	shalt  }
0x7a: {  	_ =	shalt  }
0x7b: {  	_ =	shalt  }
0x7c: {  	_ =	shalt  }
0x7d: {  	_ =	shalt  }
0x7e: {  	_ =	shalt  }
0x7f: {  	_ =	shalt  }
0x80: {  	_ =	shalt  }
0x81: {  	_ =	shalt  }
0x82: {  	_ =	shalt  }
0x83: {  	_ =	shalt  }
0x84: {  	_ =	shalt  }
0x85: {  	_ =	shalt  }
0x86: {  	_ =	shalt  }
0x87: {  	_ =	shalt  }
.Lfunc_end0:
.L_simem_size_0:
called_computation.1_lowered:
.L_overlay_start_0:
0x88: {  	s2 =	sld [smem:$0x3FD9]  }
0x89: {  	s3 =	sld [smem:$0x3FFE];
	_ =	sdelay $0x1  }
0x8a: {  	s1 =	srdreg.scid  }
0x8b: {  	s0 =	sand.u32 $0x1, s1  }
0x8c: {  	s14 =	sshll.u32 s0, $0xA;
	s2 =	sadd.s32 s3, s2  }
0x8d: {  	s2 =	sadd.s32 s2, s14  }
0x8e: {  	[smem:$0x3FC5] =	sst s2  }
0x8f: {  	_ = 	snop  }
0x90: {  	s2 =	sld [smem:$0x3FD0];
	_ =	sdelay $0x2  }
0x91: {  	s15 =	simm.s32 $0xA;
	s4 =	simm.s32 $0x10  }
0x92: {  	[smem:s4], [sflag:s15] =	dma.local [hbm:s2], $0x1  }
0x93: {  	_ =	swait.eq [sflag:s15], $0x1  }
0x94: {  	[sflag:s15] =	ssyncset.done $0x0  }
0x95: {  	s16 =	sld [smem:$0x10];
	[sflag:s15] =	ssyncadd.s32 $0xFFFFFFFF  }
0x96: {  	s17 =	sld [smem:$0x11];
	(tm) =	ssettm $0x1  }
0x97: {  	s18 =	sld [smem:$0x3FFB];
	_ =	sdelay $0x3  }
0x98: {  	_ =	strace s18  }
0x99: {  	s4 =	sld [smem:$0x3FFC];
	_ =	sdelay $0x3  }
0x9a: {  	_ =	strace s4  }
0x9b: {  	s4 =	sld [smem:$0x3FFD];
	_ =	sdelay $0x3  }
0x9c: {  	_ =	strace s4  }
0x9d: {  	_ =	strace $0x8FFFFFFF  }
0x9e: {  	s19 =	sld [smem:$0x3FDB];
	_ =	sdelay $0x1  }
0x9f: {  	s5 =	simm.s32 $_scs_section_size  }
0xa0: {  	s6 =	simm.s32 $_size__tile_overlayer_lowered;
	s7 =	simm.s32 $_tile_overlayer_lowered  }
0xa1: {  	s22 =	simm.s32 $0x1BFF;
	s21 =	sshll.u32 s7, $0x1;
	s4 =	sadd.s32 s5, s19  }
0xa2: {  	s8 =	simm.s32 $0x0;
	s20 =	sshll.u32 s6, $0x1;
	s6 =	sadd.s32 s21, s4  }
0xa3: {  	[timem:s8], [sflag:s22] =	dma.local [hbm:s6], s20  }
0xa4: {  	_ =	swait.ge [sflag:s22], s20  }
0xa5: {  	s5 =	ssub.s32 $0x0, s20;
	[sflag:s22] =	ssyncset.done $0x0  }
0xa6: {  	[sflag:s22] =	ssyncadd.s32 s5;
	_ =	sdelay $0x1  }
0xa7: {  	s23 =	simm.s32 $0x1B8B  }
0xa8: {  	_ =	swait.ge [sflag:s23], $0x1  }
0xa9: {  	[sflag:s23] =	ssyncset.done $0x0  }
0xaa: {  	s25 =	simm.s32 $0x1B8E;
	s24 =	sld [smem:$0x3FFE];
	[sflag:s23] =	ssyncadd.s32 $0xFFFFFFFF  }
0xab: {  	s26 =	simm.s32 $execute0_lowered;
	[smem:$0x3FD2] =	sst s25  }
0xac: {  	s6 =	sshll.u32 s26, $0x1;
	_ =	strace $0x80000046;
	[dreg:$0x1] =	wrdreg $0xFFFFFFFF  }
0xad: {  	s28 =	simm.s32 $_size_execute0_lowered;
	s4 =	sadd.s32 s4, s6;
	[dreg:$0x0] =	wrdreg $0x0  }
0xae: {  	s6 =	sshll.u32 s28, $0x1;
	[dreg:$0x2] =	wrdreg s4  }
0xaf: {  	[dreg:$0x3] =	wrdreg s6  }
0xb0: {  	[dreg:$0x4] =	wrdreg $0xC0  }
0xb1: {  	_ =	task [dreg:s8], $0x5FFFF  }
0xb2: {  	[dreg:$0x1] =	wrdreg $0xFFFFFFFF  }
0xb3: {  	[dreg:$0x0] =	wrdreg $0x60  }
0xb4: {  	[dreg:$0x2] =	wrdreg s24  }
0xb5: {  	[dreg:$0x3] =	wrdreg s17  }
0xb6: {  	[dreg:$0x4] =	wrdreg s16  }
0xb7: {  	[dreg:$0x5] =	wrdreg $0x9  }
0xb8: {  	_ =	task.clear_ibuf [dreg:s8], $0x6FFFF;
	_ =	strace $0x90000046  }
0xb9: {  	s29 =	simm.s32 $0x9;
	_ =	strace $0x80000048  }
0xba: {  	_ =	swait.ge [sflag:s29], $0x1  }
0xbb: {  	[sflag:s29] =	ssyncadd.s32 $0xFFFFFFFF  }
0xbc: {  	_ =	strace $0x90000048  }
0xbd: {  	_ =	sfence  }
0xbe: {  	s30 =	sld [smem:$0x0];
	_ =	sdelay $0x2  }
0xbf: {  	s31 =	sshll.u32 s1, $0xD;
	s1 =	sshrl.u32 s1, $0x2  }
0xc0: {  	s3 =	sand.u32 $0x4000, s31;
	s1 =	sadd.s32 s1, s30  }
0xc1: {  	s0 =	sor.u32 s3, s0;
	s1 =	sshll.u32 s1, $0x11  }
0xc2: {  	s0 =	sor.u32 s1, s0  }
0xc3: {  	s0 =	sadd.s32 $0x8F2B, s0  }
0xc4: {  	[sflag:s0] =	ssyncadd.remote.s32 $0x1  }
0xc5: {  	_ =	sfence.sel $0xFFFF  }
0xc6: {  	[dreg:$0x0] =	wrdreg $0xFFFFFFFF;
	(pc) =	sbr.abs _section_cstart, $3  }
0xc7: {  	[dreg:$0x1] =	wrdreg $0xFFFFFFFF  }
0xc8: {  	_ =	task.clear_ibuf [dreg:s8], $0x2FFFF;
	_ =	strace $0x9FFFFFFF  }
0xc9: {  	(tm) =	ssettm $0x7FFFFFFF  }
tec
execute0_lowered:
.L_overlay_start_1:
0x0: {  	(tag) =	ssettag $0x1  }
0x1: {  	s0 =	rddreg [dreg:$0x0]  }
0x2: {  	s2 =	rddreg [dreg:$0x1]  }
0x3: {  	s1 =	rddreg [dreg:$0x2];
	s15 =	stileid.u32  }
0x4: {  	s3 =	simm.s32 $0x0;
	s7 =	srdreg.scid;
	s28 =	simm.s32 $0x80  }
0x5: {  	s30 =	simm.s32 $0xB180;
	s4 =	sshrl.u32 s15, $0x2;
	[smem:$0x7FF] =	sst s3  }
0x6: {  	s6 =	sadd.s32 $0xE00, s0;
	s7 =	sand.u32 $0x1, s7;
	s8 =	sshll.u32 s15, $0x1  }
0x7: {  	s29 =	sshll.u32 s15, $0x11;
	s5 =	smul.u32 $0x6000, s4;
	_ =	strace $0x80000047  }
0x8: {  	s9 =	ssub.s32 $0x2, s7;
	s8 =	sor.u32 s7, s8;
	s12 =	smul.u32 $0xC00, s4  }
0x9: {  	s24 =	sshll.u32 s4, $0xD;
	s4 =	smul.u32 $0x18000, s4;
	s31 =	sshll.u32 s7, $0x10  }
0xa: {  	s10 =	sshrl.u32 s9, $0x1;
	s11 =	sand.u32 $0x7, s8;
	s14 =	sshll.u32 s8, $0x10  }
0xb: {  	v1 =	vmov s24;
	s24 =	simm.s32 $0x2;
	s5 =	sshrl.u32 s5, $0x3;
	s13 =	ssub.s32 s9, s10  }
0xc: {  	s10 =	sshll.u32 s11, $0x7;
	s21 =	sshll.u32 s11, $0xC;
	s5 =	sadd.s32 s5, s0  }
0xd: {  	s0 =	sadd.s32 $0x4400, s0;
	s12 =	sor.u32 s12, s10;
	s4 =	sor.u32 s4, s21  }
0xe: {  	s13 =	smax.u32 s13, $0x1;
	s21 =	simm.s32 $0x6080;
	s16 =	sadd.s32 $0x1400, s5  }
0xf: {  	s17 =	sadd.s32 $0x1800, s5;
	s18 =	sshrl.u32 s12, $0x3;
	s5 =	sadd.s32 $0x1C00, s5  }
0x10: {  	s20 =	sadd.s32 $0x400, s12;
	s8 =	sadd.s32 $0x800, s12;
	s23 =	sadd.s32 $0x8000, s4  }
0x11: {  	s25 =	sshrl.u32 s4, $0x3;
	s4 =	sadd.s32 $0x10000, s4;
	[dreg:$0x4] =	wrdreg s16  }
0x12: {  	s26 =	sadd.s32 s0, s14;
	s0 =	sadd.s32 s29, s0;
	[dreg:$0x5] =	wrdreg s17  }
0x13: {  	[dreg:$0x6] =	wrdreg s5;
	s19 =	sadd.s32 s6, s18;
	s5 =	sshrl.u32 s20, $0x3  }
0x14: {  	s22 =	sshrl.u32 s8, $0x3;
	s10 =	sadd.s32 s1, s25;
	s4 =	sshrl.u32 s4, $0x3  }
0x15: {  	v0 =	vlaneseq.u32;
	s14 =	sadd.s32 $0xF000, s26;
	s15 =	sadd.s32 $0xF800, s26;
	s16 =	sadd.s32 s31, s0  }
0x16: {  	v0 =	vmul.u32 $0x20, v0;
	s17 =	simm.s32 $0x3;
	s18 =	simm.s32 $0x2000;
	s20 =	simm.s32 $0x6000  }
0x17: {  	s0 =	simm.s32 $0xF180;
	s25 =	simm.s32 $0x0;
	[dreg:$0x7] =	wrdreg s19  }
0x18: {  	v2 =	vimm.s32 $0x0;
	v3 =	vor.u32 $0x200, v0;
	s8 =	sadd.s32 s6, s5;
	s9 =	sadd.s32 s6, s22;
	s5 =	sshrl.u32 s23, $0x3  }
0x19: {  	v4 =	vor.u32 $0x400, v0;
	v5 =	vor.u32 $0x600, v0;
	v6 =	vor.u32 $0x800, v0;
	s12 =	sadd.s32 s1, s4;
	s19 =	simm.s32 $0x4000;
	s22 =	simm.s32 $0x6100  }
0x1a: {  	v7 =	vor.u32 $0xA00, v0;
	v8 =	vor.u32 $0xC00, v0;
	v9 =	vor.u32 $0xE00, v0;
	s23 =	simm.s32 $0x6180;
	s11 =	sadd.s32 s1, s5;
	s1 =	simm.s32 $0x1  }
.LBB2_1:
0x1b: {  	s4 =	rddreg [dreg:$0x4]  }
0x1c: {  	[tilespmem:s3], [sflag:$0x3] =	stream.linear.gather [hbm4b:s4+s3], $0x2000, $0x38;
	[tilespmem:$0x13180] =	vst v63  }
0x1d: {  	_ =	swait.ge [sflag:s17], $0x2000  }
0x1e: {  	[sflag:s17] =	ssyncset.done $0x0  }
0x1f: {  	s26 =	rddreg [dreg:$0x5];
	[sflag:s17] =	ssyncadd.s32 $0xFFFFE000  }
0x20: {  	[tilespmem:s18], [sflag:$0x3] =	stream.linear.gather [hbm4b:s26+s3], $0x2000, $0x38;
	[tilespmem:$0x13180] =	vst v63  }
0x21: {  	_ =	swait.ge [sflag:s17], $0x2000  }
0x22: {  	[sflag:s17] =	ssyncset.done $0x0  }
0x23: {  	s29 =	rddreg [dreg:$0x6];
	[sflag:s17] =	ssyncadd.s32 $0xFFFFE000  }
0x24: {  	[tilespmem:s19], [sflag:$0x3] =	stream.linear.gather [hbm4b:s29+s3], $0x2000, $0x38;
	[tilespmem:$0x13180] =	vst v63  }
0x25: {  	_ =	swait.ge [sflag:s17], $0x2000  }
0x26: {  	[sflag:s17] =	ssyncset.done $0x0  }
0x27: {  	s31 =	rddreg [dreg:$0x7];
	[sflag:s17] =	ssyncadd.s32 $0xFFFFE000  }
0x28: {  	[tilespmem:s20], [sflag:$0x3] =	stream.linear.gather [hbm4b:s31+s3], $0x80, $0x38;
	[tilespmem:$0x13180] =	vst v63  }
0x29: {  	_ =	swait.ge [sflag:s17], $0x80  }
0x2a: {  	[sflag:s17] =	ssyncset.done $0x0  }
0x2b: {  	[sflag:s17] =	ssyncadd.s32 $0xFFFFFF80  }
0x2c: {  	[tilespmem:s21], [sflag:$0x3] =	stream.linear.gather [hbm4b:s8+s3], $0x80, $0x38;
	[tilespmem:$0x13180] =	vst v63  }
0x2d: {  	_ =	swait.ge [sflag:s17], $0x80  }
0x2e: {  	[sflag:s17] =	ssyncset.done $0x0  }
0x2f: {  	[sflag:s17] =	ssyncadd.s32 $0xFFFFFF80  }
0x30: {  	[tilespmem:s22], [sflag:$0x3] =	stream.linear.gather [hbm4b:s9+s3], $0x80, $0x38;
	[tilespmem:$0x13180] =	vst v63  }
0x31: {  	_ =	swait.ge [sflag:s17], $0x80  }
0x32: {  	[sflag:s17] =	ssyncset.done $0x0  }
0x33: {  	[sflag:s17] =	ssyncadd.s32 $0xFFFFFF80  }
0x34: {  	v14 =	vld [tilespmem:$0x6000]  }
0x35: {  	v15 =	vld [tilespmem:$0x6080]  }
0x36: {  	v16 =	vld [tilespmem:$0x6100]  }
0x37: {  	v17 =	vld [tilespmem:$0x6010]  }
0x38: {  	v18 =	vld [tilespmem:$0x6090]  }
0x39: {  	v19 =	vld [tilespmem:$0x6110]  }
0x3a: {  	v20 =	vld [tilespmem:$0x6020]  }
0x3b: {  	v21 =	vld [tilespmem:$0x60A0]  }
0x3c: {  	v22 =	vld [tilespmem:$0x6120]  }
0x3d: {  	v23 =	vld [tilespmem:$0x6030]  }
0x3e: {  	v24 =	vld [tilespmem:$0x60B0]  }
0x3f: {  	v25 =	vld [tilespmem:$0x6130]  }
0x40: {  	v26 =	vld [tilespmem:$0x6040]  }
0x41: {  	v27 =	vld [tilespmem:$0x60C0]  }
0x42: {  	v28 =	vld [tilespmem:$0x6140]  }
0x43: {  	v29 =	vld [tilespmem:$0x6050]  }
0x44: {  	v30 =	vld [tilespmem:$0x60D0]  }
0x45: {  	v31 =	vld [tilespmem:$0x6150]  }
0x46: {  	v32 =	vld [tilespmem:$0x6060]  }
0x47: {  	v33 =	vld [tilespmem:$0x60E0]  }
0x48: {  	v34 =	vld [tilespmem:$0x6160]  }
0x49: {  	v10 =	vimm.s32 $0x0;
	v11 =	vimm.s32 $0x0;
	v12 =	vimm.s32 $0x0;
	v35 =	vld [tilespmem:$0x6070]  }
0x4a: {  	v13 =	vimm.s32 $0x0;
	v39 =	vimm.s32 $0x0;
	v40 =	vimm.s32 $0x0;
	v36 =	vld [tilespmem:$0x60F0]  }
0x4b: {  	v41 =	vimm.s32 $0x0;
	v42 =	vimm.s32 $0x0;
	v38 =	vimm.s32 $0x0;
	s26 =	simm.s32 $0xFFFFFFFC;
	v37 =	vld [tilespmem:$0x6170]  }
.LBB2_2:
0x4c: {  	_ =	sdelay $0x3  }
0x4d: {  	v43 =	vld.idx.msk [tilespmem:v38+s3+$0x0], $0xffff  }
0x4e: {  	v44 =	vld.idx.msk [tilespmem:v38+s18+$0x0], $0xffff  }
0x4f: {  	v45 =	vld.idx.msk [tilespmem:v38+s19+$0x0], $0xffff;
	_ =	sdelay $0x3  }
0x50: {  	vm1 =	vlt.s32 v42, $0x20;
	vm2 =	vlt.s32 v41, $0x20;
	v46 =	vsub.f32 v43, v14  }
0x51: {  	vm3 =	vlt.s32 v40, $0x20;
	v47 =	vsub.f32 v44, v15;
	v48 =	vsub.f32 v45, v16  }
0x52: {  	vm4 =	vlt.s32 v39, $0x20;
	v57 =	vsub.f32 v43, v17;
	v49 =	vsub.f32 v44, v18  }
0x53: {  	vm5 =	vlt.s32 v13, $0x20;
	v60 =	vsub.f32 v45, v19;
	v61 =	vsub.f32 v43, v20  }
0x54: {  	vm6 =	vlt.s32 v12, $0x20;
	v62 =	vsub.f32 v44, v21;
	v50 =	vsub.f32 v43, v23  }
0x55: {  	v51 =	vsub.f32 v44, v24;
	v46 =	vmul.f32 v46, v46;
	v47 =	vmul.f32 v47, v47  }
0x56: {  	v52 =	vsub.f32 v45, v22;
	v56 =	vmul.f32 v48, v48;
	v58 =	vmul.f32 v57, v57  }
0x57: {  	v53 =	vsub.f32 v45, v25;
	v59 =	vmul.f32 v49, v49;
	v48 =	vmul.f32 v61, v61  }
0x58: {  	v49 =	vmul.f32 v62, v62;
	v50 =	vmul.f32 v50, v50;
	v57 =	vsub.f32 v43, v26  }
0x59: {  	v51 =	vmul.f32 v51, v51;
	v61 =	vsub.f32 v45, v28;
	v62 =	vsub.f32 v45, v31  }
0x5a: {  	vm7 =	vlt.s32 v11, $0x20;
	v46 =	vadd.f32 v47, v46;
	v47 =	vadd.f32 v59, v58  }
0x5b: {  	v52 =	vmul.f32 v52, v52;
	v63 =	vadd.f32 v49, v48;
	v54 =	vadd.f32 v51, v50  }
0x5c: {  	v55 =	vmul.f32 v53, v53;
	v58 =	vsub.f32 v44, v27;
	v59 =	vsub.f32 v43, v29  }
0x5d: {  	vm8 =	vlt.s32 v10, $0x20;
	v46 =	vadd.f32 v56, v46;
	v56 =	vadd.f32 v52, v63  }
0x5e: {  	v48 =	vadd.f32 v55, v54;
	v49 =	vmul.f32 v58, v58;
	v50 =	vmul.f32 v59, v59  }
0x5f: {  	v54 =	vadd.s32 v3, v41;
	vm0 =	vlt.f32 v46, $9.999999770e-03;
	v46 =	vmul.f32 v60, v60  }
0x60: {  	v63 =	vmul.f32 v61, v61;
	v59 =	vadd.s32 v5, v39;
	v61 =	vsub.f32 v44, v33  }
0x61: {  	vm10 =	vlt.f32 v56, $9.999999770e-03;
	v60 =	vsub.f32 v44, v30;
	v46 =	vadd.f32 v46, v47  }
0x62: {  	v56 =	vmul.f32 v62, v62;
	v44 =	vsub.f32 v44, v36;
	v62 =	vsub.f32 v45, v34  }
0x63: {  	v51 =	vmul.f32 v60, v60;
	vm9 =	vlt.f32 v46, $9.999999770e-03;
	v46 =	vmul.f32 v57, v57  }
0x64: {  	vm11 =	vlt.f32 v48, $9.999999770e-03;
	v45 =	vsub.f32 v45, v37;
	v60 =	vsub.f32 v43, v32  }
0x65: {  	vm0 =	vmand vm1, vm0;
	v50 =	vadd.f32 v51, v50;
	v46 =	vadd.f32 v49, v46  }
0x66: {  	v47 =	vadd.s32 v0, v42;
	v43 =	vsub.f32 v43, v35;
	v51 =	vmul.f32 v61, v61  }
0x67: {  	v58 =	vadd.f32 v56, v50;
	v50 =	vmul.f32 v60, v60;
	v46 =	vadd.f32 v63, v46  }
0x68: {  	v44 =	vmul.f32 v44, v44;
	v43 =	vmul.f32 v43, v43;
	vm1 =	vmand vm2, vm9  }
0x69: {  	v50 =	vadd.f32 v51, v50;
	vm12 =	vlt.f32 v46, $9.999999770e-03;
	v46 =	vmul.f32 v62, v62  }
0x6a: {  	vm2 =	vmand vm3, vm10;
	v43 =	vadd.f32 v44, v43;
	v63 =	vmul.f32 v45, v45  }
0x6b: {  	v57 =	vadd.s32 v4, v40;
	vm3 =	vmand vm4, vm11;
	v48 =	vadd.f32 v46, v50  }
0x6c: {  	vm13 =	vlt.f32 v58, $9.999999770e-03;
	v43 =	vadd.f32 v63, v43;
	vm5 =	vmand vm5, vm12  }
0x6d: {  	vm6 =	vmand vm6, vm13;
	v50 =	vadd.s32 v6, v13;
	vm14 =	vlt.f32 v48, $9.999999770e-03  }
0x6e: {  	[tilespmem:v47+s23+$0x0] =	vst.idx.msk vm0, v38;
	v51 =	vadd.s32 v7, v12;
	vm15 =	vlt.f32 v43, $9.999999770e-03;
	vm7 =	vmand vm7, vm14  }
0x6f: {  	v53 =	vadd.s32 v8, v11;
	[tilespmem:v54+s23+$0x0] =	vst.idx.msk vm1, v38;
	vm4 =	vmand vm8, vm15  }
0x70: {  	v54 =	vadd.s32 v9, v10;
	[tilespmem:v57+s23+$0x0] =	vst.idx.msk vm2, v38  }
0x71: {  	v47 =	vor.u32 $0x1, v38;
	[tilespmem:v59+s23+$0x0] =	vst.idx.msk vm3, v38  }
0x72: {  	[tilespmem:v50+s23+$0x0] =	vst.idx.msk vm5, v38  }
0x73: {  	[tilespmem:v51+s23+$0x0] =	vst.idx.msk vm6, v38  }
0x74: {  	[tilespmem:v53+s23+$0x0] =	vst.idx.msk vm7, v38  }
0x75: {  	[tilespmem:v54+s23+$0x0] =	vst.idx.msk vm4, v38  }
0x76: {  	v55 =	vsel vm0, $0x1, v2;
	v43 =	vld.idx.msk [tilespmem:v47+s3+$0x0], $0xffff  }
0x77: {  	v42 =	vadd.s32 v55, v42;
	v44 =	vld.idx.msk [tilespmem:v47+s18+$0x0], $0xffff  }
0x78: {  	v52 =	vadd.s32 v0, v42;
	v56 =	vsel vm1, $0x1, v2;
	v48 =	vld.idx.msk [tilespmem:v47+s19+$0x0], $0xffff  }
0x79: {  	vm9 =	vlt.s32 v42, $0x20;
	v41 =	vadd.s32 v56, v41;
	v58 =	vsel vm3, $0x1, v2  }
0x7a: {  	vm11 =	vlt.s32 v41, $0x20;
	v39 =	vadd.s32 v58, v39;
	v62 =	vsel vm6, $0x1, v2  }
0x7b: {  	v12 =	vadd.s32 v62, v12;
	v57 =	vsel vm2, $0x1, v2;
	v59 =	vsel vm5, $0x1, v2  }
0x7c: {  	v40 =	vadd.s32 v57, v40;
	v13 =	vadd.s32 v59, v13;
	v60 =	vsub.f32 v43, v14  }
0x7d: {  	v55 =	vsel vm7, $0x1, v2;
	v61 =	vsub.f32 v44, v15;
	v56 =	vsub.f32 v48, v16  }
0x7e: {  	v49 =	vadd.s32 v55, v11;
	v57 =	vsub.f32 v43, v17;
	v58 =	vsub.f32 v44, v18  }
0x7f: {  	v62 =	vsub.f32 v44, v21;
	v63 =	vmul.f32 v60, v60;
	v54 =	vmul.f32 v61, v61  }
0x80: {  	v59 =	vmul.f32 v56, v56;
	v60 =	vsub.f32 v48, v19;
	v51 =	vmul.f32 v57, v57  }
0x81: {  	v45 =	vmul.f32 v58, v58;
	v61 =	vsub.f32 v43, v20;
	v57 =	vmul.f32 v62, v62  }
0x82: {  	v11 =	vadd.f32 v54, v63;
	v63 =	vsel vm4, $0x1, v2;
	v55 =	vmul.f32 v60, v60  }
0x83: {  	v45 =	vadd.f32 v45, v51;
	v56 =	vmul.f32 v61, v61;
	v60 =	vsub.f32 v44, v24  }
0x84: {  	v10 =	vadd.s32 v63, v10;
	v63 =	vsub.f32 v43, v26;
	v11 =	vadd.f32 v59, v11  }
0x85: {  	vm15 =	vlt.s32 v39, $0x20;
	v45 =	vadd.f32 v55, v45;
	v58 =	vadd.f32 v57, v56  }
0x86: {  	vm13 =	vlt.s32 v40, $0x20;
	v59 =	vsub.f32 v43, v23;
	v56 =	vsub.f32 v44, v27  }
0x87: {  	v62 =	vmul.f32 v60, v60;
	v57 =	vsub.f32 v48, v25;
	v60 =	vsub.f32 v48, v31  }
0x88: {  	v55 =	vadd.s32 v4, v40;
	v50 =	vmul.f32 v63, v63;
	v63 =	vsub.f32 v44, v33  }
0x89: {  	vm8 =	vlt.f32 v11, $9.999999770e-03;
	v11 =	vsub.f32 v48, v22;
	vm10 =	vlt.f32 v45, $9.999999770e-03  }
0x8a: {  	v61 =	vmul.f32 v59, v59;
	v51 =	vmul.f32 v56, v56;
	v59 =	vsub.f32 v44, v30  }
0x8b: {  	v53 =	vmul.f32 v57, v57;
	v44 =	vsub.f32 v44, v36;
	v11 =	vmul.f32 v11, v11  }
0x8c: {  	v57 =	vadd.s32 v5, v39;
	vm0 =	vmand vm9, vm8;
	vm1 =	vmand vm11, vm10  }
0x8d: {  	vm9 =	vlt.s32 v13, $0x20;
	v45 =	vadd.f32 v62, v61;
	v11 =	vadd.f32 v11, v58  }
0x8e: {  	vm11 =	vlt.s32 v12, $0x20;
	v50 =	vadd.f32 v51, v50;
	v58 =	vsub.f32 v48, v28  }
0x8f: {  	v54 =	vmul.f32 v59, v59;
	vm12 =	vlt.f32 v11, $9.999999770e-03;
	v11 =	vsub.f32 v43, v29  }
0x90: {  	v61 =	vmul.f32 v60, v60;
	v45 =	vadd.f32 v53, v45;
	v46 =	vmul.f32 v58, v58  }
0x91: {  	v62 =	vsub.f32 v43, v32;
	v44 =	vmul.f32 v44, v44;
	v11 =	vmul.f32 v11, v11  }
0x92: {  	v59 =	vadd.s32 v6, v13;
	vm14 =	vlt.f32 v45, $9.999999770e-03;
	v46 =	vadd.f32 v46, v50  }
0x93: {  	v43 =	vsub.f32 v43, v35;
	v45 =	vmul.f32 v62, v62;
	v11 =	vadd.f32 v54, v11  }
0x94: {  	vm8 =	vlt.f32 v46, $9.999999770e-03;
	v54 =	vsub.f32 v48, v34;
	v46 =	vmul.f32 v63, v63  }
0x95: {  	v53 =	vadd.s32 v3, v41;
	v43 =	vmul.f32 v43, v43;
	v48 =	vsub.f32 v48, v37  }
0x96: {  	v11 =	vadd.f32 v61, v11;
	v45 =	vadd.f32 v46, v45;
	v56 =	vmul.f32 v54, v54  }
0x97: {  	vm3 =	vmand vm13, vm12;
	v43 =	vadd.f32 v44, v43;
	v58 =	vmul.f32 v48, v48  }
0x98: {  	vm2 =	vmand vm15, vm14;
	vm10 =	vlt.f32 v11, $9.999999770e-03;
	v11 =	vadd.f32 v56, v45  }
0x99: {  	v60 =	vadd.s32 v7, v12;
	vm4 =	vmand vm9, vm8;
	v43 =	vadd.f32 v58, v43  }
0x9a: {  	vm13 =	vlt.s32 v49, $0x20;
	vm6 =	vmand vm11, vm10;
	vm12 =	vlt.f32 v11, $9.999999770e-03  }
0x9b: {  	[tilespmem:v52+s23+$0x0] =	vst.idx.msk vm0, v47;
	vm15 =	vlt.s32 v10, $0x20;
	vm14 =	vlt.f32 v43, $9.999999770e-03;
	vm7 =	vmand vm13, vm12  }
0x9c: {  	[tilespmem:v53+s23+$0x0] =	vst.idx.msk vm1, v47;
	v11 =	vadd.s32 v8, v49;
	vm5 =	vmand vm15, vm14  }
0x9d: {  	v61 =	vadd.s32 v9, v10;
	[tilespmem:v55+s23+$0x0] =	vst.idx.msk vm3, v47  }
0x9e: {  	v46 =	vor.u32 $0x2, v38;
	[tilespmem:v57+s23+$0x0] =	vst.idx.msk vm2, v47  }
0x9f: {  	[tilespmem:v59+s23+$0x0] =	vst.idx.msk vm4, v47  }
0xa0: {  	[tilespmem:v60+s23+$0x0] =	vst.idx.msk vm6, v47  }
0xa1: {  	[tilespmem:v11+s23+$0x0] =	vst.idx.msk vm7, v47  }
0xa2: {  	[tilespmem:v61+s23+$0x0] =	vst.idx.msk vm5, v47  }
0xa3: {  	v62 =	vsel vm3, $0x1, v2;
	v43 =	vld.idx.msk [tilespmem:v46+s3+$0x0], $0xffff  }
0xa4: {  	v40 =	vadd.s32 v62, v40;
	v63 =	vsel vm4, $0x1, v2;
	v11 =	vsel vm0, $0x1, v2;
	v44 =	vld.idx.msk [tilespmem:v46+s18+$0x0], $0xffff  }
0xa5: {  	v13 =	vadd.s32 v63, v13;
	v42 =	vadd.s32 v11, v42;
	v11 =	vsel vm1, $0x1, v2;
	v47 =	vld.idx.msk [tilespmem:v46+s19+$0x0], $0xffff  }
0xa6: {  	vm13 =	vlt.s32 v40, $0x20;
	v41 =	vadd.s32 v11, v41;
	v11 =	vsel vm2, $0x1, v2  }
0xa7: {  	v63 =	vsel vm5, $0x1, v2;
	v39 =	vadd.s32 v11, v39;
	v11 =	vsel vm6, $0x1, v2  }
0xa8: {  	vm9 =	vlt.s32 v42, $0x20;
	vm11 =	vlt.s32 v41, $0x20;
	v11 =	vadd.s32 v11, v12  }
0xa9: {  	v12 =	vsel vm7, $0x1, v2;
	v52 =	vsub.f32 v43, v14;
	v53 =	vsub.f32 v44, v15  }
0xaa: {  	vm15 =	vlt.s32 v39, $0x20;
	v56 =	vsub.f32 v47, v16;
	v57 =	vsub.f32 v43, v17  }
0xab: {  	v12 =	vadd.s32 v12, v49;
	v58 =	vsub.f32 v44, v18;
	v60 =	vsub.f32 v47, v19  }
0xac: {  	v61 =	vsub.f32 v43, v20;
	v54 =	vmul.f32 v52, v52;
	v55 =	vmul.f32 v53, v53  }
0xad: {  	v62 =	vsub.f32 v44, v21;
	v51 =	vmul.f32 v57, v57;
	v48 =	vmul.f32 v58, v58  }
0xae: {  	v57 =	vmul.f32 v61, v61;
	v52 =	vadd.s32 v63, v10;
	v10 =	vsub.f32 v47, v22  }
0xaf: {  	v58 =	vmul.f32 v62, v62;
	v61 =	vsub.f32 v43, v23;
	v62 =	vsub.f32 v44, v24  }
0xb0: {  	v59 =	vmul.f32 v56, v56;
	v45 =	vadd.f32 v55, v54;
	v48 =	vadd.f32 v48, v51  }
0xb1: {  	v56 =	vmul.f32 v60, v60;
	v60 =	vadd.f32 v58, v57;
	v57 =	vsub.f32 v43, v26  }
0xb2: {  	v63 =	vmul.f32 v61, v61;
	v58 =	vsub.f32 v44, v27;
	v61 =	vsub.f32 v44, v30  }
0xb3: {  	v10 =	vmul.f32 v10, v10;
	v55 =	vsub.f32 v44, v33;
	v44 =	vsub.f32 v44, v36  }
0xb4: {  	v51 =	vadd.s32 v0, v42;
	v45 =	vadd.f32 v59, v45;
	v59 =	vadd.f32 v56, v48  }
0xb5: {  	v10 =	vadd.f32 v10, v60;
	v56 =	vmul.f32 v62, v62;
	v60 =	vsub.f32 v47, v28  }
0xb6: {  	v49 =	vmul.f32 v57, v57;
	v50 =	vmul.f32 v58, v58;
	v62 =	vsub.f32 v47, v31  }
0xb7: {  	v54 =	vmul.f32 v61, v61;
	v44 =	vmul.f32 v44, v44;
	v57 =	vadd.s32 v4, v40  }
0xb8: {  	v61 =	vadd.s32 v6, v13;
	vm8 =	vlt.f32 v45, $9.999999770e-03;
	vm10 =	vlt.f32 v59, $9.999999770e-03  }
0xb9: {  	v59 =	vsub.f32 v47, v25;
	v45 =	vadd.f32 v56, v63;
	vm12 =	vlt.f32 v10, $9.999999770e-03  }
0xba: {  	v10 =	vsub.f32 v43, v29;
	v49 =	vadd.f32 v50, v49;
	v48 =	vmul.f32 v60, v60  }
0xbb: {  	v63 =	vmul.f32 v62, v62;
	v56 =	vsub.f32 v47, v34;
	v53 =	vmul.f32 v59, v59  }
0xbc: {  	v47 =	vsub.f32 v47, v37;
	v62 =	vadd.s32 v7, v11;
	v10 =	vmul.f32 v10, v10  }
0xbd: {  	vm0 =	vmand vm9, vm8;
	v48 =	vadd.f32 v48, v49;
	v45 =	vadd.f32 v53, v45  }
0xbe: {  	vm1 =	vmand vm11, vm10;
	v10 =	vadd.f32 v54, v10;
	v54 =	vsub.f32 v43, v32  }
0xbf: {  	vm3 =	vmand vm13, vm12;
	vm8 =	vlt.f32 v48, $9.999999770e-03;
	v43 =	vsub.f32 v43, v35  }
0xc0: {  	v48 =	vmul.f32 v55, v55;
	vm14 =	vlt.f32 v45, $9.999999770e-03;
	v45 =	vmul.f32 v54, v54  }
0xc1: {  	vm9 =	vlt.s32 v13, $0x20;
	vm11 =	vlt.s32 v11, $0x20;
	v43 =	vmul.f32 v43, v43  }
0xc2: {  	v58 =	vmul.f32 v56, v56;
	v10 =	vadd.f32 v63, v10;
	v45 =	vadd.f32 v48, v45  }
0xc3: {  	v60 =	vmul.f32 v47, v47;
	v53 =	vadd.s32 v3, v41;
	v43 =	vadd.f32 v44, v43  }
0xc4: {  	vm2 =	vmand vm15, vm14;
	vm10 =	vlt.f32 v10, $9.999999770e-03;
	v10 =	vadd.f32 v58, v45  }
0xc5: {  	v59 =	vadd.s32 v5, v39;
	vm4 =	vmand vm9, vm8;
	v43 =	vadd.f32 v60, v43  }
0xc6: {  	vm13 =	vlt.s32 v12, $0x20;
	vm6 =	vmand vm11, vm10;
	vm12 =	vlt.f32 v10, $9.999999770e-03  }
0xc7: {  	[tilespmem:v51+s23+$0x0] =	vst.idx.msk vm0, v46;
	vm15 =	vlt.s32 v52, $0x20;
	vm14 =	vlt.f32 v43, $9.999999770e-03;
	vm7 =	vmand vm13, vm12  }
0xc8: {  	v63 =	vadd.s32 v8, v12;
	[tilespmem:v53+s23+$0x0] =	vst.idx.msk vm1, v46;
	vm5 =	vmand vm15, vm14  }
0xc9: {  	v48 =	vadd.s32 v9, v52;
	[tilespmem:v57+s23+$0x0] =	vst.idx.msk vm3, v46  }
0xca: {  	v10 =	vor.u32 $0x3, v38;
	[tilespmem:v59+s23+$0x0] =	vst.idx.msk vm2, v46  }
0xcb: {  	[tilespmem:v61+s23+$0x0] =	vst.idx.msk vm4, v46  }
0xcc: {  	[tilespmem:v62+s23+$0x0] =	vst.idx.msk vm6, v46  }
0xcd: {  	[tilespmem:v63+s23+$0x0] =	vst.idx.msk vm7, v46  }
0xce: {  	[tilespmem:v48+s23+$0x0] =	vst.idx.msk vm5, v46  }
0xcf: {  	v50 =	vsel vm0, $0x1, v2;
	v43 =	vld.idx.msk [tilespmem:v10+s3+$0x0], $0xffff  }
0xd0: {  	v42 =	vadd.s32 v50, v42;
	v51 =	vsel vm1, $0x1, v2;
	v54 =	vsel vm2, $0x1, v2;
	v44 =	vld.idx.msk [tilespmem:v10+s18+$0x0], $0xffff  }
0xd1: {  	v41 =	vadd.s32 v51, v41;
	v53 =	vsel vm3, $0x1, v2;
	v39 =	vadd.s32 v54, v39;
	v47 =	vld.idx.msk [tilespmem:v10+s19+$0x0], $0xffff  }
0xd2: {  	vm10 =	vlt.s32 v42, $0x20;
	v57 =	vsel vm4, $0x1, v2;
	v51 =	vsel vm6, $0x1, v2  }
0xd3: {  	v40 =	vadd.s32 v53, v40;
	v13 =	vadd.s32 v57, v13;
	v11 =	vadd.s32 v51, v11  }
0xd4: {  	vm13 =	vlt.s32 v41, $0x20;
	vm14 =	vlt.s32 v40, $0x20;
	v55 =	vsub.f32 v43, v14  }
0xd5: {  	v61 =	vsel vm7, $0x1, v2;
	v56 =	vsub.f32 v44, v15;
	v58 =	vsub.f32 v43, v17  }
0xd6: {  	v51 =	vadd.s32 v61, v12;
	v59 =	vsub.f32 v44, v18;
	v60 =	vsub.f32 v47, v16  }
0xd7: {  	v62 =	vsub.f32 v47, v19;
	v45 =	vmul.f32 v55, v55;
	v46 =	vmul.f32 v56, v56  }
0xd8: {  	v49 =	vmul.f32 v58, v58;
	v50 =	vmul.f32 v59, v59;
	v59 =	vsub.f32 v43, v20  }
0xd9: {  	v63 =	vmul.f32 v60, v60;
	v60 =	vsub.f32 v44, v21;
	v56 =	vsub.f32 v43, v23  }
0xda: {  	v58 =	vmul.f32 v62, v62;
	v55 =	vsub.f32 v47, v31;
	v45 =	vadd.f32 v46, v45  }
0xdb: {  	v57 =	vadd.f32 v50, v49;
	v61 =	vmul.f32 v59, v59;
	v59 =	vsub.f32 v47, v25  }
0xdc: {  	v62 =	vmul.f32 v60, v60;
	v60 =	vsub.f32 v44, v27;
	v12 =	vadd.f32 v63, v45  }
0xdd: {  	v50 =	vmul.f32 v56, v56;
	v45 =	vadd.f32 v58, v57;
	v57 =	vsub.f32 v44, v24  }
0xde: {  	v63 =	vsel vm5, $0x1, v2;
	v58 =	vsub.f32 v47, v22;
	v46 =	vadd.f32 v62, v61  }
0xdf: {  	v48 =	vmul.f32 v59, v59;
	vm8 =	vlt.f32 v12, $9.999999770e-03;
	v12 =	vsub.f32 v43, v26  }
0xe0: {  	v61 =	vsub.f32 v47, v28;
	v54 =	vmul.f32 v60, v60;
	v53 =	vmul.f32 v57, v57  }
0xe1: {  	v59 =	vsub.f32 v44, v33;
	v49 =	vadd.s32 v63, v52;
	v12 =	vmul.f32 v12, v12  }
0xe2: {  	v52 =	vmul.f32 v58, v58;
	v50 =	vadd.f32 v53, v50;
	v53 =	vsub.f32 v43, v29  }
0xe3: {  	vm15 =	vlt.s32 v39, $0x20;
	v12 =	vadd.f32 v54, v12;
	v54 =	vsub.f32 v44, v30  }
0xe4: {  	v60 =	vsub.f32 v44, v36;
	v62 =	vadd.f32 v52, v46;
	v52 =	vmul.f32 v61, v61  }
0xe5: {  	vm9 =	vlt.f32 v45, $9.999999770e-03;
	v45 =	vmul.f32 v53, v53;
	v56 =	vmul.f32 v54, v54  }
0xe6: {  	v57 =	vadd.s32 v0, v42;
	v58 =	vsub.f32 v43, v32;
	vm0 =	vmand vm10, vm8  }
0xe7: {  	v46 =	vmul.f32 v55, v55;
	v12 =	vadd.f32 v52, v12;
	v45 =	vadd.f32 v56, v45  }
0xe8: {  	vm3 =	vmand vm13, vm9;
	vm9 =	vlt.s32 v13, $0x20;
	vm13 =	vlt.s32 v51, $0x20  }
0xe9: {  	v61 =	vsub.f32 v47, v34;
	vm8 =	vlt.f32 v12, $9.999999770e-03;
	v12 =	vadd.f32 v46, v45  }
0xea: {  	v47 =	vsub.f32 v47, v37;
	v55 =	vadd.s32 v7, v11;
	v63 =	vadd.f32 v48, v50  }
0xeb: {  	v44 =	vmul.f32 v61, v61;
	vm10 =	vlt.f32 v12, $9.999999770e-03;
	v12 =	vsub.f32 v43, v35  }
0xec: {  	vm11 =	vlt.f32 v62, $9.999999770e-03;
	v45 =	vmul.f32 v58, v58;
	v46 =	vmul.f32 v59, v59  }
0xed: {  	v62 =	vadd.s32 v3, v41;
	v43 =	vmul.f32 v60, v60;
	v12 =	vmul.f32 v12, v12  }
0xee: {  	v53 =	vadd.s32 v5, v39;
	vm1 =	vmand vm14, vm11;
	v45 =	vadd.f32 v46, v45  }
0xef: {  	vm12 =	vlt.f32 v63, $9.999999770e-03;
	v52 =	vmul.f32 v47, v47;
	v12 =	vadd.f32 v43, v12  }
0xf0: {  	v63 =	vadd.s32 v4, v40;
	vm2 =	vmand vm15, vm12;
	v44 =	vadd.f32 v44, v45  }
0xf1: {  	vm11 =	vlt.s32 v11, $0x20;
	vm4 =	vmand vm9, vm8;
	v12 =	vadd.f32 v52, v12  }
0xf2: {  	v54 =	vadd.s32 v6, v13;
	vm5 =	vmand vm11, vm10;
	vm12 =	vlt.f32 v44, $9.999999770e-03  }
0xf3: {  	[tilespmem:v57+s23+$0x0] =	vst.idx.msk vm0, v10;
	vm15 =	vlt.s32 v49, $0x20;
	vm6 =	vmand vm13, vm12;
	vm14 =	vlt.f32 v12, $9.999999770e-03  }
0xf4: {  	s26 =	sadd.s32 $0x4, s26;
	v56 =	vadd.s32 v8, v51;
	[tilespmem:v62+s23+$0x0] =	vst.idx.msk vm3, v10;
	vm7 =	vmand vm15, vm14  }
0xf5: {  	p0 =	slt.u32 s26, $0x1FFC;
	v57 =	vsel vm3, $0x1, v2;
	v58 =	vadd.s32 v9, v49;
	v59 =	vsel vm1, $0x1, v2;
	[tilespmem:v63+s23+$0x0] =	vst.idx.msk vm1, v10  }
.Ltmp0:
0xf6: {  	v41 =	vadd.s32 v57, v41;
	v61 =	vsel vm4, $0x1, v2;
	v40 =	vadd.s32 v59, v40;
	[tilespmem:v53+s23+$0x0] =	vst.idx.msk vm2, v10;
	(pc) =	sbr.rel @p0 .LBB2_2-.Ltmp0, $4  }
0xf7: {  	v13 =	vadd.s32 v61, v13;
	v60 =	vsel vm2, $0x1, v2;
	[tilespmem:v54+s23+$0x0] =	vst.idx.msk vm4, v10;
	v12 =	vsel vm0, $0x1, v2  }
0xf8: {  	v39 =	vadd.s32 v60, v39;
	v62 =	vsel vm5, $0x1, v2;
	[tilespmem:v55+s23+$0x0] =	vst.idx.msk vm5, v10;
	v42 =	vadd.s32 v12, v42  }
0xf9: {  	v12 =	vadd.s32 v62, v11;
	v11 =	vsel vm6, $0x1, v2;
	v63 =	vsel vm7, $0x1, v2;
	[tilespmem:v56+s23+$0x0] =	vst.idx.msk vm6, v10  }
0xfa: {  	v38 =	vadd.s32 $0x4, v38;
	v11 =	vadd.s32 v11, v51;
	[tilespmem:v58+s23+$0x0] =	vst.idx.msk vm7, v10;
	v10 =	vadd.s32 v63, v49  }
0xfb: {  	_ =	sdelay $0x3  }
0xfc: {  	v14 =	vld.idx.msk [tilespmem:v0+s23+$0x0], $0xffff;
	s4 =	simm.s32 $0x0  }
0xfd: {  	s5 =	simm.s32 $0x1;
	vm4 =	vle.s32 v42, s4  }
0xfe: {  	v18 =	vor.u32 s4, v0;
	vm5 =	vle.s32 v42, s5  }
0xff: {  	s6 =	simm.s32 $0x2;
	v19 =	vor.u32 s5, v0  }
0x100: {  	vm0 =	vgt.s32 v42, $0x0;
	s7 =	simm.s32 $0x3;
	vm1 =	vle.s32 v42, s6  }
0x101: {  	s26 =	simm.s32 $0x4;
	v15 =	vor.u32 s6, v0;
	v14 =	vnsel vm0, $0x0, v14;
	vm0 =	vle.s32 v42, s7  }
0x102: {  	s29 =	simm.s32 $0x5;
	v16 =	vor.u32 s7, v0;
	vm2 =	vle.s32 v42, s26;
	v17 =	vor.u32 s26, v0;
	s6 =	simm.s32 $0x6  }
0x103: {  	s31 =	simm.s32 $0x7;
	vm3 =	vle.s32 v42, s29;
	v20 =	vor.u32 s6, v0;
	[tilespmem:v18+s23+$0x0] =	vst.idx.msk vm4, v14;
	v18 =	vor.u32 s29, v0  }
0x104: {  	s4 =	simm.s32 $0x8;
	vm4 =	vle.s32 v42, s6;
	[tilespmem:v19+s23+$0x0] =	vst.idx.msk vm5, v14;
	v19 =	vor.u32 s31, v0;
	vm5 =	vle.s32 v42, s31  }
.LBB2_4:
0x105: {  	s5 =	sadd.s32 $0x1, s4  }
0x106: {  	vm6 =	vle.s32 v42, s4;
	p0 =	slt.u32 s4, $0x18;
	[tilespmem:v15+s23+$0x0] =	vst.idx.msk vm1, v14;
	s6 =	smov.u32 s4;
	s4 =	sadd.s32 $0x8, s4  }
0x107: {  	v21 =	vor.u32 s6, v0;
	vm7 =	vle.s32 v42, s5;
	s7 =	sadd.s32 $0x2, s6;
	[tilespmem:v16+s23+$0x0] =	vst.idx.msk vm0, v14  }
0x108: {  	v22 =	vor.u32 s5, v0;
	s5 =	sadd.s32 $0x3, s6;
	vm1 =	vle.s32 v42, s7;
	[tilespmem:v17+s23+$0x0] =	vst.idx.msk vm2, v14  }
.Ltmp1:
0x109: {  	v15 =	vor.u32 s7, v0;
	vm0 =	vle.s32 v42, s5;
	s7 =	sadd.s32 $0x4, s6;
	[tilespmem:v18+s23+$0x0] =	vst.idx.msk vm3, v14;
	(pc) =	sbr.rel @p0 .LBB2_4-.Ltmp1, $4  }
0x10a: {  	v16 =	vor.u32 s5, v0;
	s5 =	sadd.s32 $0x5, s6;
	vm2 =	vle.s32 v42, s7;
	[tilespmem:v20+s23+$0x0] =	vst.idx.msk vm4, v14  }
0x10b: {  	v17 =	vor.u32 s7, v0;
	vm3 =	vle.s32 v42, s5;
	s7 =	sadd.s32 $0x6, s6;
	[tilespmem:v19+s23+$0x0] =	vst.idx.msk vm5, v14  }
0x10c: {  	v18 =	vor.u32 s5, v0;
	s5 =	sadd.s32 $0x7, s6;
	vm4 =	vle.s32 v42, s7;
	[tilespmem:v21+s23+$0x0] =	vst.idx.msk vm6, v14  }
0x10d: {  	v20 =	vor.u32 s7, v0;
	v19 =	vor.u32 s5, v0;
	vm5 =	vle.s32 v42, s5;
	[tilespmem:v22+s23+$0x0] =	vst.idx.msk vm7, v14  }
0x10e: {  	_ =	sdelay $0x4  }
0x10f: {  	[tilespmem:v15+s23+$0x0] =	vst.idx.msk vm1, v14  }
0x110: {  	[tilespmem:v16+s23+$0x0] =	vst.idx.msk vm0, v14  }
0x111: {  	[tilespmem:v17+s23+$0x0] =	vst.idx.msk vm2, v14  }
0x112: {  	[tilespmem:v18+s23+$0x0] =	vst.idx.msk vm3, v14  }
0x113: {  	[tilespmem:v20+s23+$0x0] =	vst.idx.msk vm4, v14  }
0x114: {  	[tilespmem:v19+s23+$0x0] =	vst.idx.msk vm5, v14  }
0x115: {  	s4 =	simm.s32 $0x0;
	v14 =	vld.idx.msk [tilespmem:v3+s23+$0x0], $0xffff  }
0x116: {  	s5 =	simm.s32 $0x1;
	vm4 =	vle.s32 v41, s4  }
0x117: {  	v18 =	vor.u32 s4, v3;
	vm5 =	vle.s32 v41, s5  }
0x118: {  	s6 =	simm.s32 $0x2;
	v19 =	vor.u32 s5, v3  }
0x119: {  	s7 =	simm.s32 $0x3;
	vm0 =	vgt.s32 v41, $0x0;
	vm1 =	vle.s32 v41, s6  }
0x11a: {  	s26 =	simm.s32 $0x4;
	v15 =	vor.u32 s6, v3;
	v14 =	vnsel vm0, $0x0, v14;
	vm0 =	vle.s32 v41, s7  }
0x11b: {  	s29 =	simm.s32 $0x5;
	v16 =	vor.u32 s7, v3;
	s6 =	simm.s32 $0x6;
	vm2 =	vle.s32 v41, s26;
	v17 =	vor.u32 s26, v3  }
0x11c: {  	s31 =	simm.s32 $0x7;
	vm3 =	vle.s32 v41, s29;
	v20 =	vor.u32 s6, v3;
	[tilespmem:v18+s23+$0x0] =	vst.idx.msk vm4, v14;
	v18 =	vor.u32 s29, v3  }
0x11d: {  	s4 =	simm.s32 $0x8;
	vm4 =	vle.s32 v41, s6;
	[tilespmem:v19+s23+$0x0] =	vst.idx.msk vm5, v14;
	v19 =	vor.u32 s31, v3;
	vm5 =	vle.s32 v41, s31  }
.LBB2_6:
0x11e: {  	s5 =	sadd.s32 $0x1, s4  }
0x11f: {  	vm6 =	vle.s32 v41, s4;
	p0 =	slt.u32 s4, $0x18;
	[tilespmem:v15+s23+$0x0] =	vst.idx.msk vm1, v14;
	s6 =	smov.u32 s4;
	s4 =	sadd.s32 $0x8, s4  }
0x120: {  	v21 =	vor.u32 s6, v3;
	vm7 =	vle.s32 v41, s5;
	s7 =	sadd.s32 $0x2, s6;
	[tilespmem:v16+s23+$0x0] =	vst.idx.msk vm0, v14  }
0x121: {  	v22 =	vor.u32 s5, v3;
	s5 =	sadd.s32 $0x3, s6;
	vm1 =	vle.s32 v41, s7;
	[tilespmem:v17+s23+$0x0] =	vst.idx.msk vm2, v14  }
.Ltmp2:
0x122: {  	v15 =	vor.u32 s7, v3;
	vm0 =	vle.s32 v41, s5;
	s7 =	sadd.s32 $0x4, s6;
	[tilespmem:v18+s23+$0x0] =	vst.idx.msk vm3, v14;
	(pc) =	sbr.rel @p0 .LBB2_6-.Ltmp2, $4  }
0x123: {  	v16 =	vor.u32 s5, v3;
	s5 =	sadd.s32 $0x5, s6;
	vm2 =	vle.s32 v41, s7;
	[tilespmem:v20+s23+$0x0] =	vst.idx.msk vm4, v14  }
0x124: {  	v17 =	vor.u32 s7, v3;
	vm3 =	vle.s32 v41, s5;
	s7 =	sadd.s32 $0x6, s6;
	[tilespmem:v19+s23+$0x0] =	vst.idx.msk vm5, v14  }
0x125: {  	v18 =	vor.u32 s5, v3;
	s5 =	sadd.s32 $0x7, s6;
	vm4 =	vle.s32 v41, s7;
	[tilespmem:v21+s23+$0x0] =	vst.idx.msk vm6, v14  }
0x126: {  	v20 =	vor.u32 s7, v3;
	v19 =	vor.u32 s5, v3;
	vm5 =	vle.s32 v41, s5;
	[tilespmem:v22+s23+$0x0] =	vst.idx.msk vm7, v14  }
0x127: {  	_ =	sdelay $0x4  }
0x128: {  	[tilespmem:v15+s23+$0x0] =	vst.idx.msk vm1, v14  }
0x129: {  	[tilespmem:v16+s23+$0x0] =	vst.idx.msk vm0, v14  }
0x12a: {  	[tilespmem:v17+s23+$0x0] =	vst.idx.msk vm2, v14  }
0x12b: {  	[tilespmem:v18+s23+$0x0] =	vst.idx.msk vm3, v14  }
0x12c: {  	[tilespmem:v20+s23+$0x0] =	vst.idx.msk vm4, v14  }
0x12d: {  	[tilespmem:v19+s23+$0x0] =	vst.idx.msk vm5, v14  }
0x12e: {  	s4 =	simm.s32 $0x0;
	v14 =	vld.idx.msk [tilespmem:v4+s23+$0x0], $0xffff  }
0x12f: {  	s5 =	simm.s32 $0x1;
	vm4 =	vle.s32 v40, s4  }
0x130: {  	v18 =	vor.u32 s4, v4;
	vm5 =	vle.s32 v40, s5  }
0x131: {  	s6 =	simm.s32 $0x2;
	v19 =	vor.u32 s5, v4  }
0x132: {  	s7 =	simm.s32 $0x3;
	vm0 =	vgt.s32 v40, $0x0;
	vm1 =	vle.s32 v40, s6  }
0x133: {  	s26 =	simm.s32 $0x4;
	v15 =	vor.u32 s6, v4;
	v14 =	vnsel vm0, $0x0, v14;
	vm0 =	vle.s32 v40, s7  }
0x134: {  	s29 =	simm.s32 $0x5;
	v16 =	vor.u32 s7, v4;
	s6 =	simm.s32 $0x6;
	vm2 =	vle.s32 v40, s26;
	v17 =	vor.u32 s26, v4  }
0x135: {  	s31 =	simm.s32 $0x7;
	vm3 =	vle.s32 v40, s29;
	v20 =	vor.u32 s6, v4;
	[tilespmem:v18+s23+$0x0] =	vst.idx.msk vm4, v14;
	v18 =	vor.u32 s29, v4  }
0x136: {  	s4 =	simm.s32 $0x8;
	vm4 =	vle.s32 v40, s6;
	[tilespmem:v19+s23+$0x0] =	vst.idx.msk vm5, v14;
	v19 =	vor.u32 s31, v4;
	vm5 =	vle.s32 v40, s31  }
.LBB2_8:
0x137: {  	s5 =	sadd.s32 $0x1, s4  }
0x138: {  	vm6 =	vle.s32 v40, s4;
	p0 =	slt.u32 s4, $0x18;
	[tilespmem:v15+s23+$0x0] =	vst.idx.msk vm1, v14;
	s6 =	smov.u32 s4;
	s4 =	sadd.s32 $0x8, s4  }
0x139: {  	v21 =	vor.u32 s6, v4;
	vm7 =	vle.s32 v40, s5;
	s7 =	sadd.s32 $0x2, s6;
	[tilespmem:v16+s23+$0x0] =	vst.idx.msk vm0, v14  }
0x13a: {  	v22 =	vor.u32 s5, v4;
	s5 =	sadd.s32 $0x3, s6;
	vm1 =	vle.s32 v40, s7;
	[tilespmem:v17+s23+$0x0] =	vst.idx.msk vm2, v14  }
.Ltmp3:
0x13b: {  	v15 =	vor.u32 s7, v4;
	vm0 =	vle.s32 v40, s5;
	s7 =	sadd.s32 $0x4, s6;
	[tilespmem:v18+s23+$0x0] =	vst.idx.msk vm3, v14;
	(pc) =	sbr.rel @p0 .LBB2_8-.Ltmp3, $4  }
0x13c: {  	v16 =	vor.u32 s5, v4;
	s5 =	sadd.s32 $0x5, s6;
	vm2 =	vle.s32 v40, s7;
	[tilespmem:v20+s23+$0x0] =	vst.idx.msk vm4, v14  }
0x13d: {  	v17 =	vor.u32 s7, v4;
	vm3 =	vle.s32 v40, s5;
	s7 =	sadd.s32 $0x6, s6;
	[tilespmem:v19+s23+$0x0] =	vst.idx.msk vm5, v14  }
0x13e: {  	v18 =	vor.u32 s5, v4;
	s5 =	sadd.s32 $0x7, s6;
	vm4 =	vle.s32 v40, s7;
	[tilespmem:v21+s23+$0x0] =	vst.idx.msk vm6, v14  }
0x13f: {  	v20 =	vor.u32 s7, v4;
	v19 =	vor.u32 s5, v4;
	vm5 =	vle.s32 v40, s5;
	[tilespmem:v22+s23+$0x0] =	vst.idx.msk vm7, v14  }
0x140: {  	_ =	sdelay $0x4  }
0x141: {  	[tilespmem:v15+s23+$0x0] =	vst.idx.msk vm1, v14  }
0x142: {  	[tilespmem:v16+s23+$0x0] =	vst.idx.msk vm0, v14  }
0x143: {  	[tilespmem:v17+s23+$0x0] =	vst.idx.msk vm2, v14  }
0x144: {  	[tilespmem:v18+s23+$0x0] =	vst.idx.msk vm3, v14  }
0x145: {  	[tilespmem:v20+s23+$0x0] =	vst.idx.msk vm4, v14  }
0x146: {  	[tilespmem:v19+s23+$0x0] =	vst.idx.msk vm5, v14  }
0x147: {  	s4 =	simm.s32 $0x0;
	v14 =	vld.idx.msk [tilespmem:v5+s23+$0x0], $0xffff  }
0x148: {  	s5 =	simm.s32 $0x1;
	vm4 =	vle.s32 v39, s4  }
0x149: {  	v18 =	vor.u32 s4, v5;
	vm5 =	vle.s32 v39, s5  }
0x14a: {  	s6 =	simm.s32 $0x2;
	v19 =	vor.u32 s5, v5  }
0x14b: {  	s7 =	simm.s32 $0x3;
	vm0 =	vgt.s32 v39, $0x0;
	vm1 =	vle.s32 v39, s6  }
0x14c: {  	s26 =	simm.s32 $0x4;
	v15 =	vor.u32 s6, v5;
	v14 =	vnsel vm0, $0x0, v14;
	vm0 =	vle.s32 v39, s7  }
0x14d: {  	s29 =	simm.s32 $0x5;
	v16 =	vor.u32 s7, v5;
	s6 =	simm.s32 $0x6;
	vm2 =	vle.s32 v39, s26;
	v17 =	vor.u32 s26, v5  }
0x14e: {  	s31 =	simm.s32 $0x7;
	vm3 =	vle.s32 v39, s29;
	v20 =	vor.u32 s6, v5;
	[tilespmem:v18+s23+$0x0] =	vst.idx.msk vm4, v14;
	v18 =	vor.u32 s29, v5  }
0x14f: {  	s4 =	simm.s32 $0x8;
	vm4 =	vle.s32 v39, s6;
	[tilespmem:v19+s23+$0x0] =	vst.idx.msk vm5, v14;
	v19 =	vor.u32 s31, v5;
	vm5 =	vle.s32 v39, s31  }
.LBB2_10:
0x150: {  	s5 =	sadd.s32 $0x1, s4  }
0x151: {  	vm6 =	vle.s32 v39, s4;
	p0 =	slt.u32 s4, $0x18;
	[tilespmem:v15+s23+$0x0] =	vst.idx.msk vm1, v14;
	s6 =	smov.u32 s4;
	s4 =	sadd.s32 $0x8, s4  }
0x152: {  	v21 =	vor.u32 s6, v5;
	vm7 =	vle.s32 v39, s5;
	s7 =	sadd.s32 $0x2, s6;
	[tilespmem:v16+s23+$0x0] =	vst.idx.msk vm0, v14  }
0x153: {  	v22 =	vor.u32 s5, v5;
	s5 =	sadd.s32 $0x3, s6;
	vm1 =	vle.s32 v39, s7;
	[tilespmem:v17+s23+$0x0] =	vst.idx.msk vm2, v14  }
.Ltmp4:
0x154: {  	v15 =	vor.u32 s7, v5;
	vm0 =	vle.s32 v39, s5;
	s7 =	sadd.s32 $0x4, s6;
	[tilespmem:v18+s23+$0x0] =	vst.idx.msk vm3, v14;
	(pc) =	sbr.rel @p0 .LBB2_10-.Ltmp4, $4  }
0x155: {  	v16 =	vor.u32 s5, v5;
	s5 =	sadd.s32 $0x5, s6;
	vm2 =	vle.s32 v39, s7;
	[tilespmem:v20+s23+$0x0] =	vst.idx.msk vm4, v14  }
0x156: {  	v17 =	vor.u32 s7, v5;
	vm3 =	vle.s32 v39, s5;
	s7 =	sadd.s32 $0x6, s6;
	[tilespmem:v19+s23+$0x0] =	vst.idx.msk vm5, v14  }
0x157: {  	v18 =	vor.u32 s5, v5;
	s5 =	sadd.s32 $0x7, s6;
	vm4 =	vle.s32 v39, s7;
	[tilespmem:v21+s23+$0x0] =	vst.idx.msk vm6, v14  }
0x158: {  	v20 =	vor.u32 s7, v5;
	v19 =	vor.u32 s5, v5;
	vm5 =	vle.s32 v39, s5;
	[tilespmem:v22+s23+$0x0] =	vst.idx.msk vm7, v14  }
0x159: {  	_ =	sdelay $0x4  }
0x15a: {  	[tilespmem:v15+s23+$0x0] =	vst.idx.msk vm1, v14  }
0x15b: {  	[tilespmem:v16+s23+$0x0] =	vst.idx.msk vm0, v14  }
0x15c: {  	[tilespmem:v17+s23+$0x0] =	vst.idx.msk vm2, v14  }
0x15d: {  	[tilespmem:v18+s23+$0x0] =	vst.idx.msk vm3, v14  }
0x15e: {  	[tilespmem:v20+s23+$0x0] =	vst.idx.msk vm4, v14  }
0x15f: {  	[tilespmem:v19+s23+$0x0] =	vst.idx.msk vm5, v14  }
0x160: {  	s4 =	simm.s32 $0x0;
	v14 =	vld.idx.msk [tilespmem:v6+s23+$0x0], $0xffff  }
0x161: {  	s5 =	simm.s32 $0x1;
	vm4 =	vle.s32 v13, s4  }
0x162: {  	v18 =	vor.u32 s4, v6;
	vm5 =	vle.s32 v13, s5  }
0x163: {  	s6 =	simm.s32 $0x2;
	v19 =	vor.u32 s5, v6  }
0x164: {  	s7 =	simm.s32 $0x3;
	vm0 =	vgt.s32 v13, $0x0;
	vm1 =	vle.s32 v13, s6  }
0x165: {  	s26 =	simm.s32 $0x4;
	v15 =	vor.u32 s6, v6;
	v14 =	vnsel vm0, $0x0, v14;
	vm0 =	vle.s32 v13, s7  }
0x166: {  	s29 =	simm.s32 $0x5;
	v16 =	vor.u32 s7, v6;
	s6 =	simm.s32 $0x6;
	vm2 =	vle.s32 v13, s26;
	v17 =	vor.u32 s26, v6  }
0x167: {  	s31 =	simm.s32 $0x7;
	vm3 =	vle.s32 v13, s29;
	v20 =	vor.u32 s6, v6;
	[tilespmem:v18+s23+$0x0] =	vst.idx.msk vm4, v14;
	v18 =	vor.u32 s29, v6  }
0x168: {  	s4 =	simm.s32 $0x8;
	vm4 =	vle.s32 v13, s6;
	[tilespmem:v19+s23+$0x0] =	vst.idx.msk vm5, v14;
	v19 =	vor.u32 s31, v6;
	vm5 =	vle.s32 v13, s31  }
.LBB2_12:
0x169: {  	s5 =	sadd.s32 $0x1, s4  }
0x16a: {  	vm6 =	vle.s32 v13, s4;
	p0 =	slt.u32 s4, $0x18;
	[tilespmem:v15+s23+$0x0] =	vst.idx.msk vm1, v14;
	s6 =	smov.u32 s4;
	s4 =	sadd.s32 $0x8, s4  }
0x16b: {  	v21 =	vor.u32 s6, v6;
	vm7 =	vle.s32 v13, s5;
	s7 =	sadd.s32 $0x2, s6;
	[tilespmem:v16+s23+$0x0] =	vst.idx.msk vm0, v14  }
0x16c: {  	v22 =	vor.u32 s5, v6;
	s5 =	sadd.s32 $0x3, s6;
	vm1 =	vle.s32 v13, s7;
	[tilespmem:v17+s23+$0x0] =	vst.idx.msk vm2, v14  }
.Ltmp5:
0x16d: {  	v15 =	vor.u32 s7, v6;
	vm0 =	vle.s32 v13, s5;
	s7 =	sadd.s32 $0x4, s6;
	[tilespmem:v18+s23+$0x0] =	vst.idx.msk vm3, v14;
	(pc) =	sbr.rel @p0 .LBB2_12-.Ltmp5, $4  }
0x16e: {  	v16 =	vor.u32 s5, v6;
	s5 =	sadd.s32 $0x5, s6;
	vm2 =	vle.s32 v13, s7;
	[tilespmem:v20+s23+$0x0] =	vst.idx.msk vm4, v14  }
0x16f: {  	v17 =	vor.u32 s7, v6;
	vm3 =	vle.s32 v13, s5;
	s7 =	sadd.s32 $0x6, s6;
	[tilespmem:v19+s23+$0x0] =	vst.idx.msk vm5, v14  }
0x170: {  	v18 =	vor.u32 s5, v6;
	s5 =	sadd.s32 $0x7, s6;
	vm4 =	vle.s32 v13, s7;
	[tilespmem:v21+s23+$0x0] =	vst.idx.msk vm6, v14  }
0x171: {  	v20 =	vor.u32 s7, v6;
	v19 =	vor.u32 s5, v6;
	vm5 =	vle.s32 v13, s5;
	[tilespmem:v22+s23+$0x0] =	vst.idx.msk vm7, v14  }
0x172: {  	_ =	sdelay $0x4  }
0x173: {  	[tilespmem:v15+s23+$0x0] =	vst.idx.msk vm1, v14  }
0x174: {  	[tilespmem:v16+s23+$0x0] =	vst.idx.msk vm0, v14  }
0x175: {  	[tilespmem:v17+s23+$0x0] =	vst.idx.msk vm2, v14  }
0x176: {  	[tilespmem:v18+s23+$0x0] =	vst.idx.msk vm3, v14  }
0x177: {  	[tilespmem:v20+s23+$0x0] =	vst.idx.msk vm4, v14  }
0x178: {  	[tilespmem:v19+s23+$0x0] =	vst.idx.msk vm5, v14  }
0x179: {  	s4 =	simm.s32 $0x0;
	v13 =	vld.idx.msk [tilespmem:v7+s23+$0x0], $0xffff  }
0x17a: {  	s5 =	simm.s32 $0x1;
	vm4 =	vle.s32 v12, s4  }
0x17b: {  	v17 =	vor.u32 s4, v7;
	vm5 =	vle.s32 v12, s5  }
0x17c: {  	s6 =	simm.s32 $0x2;
	v18 =	vor.u32 s5, v7  }
0x17d: {  	s7 =	simm.s32 $0x3;
	vm0 =	vgt.s32 v12, $0x0;
	vm1 =	vle.s32 v12, s6  }
0x17e: {  	s26 =	simm.s32 $0x4;
	v14 =	vor.u32 s6, v7;
	v13 =	vnsel vm0, $0x0, v13;
	vm0 =	vle.s32 v12, s7  }
0x17f: {  	s29 =	simm.s32 $0x5;
	v15 =	vor.u32 s7, v7;
	v16 =	vor.u32 s26, v7;
	vm2 =	vle.s32 v12, s26;
	s6 =	simm.s32 $0x6  }
0x180: {  	s31 =	simm.s32 $0x7;
	vm3 =	vle.s32 v12, s29;
	v19 =	vor.u32 s6, v7;
	[tilespmem:v17+s23+$0x0] =	vst.idx.msk vm4, v13;
	v17 =	vor.u32 s29, v7  }
0x181: {  	s4 =	simm.s32 $0x8;
	vm4 =	vle.s32 v12, s6;
	[tilespmem:v18+s23+$0x0] =	vst.idx.msk vm5, v13;
	v18 =	vor.u32 s31, v7;
	vm5 =	vle.s32 v12, s31  }
.LBB2_14:
0x182: {  	s5 =	sadd.s32 $0x1, s4  }
0x183: {  	vm6 =	vle.s32 v12, s4;
	p0 =	slt.u32 s4, $0x18;
	[tilespmem:v14+s23+$0x0] =	vst.idx.msk vm1, v13;
	s6 =	smov.u32 s4;
	s4 =	sadd.s32 $0x8, s4  }
0x184: {  	v20 =	vor.u32 s6, v7;
	vm7 =	vle.s32 v12, s5;
	s7 =	sadd.s32 $0x2, s6;
	[tilespmem:v15+s23+$0x0] =	vst.idx.msk vm0, v13  }
0x185: {  	v21 =	vor.u32 s5, v7;
	s5 =	sadd.s32 $0x3, s6;
	vm1 =	vle.s32 v12, s7;
	[tilespmem:v16+s23+$0x0] =	vst.idx.msk vm2, v13  }
.Ltmp6:
0x186: {  	v14 =	vor.u32 s7, v7;
	vm0 =	vle.s32 v12, s5;
	s7 =	sadd.s32 $0x4, s6;
	[tilespmem:v17+s23+$0x0] =	vst.idx.msk vm3, v13;
	(pc) =	sbr.rel @p0 .LBB2_14-.Ltmp6, $4  }
0x187: {  	v15 =	vor.u32 s5, v7;
	s5 =	sadd.s32 $0x5, s6;
	vm2 =	vle.s32 v12, s7;
	[tilespmem:v19+s23+$0x0] =	vst.idx.msk vm4, v13  }
0x188: {  	v16 =	vor.u32 s7, v7;
	vm3 =	vle.s32 v12, s5;
	s7 =	sadd.s32 $0x6, s6;
	[tilespmem:v18+s23+$0x0] =	vst.idx.msk vm5, v13  }
0x189: {  	v17 =	vor.u32 s5, v7;
	s5 =	sadd.s32 $0x7, s6;
	vm4 =	vle.s32 v12, s7;
	[tilespmem:v20+s23+$0x0] =	vst.idx.msk vm6, v13  }
0x18a: {  	v19 =	vor.u32 s7, v7;
	v18 =	vor.u32 s5, v7;
	vm5 =	vle.s32 v12, s5;
	[tilespmem:v21+s23+$0x0] =	vst.idx.msk vm7, v13  }
0x18b: {  	_ =	sdelay $0x4  }
0x18c: {  	[tilespmem:v14+s23+$0x0] =	vst.idx.msk vm1, v13  }
0x18d: {  	[tilespmem:v15+s23+$0x0] =	vst.idx.msk vm0, v13  }
0x18e: {  	[tilespmem:v16+s23+$0x0] =	vst.idx.msk vm2, v13  }
0x18f: {  	[tilespmem:v17+s23+$0x0] =	vst.idx.msk vm3, v13  }
0x190: {  	[tilespmem:v19+s23+$0x0] =	vst.idx.msk vm4, v13  }
0x191: {  	[tilespmem:v18+s23+$0x0] =	vst.idx.msk vm5, v13  }
0x192: {  	s4 =	simm.s32 $0x0;
	v12 =	vld.idx.msk [tilespmem:v8+s23+$0x0], $0xffff  }
0x193: {  	s5 =	simm.s32 $0x1;
	vm4 =	vle.s32 v11, s4  }
0x194: {  	v16 =	vor.u32 s4, v8;
	vm5 =	vle.s32 v11, s5  }
0x195: {  	s6 =	simm.s32 $0x2;
	v17 =	vor.u32 s5, v8  }
0x196: {  	s7 =	simm.s32 $0x3;
	vm0 =	vgt.s32 v11, $0x0;
	vm1 =	vle.s32 v11, s6  }
0x197: {  	s26 =	simm.s32 $0x4;
	v13 =	vor.u32 s6, v8;
	v12 =	vnsel vm0, $0x0, v12;
	vm0 =	vle.s32 v11, s7  }
0x198: {  	s29 =	simm.s32 $0x5;
	v14 =	vor.u32 s7, v8;
	v15 =	vor.u32 s26, v8;
	vm2 =	vle.s32 v11, s26;
	s6 =	simm.s32 $0x6  }
0x199: {  	s31 =	simm.s32 $0x7;
	vm3 =	vle.s32 v11, s29;
	v18 =	vor.u32 s6, v8;
	[tilespmem:v16+s23+$0x0] =	vst.idx.msk vm4, v12;
	v16 =	vor.u32 s29, v8  }
0x19a: {  	s4 =	simm.s32 $0x8;
	vm4 =	vle.s32 v11, s6;
	[tilespmem:v17+s23+$0x0] =	vst.idx.msk vm5, v12;
	v17 =	vor.u32 s31, v8;
	vm5 =	vle.s32 v11, s31  }
.LBB2_16:
0x19b: {  	s5 =	sadd.s32 $0x1, s4  }
0x19c: {  	vm6 =	vle.s32 v11, s4;
	p0 =	slt.u32 s4, $0x18;
	[tilespmem:v13+s23+$0x0] =	vst.idx.msk vm1, v12;
	s6 =	smov.u32 s4;
	s4 =	sadd.s32 $0x8, s4  }
0x19d: {  	v19 =	vor.u32 s6, v8;
	vm7 =	vle.s32 v11, s5;
	s7 =	sadd.s32 $0x2, s6;
	[tilespmem:v14+s23+$0x0] =	vst.idx.msk vm0, v12  }
0x19e: {  	v20 =	vor.u32 s5, v8;
	s5 =	sadd.s32 $0x3, s6;
	vm1 =	vle.s32 v11, s7;
	[tilespmem:v15+s23+$0x0] =	vst.idx.msk vm2, v12  }
.Ltmp7:
0x19f: {  	v13 =	vor.u32 s7, v8;
	vm0 =	vle.s32 v11, s5;
	s7 =	sadd.s32 $0x4, s6;
	[tilespmem:v16+s23+$0x0] =	vst.idx.msk vm3, v12;
	(pc) =	sbr.rel @p0 .LBB2_16-.Ltmp7, $4  }
0x1a0: {  	v14 =	vor.u32 s5, v8;
	s5 =	sadd.s32 $0x5, s6;
	vm2 =	vle.s32 v11, s7;
	[tilespmem:v18+s23+$0x0] =	vst.idx.msk vm4, v12  }
0x1a1: {  	v15 =	vor.u32 s7, v8;
	vm3 =	vle.s32 v11, s5;
	s7 =	sadd.s32 $0x6, s6;
	[tilespmem:v17+s23+$0x0] =	vst.idx.msk vm5, v12  }
0x1a2: {  	v16 =	vor.u32 s5, v8;
	s5 =	sadd.s32 $0x7, s6;
	vm4 =	vle.s32 v11, s7;
	[tilespmem:v19+s23+$0x0] =	vst.idx.msk vm6, v12  }
0x1a3: {  	v18 =	vor.u32 s7, v8;
	v17 =	vor.u32 s5, v8;
	vm5 =	vle.s32 v11, s5;
	[tilespmem:v20+s23+$0x0] =	vst.idx.msk vm7, v12  }
0x1a4: {  	_ =	sdelay $0x4  }
0x1a5: {  	[tilespmem:v13+s23+$0x0] =	vst.idx.msk vm1, v12  }
0x1a6: {  	[tilespmem:v14+s23+$0x0] =	vst.idx.msk vm0, v12  }
0x1a7: {  	[tilespmem:v15+s23+$0x0] =	vst.idx.msk vm2, v12  }
0x1a8: {  	[tilespmem:v16+s23+$0x0] =	vst.idx.msk vm3, v12  }
0x1a9: {  	[tilespmem:v18+s23+$0x0] =	vst.idx.msk vm4, v12  }
0x1aa: {  	[tilespmem:v17+s23+$0x0] =	vst.idx.msk vm5, v12  }
0x1ab: {  	s26 =	simm.s32 $0x0;
	v11 =	vld.idx.msk [tilespmem:v9+s23+$0x0], $0xffff  }
0x1ac: {  	s4 =	simm.s32 $0x1;
	vm4 =	vle.s32 v10, s26  }
0x1ad: {  	v15 =	vor.u32 s26, v9;
	vm5 =	vle.s32 v10, s4  }
0x1ae: {  	s6 =	simm.s32 $0x2;
	v16 =	vor.u32 s4, v9  }
0x1af: {  	s5 =	simm.s32 $0x3;
	vm0 =	vgt.s32 v10, $0x0;
	vm1 =	vle.s32 v10, s6  }
0x1b0: {  	s7 =	simm.s32 $0x4;
	v12 =	vor.u32 s6, v9;
	v11 =	vnsel vm0, $0x0, v11;
	vm0 =	vle.s32 v10, s5  }
0x1b1: {  	s29 =	simm.s32 $0x5;
	v13 =	vor.u32 s5, v9;
	v14 =	vor.u32 s7, v9;
	vm2 =	vle.s32 v10, s7;
	s6 =	simm.s32 $0x6  }
0x1b2: {  	s31 =	simm.s32 $0x7;
	vm3 =	vle.s32 v10, s29;
	v17 =	vor.u32 s6, v9;
	[tilespmem:v15+s23+$0x0] =	vst.idx.msk vm4, v11;
	v15 =	vor.u32 s29, v9  }
0x1b3: {  	s4 =	simm.s32 $0x8;
	vm4 =	vle.s32 v10, s6;
	[tilespmem:v16+s23+$0x0] =	vst.idx.msk vm5, v11;
	v16 =	vor.u32 s31, v9;
	vm5 =	vle.s32 v10, s31  }
.LBB2_18:
0x1b4: {  	s5 =	sadd.s32 $0x1, s4  }
0x1b5: {  	vm6 =	vle.s32 v10, s4;
	p0 =	slt.u32 s4, $0x18;
	[tilespmem:v12+s23+$0x0] =	vst.idx.msk vm1, v11;
	s6 =	smov.u32 s4;
	s4 =	sadd.s32 $0x8, s4  }
0x1b6: {  	v18 =	vor.u32 s6, v9;
	vm7 =	vle.s32 v10, s5;
	s7 =	sadd.s32 $0x2, s6;
	[tilespmem:v13+s23+$0x0] =	vst.idx.msk vm0, v11  }
0x1b7: {  	v19 =	vor.u32 s5, v9;
	s5 =	sadd.s32 $0x3, s6;
	vm1 =	vle.s32 v10, s7;
	[tilespmem:v14+s23+$0x0] =	vst.idx.msk vm2, v11  }
.Ltmp8:
0x1b8: {  	v12 =	vor.u32 s7, v9;
	vm0 =	vle.s32 v10, s5;
	s7 =	sadd.s32 $0x4, s6;
	[tilespmem:v15+s23+$0x0] =	vst.idx.msk vm3, v11;
	(pc) =	sbr.rel @p0 .LBB2_18-.Ltmp8, $4  }
0x1b9: {  	v13 =	vor.u32 s5, v9;
	s5 =	sadd.s32 $0x5, s6;
	vm2 =	vle.s32 v10, s7;
	[tilespmem:v17+s23+$0x0] =	vst.idx.msk vm4, v11  }
0x1ba: {  	v14 =	vor.u32 s7, v9;
	vm3 =	vle.s32 v10, s5;
	s7 =	sadd.s32 $0x6, s6;
	[tilespmem:v16+s23+$0x0] =	vst.idx.msk vm5, v11  }
0x1bb: {  	s29 =	simm.s32 $0x8190;
	s31 =	simm.s32 $0x6190;
	v15 =	vor.u32 s5, v9;
	s5 =	sadd.s32 $0x7, s6;
	vm4 =	vle.s32 v10, s7;
	[tilespmem:v18+s23+$0x0] =	vst.idx.msk vm6, v11  }
0x1bc: {  	s6 =	simm.s32 $0xA190;
	v17 =	vor.u32 s7, v9;
	s7 =	simm.s32 $0x9190;
	v16 =	vor.u32 s5, v9;
	vm5 =	vle.s32 v10, s5;
	s5 =	simm.s32 $0x7190;
	[tilespmem:v19+s23+$0x0] =	vst.idx.msk vm7, v11  }
0x1bd: {  	_ =	sdelay $0x4  }
0x1be: {  	[tilespmem:v12+s23+$0x0] =	vst.idx.msk vm1, v11  }
0x1bf: {  	[tilespmem:v13+s23+$0x0] =	vst.idx.msk vm0, v11  }
0x1c0: {  	[tilespmem:v14+s23+$0x0] =	vst.idx.msk vm2, v11  }
0x1c1: {  	[tilespmem:v15+s23+$0x0] =	vst.idx.msk vm3, v11  }
0x1c2: {  	[tilespmem:v17+s23+$0x0] =	vst.idx.msk vm4, v11  }
0x1c3: {  	[tilespmem:v16+s23+$0x0] =	vst.idx.msk vm5, v11  }
.LBB2_20:
0x1c4: {  	v10 =	vmov s26;
	v11 =	vld [tilespmem:s31+$0xFFFFFFF0];
	_ =	sdelay $0x4  }
0x1c5: {  	v12 =	vld.idx.msk [tilespmem:v10+s20+$0x0], $0xffff  }
0x1c6: {  	v13 =	vld.idx.msk [tilespmem:v10+s21+$0x0], $0xffff  }
0x1c7: {  	v10 =	vld.idx.msk [tilespmem:v10+s22+$0x0], $0xffff  }
0x1c8: {  	v14 =	vld.idx.msk [tilespmem:v11+s3+$0x0], $0xffff  }
0x1c9: {  	v15 =	vld.idx.msk [tilespmem:v11+s18+$0x0], $0xffff  }
0x1ca: {  	v16 =	vld.idx.msk [tilespmem:v11+s19+$0x0], $0xffff;
	_ =	sdelay $0x2  }
0x1cb: {  	v14 =	vsub.f32 v14, v12  }
0x1cc: {  	v15 =	vsub.f32 v15, v13  }
0x1cd: {  	v62 =	vsub.f32 v16, v10;
	[tilespmem:s29+$0xFFFFFFF0] =	vst v14  }
0x1ce: {  	[tilespmem:s7+$0xFFFFFFF0] =	vst v15  }
0x1cf: {  	v11 =	vadd.s32 v1, v11;
	[tilespmem:s6+$0xFFFFFFF0] =	vst v62  }
0x1d0: {  	[tilespmem:s5+$0xFFFFFFF0] =	vst v11  }
0x1d1: {  	v11 =	vld [tilespmem:s31+$0x0];
	_ =	sdelay $0x7  }
0x1d2: {  	v14 =	vld.idx.msk [tilespmem:v11+s3+$0x0], $0xffff  }
0x1d3: {  	v15 =	vld.idx.msk [tilespmem:v11+s18+$0x0], $0xffff  }
0x1d4: {  	v63 =	vld.idx.msk [tilespmem:v11+s19+$0x0], $0xffff;
	_ =	sdelay $0x2  }
0x1d5: {  	p0 =	sne.s32 s26, $0x7F;
	v12 =	vsub.f32 v14, v12  }
.Ltmp9:
0x1d6: {  	v13 =	vsub.f32 v15, v13;
	(pc) =	sbr.rel @p0 .LBB2_20-.Ltmp9, $4  }
0x1d7: {  	v10 =	vsub.f32 v63, v10;
	[tilespmem:s29+$0x0] =	vst v12  }
0x1d8: {  	[tilespmem:s7+$0x0] =	vst v13  }
0x1d9: {  	s26 =	sadd.s32 $0x1, s26;
	s31 =	sadd.s32 $0x20, s31;
	s29 =	sadd.s32 $0x20, s29;
	[tilespmem:s6+$0x0] =	vst v10;
	v10 =	vadd.s32 v1, v11  }
0x1da: {  	s7 =	sadd.s32 $0x20, s7;
	s6 =	sadd.s32 $0x20, s6;
	[tilespmem:s5+$0x0] =	vst v10;
	s5 =	sadd.s32 $0x20, s5  }
0x1db: {  	s4 =	simm.s32 $0x0;
	s5 =	simm.s32 $0x8180  }
0x1dc: {  	[hbm4b:s10+s4] =	stream.linear.scatter [tilespmem:s5], [sflag:$0x3], $0x1000, $0x38;
	[tilespmem:$0x13180] =	vst v63  }
0x1dd: {  	_ =	swait.ge [sflag:s17], $0x1000  }
0x1de: {  	[sflag:s17] =	ssyncset.done $0x0  }
0x1df: {  	s31 =	simm.s32 $0x9180;
	[sflag:s17] =	ssyncadd.s32 $0xFFFFF000  }
0x1e0: {  	[hbm4b:s11+s4] =	stream.linear.scatter [tilespmem:s31], [sflag:$0x3], $0x1000, $0x38;
	[tilespmem:$0x13180] =	vst v63  }
0x1e1: {  	_ =	swait.ge [sflag:s17], $0x1000  }
0x1e2: {  	[sflag:s17] =	ssyncset.done $0x0  }
0x1e3: {  	s6 =	simm.s32 $0xA180;
	[sflag:s17] =	ssyncadd.s32 $0xFFFFF000  }
0x1e4: {  	[hbm4b:s12+s4] =	stream.linear.scatter [tilespmem:s6], [sflag:$0x3], $0x1000, $0x38;
	[tilespmem:$0x13180] =	vst v63  }
0x1e5: {  	_ =	swait.ge [sflag:s17], $0x1000  }
0x1e6: {  	[sflag:s17] =	ssyncset.done $0x0  }
0x1e7: {  	s7 =	simm.s32 $0x7180;
	[sflag:s17] =	ssyncadd.s32 $0xFFFFF000  }
0x1e8: {  	[tilespmem:s30], [sflag:$0x1] =	stream.indirect.gather [hbm4b:s2+s28], $0x80, s7, s28, $0xb8;
	[tilespmem:$0x13180] =	vst v63  }
0x1e9: {  	s26 =	simm.s32 $0x7200  }
0x1ea: {  	[tilespmem:s0], [sflag:$0x2] =	stream.indirect.gather [hbm4b:s2+s28], $0x80, s26, s28, $0xb8;
	[tilespmem:$0x13180] =	vst v63  }
0x1eb: {  	_ =	swait.ge [sflag:s1], $0x4000  }
0x1ec: {  	[sflag:s1] =	ssyncset.done $0x0  }
0x1ed: {  	s29 =	sadd.s32 $0x0, s16;
	[sflag:s1] =	ssyncadd.s32 $0xFFFFC000  }
0x1ee: {  	[hbm4b:s29+s3] =	stream.linear.scatter [tilespmem:s30], [sflag:$0x3], $0x4000, $0x38;
	[tilespmem:$0x13180] =	vst v63  }
0x1ef: {  	_ =	swait.ge [sflag:s17], $0x4000  }
0x1f0: {  	[sflag:s17] =	ssyncset.done $0x0  }
0x1f1: {  	s31 =	simm.s32 $0x7280;
	[sflag:s17] =	ssyncadd.s32 $0xFFFFC000  }
0x1f2: {  	[tilespmem:s30], [sflag:$0x1] =	stream.indirect.gather [hbm4b:s2+s28], $0x80, s31, s28, $0xb8;
	[tilespmem:$0x13180] =	vst v63  }
0x1f3: {  	_ =	swait.ge [sflag:s24], $0x4000  }
0x1f4: {  	[sflag:s24] =	ssyncset.done $0x0  }
0x1f5: {  	s4 =	sadd.s32 $0x800, s29;
	[sflag:s24] =	ssyncadd.s32 $0xFFFFC000  }
0x1f6: {  	[hbm4b:s4+s3] =	stream.linear.scatter [tilespmem:s0], [sflag:$0x3], $0x4000, $0x38;
	[tilespmem:$0x13180] =	vst v63  }
0x1f7: {  	_ =	swait.ge [sflag:s17], $0x4000  }
0x1f8: {  	s5 =	simm.s32 $0x1000;
	[sflag:s17] =	ssyncset.done $0x0  }
0x1f9: {  	s6 =	simm.s32 $0x7400;
	s4 =	simm.s32 $0x7300;
	[sflag:s17] =	ssyncadd.s32 $0xFFFFC000  }
.LBB2_22:
0x1fa: {  	[tilespmem:s0], [sflag:$0x2] =	stream.indirect.gather [hbm4b:s2+s28], $0x80, s4, s28, $0xb8;
	[tilespmem:$0x13180] =	vst v63  }
0x1fb: {  	s7 =	smov.u32 s5;
	s4 =	smov.u32 s6  }
0x1fc: {  	p0 =	sne.s32 s5, $0xE000;
	s5 =	sadd.s32 $0x1000, s5;
	_ =	swait.ge [sflag:s1], $0x4000  }
0x1fd: {  	[sflag:s1] =	ssyncset.done $0x0  }
0x1fe: {  	s7 =	sadd.s32 s7, s16;
	[sflag:s1] =	ssyncadd.s32 $0xFFFFC000  }
0x1ff: {  	[hbm4b:s7+s3] =	stream.linear.scatter [tilespmem:s30], [sflag:$0x3], $0x4000, $0x38;
	[tilespmem:$0x13180] =	vst v63  }
0x200: {  	_ =	swait.ge [sflag:s17], $0x4000  }
0x201: {  	[sflag:s17] =	ssyncset.done $0x0  }
0x202: {  	s26 =	sadd.s32 $0xFFFFFF80, s6;
	[sflag:s17] =	ssyncadd.s32 $0xFFFFC000  }
0x203: {  	[tilespmem:s30], [sflag:$0x1] =	stream.indirect.gather [hbm4b:s2+s28], $0x80, s26, s28, $0xb8;
	[tilespmem:$0x13180] =	vst v63  }
0x204: {  	_ =	swait.ge [sflag:s24], $0x4000  }
0x205: {  	[sflag:s24] =	ssyncset.done $0x0  }
.Ltmp10:
0x206: {  	s7 =	sadd.s32 $0x800, s7;
	[sflag:s24] =	ssyncadd.s32 $0xFFFFC000;
	(pc) =	sbr.rel @p0 .LBB2_22-.Ltmp10, $4  }
0x207: {  	[hbm4b:s7+s3] =	stream.linear.scatter [tilespmem:s0], [sflag:$0x3], $0x4000, $0x38;
	[tilespmem:$0x13180] =	vst v63  }
0x208: {  	_ =	swait.ge [sflag:s17], $0x4000  }
0x209: {  	[sflag:s17] =	ssyncset.done $0x0  }
0x20a: {  	s6 =	sadd.s32 $0x100, s6;
	[sflag:s17] =	ssyncadd.s32 $0xFFFFC000  }
0x20b: {  	[tilespmem:s0], [sflag:$0x2] =	stream.indirect.gather [hbm4b:s2+s28], $0x80, s4, s28, $0xb8;
	[tilespmem:$0x13180] =	vst v63  }
0x20c: {  	_ =	swait.ge [sflag:s1], $0x4000  }
0x20d: {  	[sflag:s1] =	ssyncset.done $0x0  }
0x20e: {  	[sflag:s1] =	ssyncadd.s32 $0xFFFFC000  }
0x20f: {  	[hbm4b:s14+s3] =	stream.linear.scatter [tilespmem:s30], [sflag:$0x3], $0x4000, $0x38;
	[tilespmem:$0x13180] =	vst v63  }
0x210: {  	_ =	swait.ge [sflag:s17], $0x4000  }
0x211: {  	[sflag:s17] =	ssyncset.done $0x0  }
0x212: {  	[sflag:s17] =	ssyncadd.s32 $0xFFFFC000  }
0x213: {  	s25 =	sadd.s32 $0x1, s25;
	_ =	swait.ge [sflag:s24], $0x4000  }
0x214: {  	p0 =	sne.s32 s25, s13;
	[sflag:s24] =	ssyncset.done $0x0  }
.Ltmp11:
0x215: {  	[sflag:s24] =	ssyncadd.s32 $0xFFFFC000;
	(pc) =	sbr.rel @p0 .LBB2_1-.Ltmp11, $4  }
0x216: {  	[hbm4b:s15+s3] =	stream.linear.scatter [tilespmem:s0], [sflag:$0x3], $0x4000, $0x38;
	[tilespmem:$0x13180] =	vst v63  }
0x217: {  	_ =	swait.ge [sflag:s17], $0x4000  }
0x218: {  	[sflag:s17] =	ssyncset.done $0x0  }
0x219: {  	[sflag:s17] =	ssyncadd.s32 $0xFFFFC000  }
0x21a: {  	_ =	sfence.sel $0x180000  }
0x21b: {  	[bflag:$0x0] =	sbarrier.arrive $0xFFFF  }
0x21c: {  	_ =	strace $0x90000047  }
0x21d: {  	s0 =	stileid.u32;
	[bflag:$0x2] =	sbarrier.arrive $0xFFFF  }
0x21e: {  	p0 =	sne.s32 s0, $0x0;
	s0 =	rddreg [dreg:$0x3]  }
0x21f: {  	s0 =	sadd.s32 @!p0 $0x100000, s0  }
0x220: {  	[sflag:s0] =	ssyncadd.tile.s32 @!p0 $0x1;
	_ =	shalt  }
.Lfunc_end2:
_tile_overlayer_lowered:
.L_overlay_start_2:
0x221: {  	(tag) =	ssettag $0x2  }
0x222: {  	s0 =	rddreg [dreg:$0x0];
	s2 =	stileid.u32  }
0x223: {  	s1 =	rddreg [dreg:$0x1];
	p0 =	sne.s32 s2, $0x0  }
0x224: {  	s3 =	rddreg [dreg:$0x2];
	[bflag:$0x3] =	sbarrier.arrive $0xFFFF;
	s2 =	simm.s32 @!p0 $0x1C03  }
0x225: {  	[timem:s3], [sflag:s2] =	dma.local @!p0 [hbm:s0], s1  }
0x226: {  	s0 =	simm.s32 @!p0 $0x3  }
0x227: {  	_ =	swait.ge @!p0 [sflag:s0], s1  }
0x228: {  	s1 =	ssub.s32 @!p0 $0x0, s1;
	[sflag:s0] =	ssyncset.done @!p0 $0x0  }
0x229: {  	[sflag:s0] =	ssyncadd.s32 @!p0 s1  }
0x22a: {  	[bflag:$0x3] =	sbarrier.arrive $0xFFFF  }
0x22b: {  	_ =	shalt  }

// kernel: sparse-core-data-format-call.cloned.1.call-start
scs
called_computation_lowered:
.L_overlay_start_0:
0x0: {  	s2 =	sld [smem:$0x3FD9]  }
0x1: {  	s3 =	sld [smem:$0x3FFE];
	_ =	sdelay $0x1  }
0x2: {  	s1 =	srdreg.scid  }
0x3: {  	s0 =	sand.u32 $0x1, s1  }
0x4: {  	s15 =	sshll.u32 s0, $0xA;
	s2 =	sadd.s32 s3, s2  }
0x5: {  	s2 =	sadd.s32 s2, s15  }
0x6: {  	[smem:$0x3FC5] =	sst s2  }
0x7: {  	_ = 	snop  }
0x8: {  	s2 =	sld [smem:$0x3FD0];
	_ =	sdelay $0x2  }
0x9: {  	s16 =	simm.s32 $0xA;
	s4 =	simm.s32 $0x10  }
0xa: {  	[smem:s4], [sflag:s16] =	dma.local [hbm:s2], $0x1  }
0xb: {  	_ =	swait.eq [sflag:s16], $0x1  }
0xc: {  	[sflag:s16] =	ssyncset.done $0x0  }
0xd: {  	[sflag:s16] =	ssyncadd.s32 $0xFFFFFFFF  }
0xe: {  	s17 =	sld [smem:$0x11];
	(tm) =	ssettm $0x1  }
0xf: {  	s18 =	sld [smem:$0x3FFB];
	_ =	sdelay $0x3  }
0x10: {  	_ =	strace s18  }
0x11: {  	s3 =	sld [smem:$0x3FFC];
	_ =	sdelay $0x3  }
0x12: {  	_ =	strace s3  }
0x13: {  	s3 =	sld [smem:$0x3FFD];
	_ =	sdelay $0x3  }
0x14: {  	_ =	strace s3  }
0x15: {  	_ =	strace $0x8FFFFFFF  }
0x16: {  	s19 =	sld [smem:$0x3FDB];
	_ =	sdelay $0x1  }
0x17: {  	s20 =	simm.s32 $_scs_section_size  }
0x18: {  	s5 =	simm.s32 $_size__tile_overlayer_lowered;
	s6 =	simm.s32 $_tile_overlayer_lowered  }
0x19: {  	s23 =	simm.s32 $0x1BFF;
	s22 =	sshll.u32 s6, $0x1;
	s3 =	sadd.s32 s20, s19  }
0x1a: {  	s7 =	simm.s32 $0x0;
	s21 =	sshll.u32 s5, $0x1;
	s5 =	sadd.s32 s22, s3  }
0x1b: {  	[timem:s7], [sflag:s23] =	dma.local [hbm:s5], s21  }
0x1c: {  	_ =	swait.ge [sflag:s23], s21  }
0x1d: {  	s4 =	ssub.s32 $0x0, s21;
	[sflag:s23] =	ssyncset.done $0x0  }
0x1e: {  	[sflag:s23] =	ssyncadd.s32 s4;
	_ =	sdelay $0x1  }
0x1f: {  	s24 =	simm.s32 $0x1B8B  }
0x20: {  	_ =	swait.ge [sflag:s24], $0x1  }
0x21: {  	[sflag:s24] =	ssyncset.done $0x0  }
0x22: {  	s26 =	simm.s32 $0x1B8E;
	s25 =	sld [smem:$0x3FFE];
	[sflag:s24] =	ssyncadd.s32 $0xFFFFFFFF  }
0x23: {  	s27 =	simm.s32 $execute0_lowered;
	[smem:$0x3FD2] =	sst s26  }
0x24: {  	s5 =	sshll.u32 s27, $0x1;
	_ =	strace $0x80000049;
	[dreg:$0x1] =	wrdreg $0xFFFFFFFF  }
0x25: {  	s28 =	simm.s32 $_size_execute0_lowered;
	s3 =	sadd.s32 s3, s5;
	[dreg:$0x0] =	wrdreg $0x0  }
0x26: {  	s5 =	sshll.u32 s28, $0x1;
	[dreg:$0x2] =	wrdreg s3  }
0x27: {  	[dreg:$0x3] =	wrdreg s5  }
0x28: {  	[dreg:$0x4] =	wrdreg $0xC0  }
0x29: {  	_ =	task [dreg:s7], $0x5FFFF  }
0x2a: {  	[dreg:$0x1] =	wrdreg $0xFFFFFFFF  }
0x2b: {  	[dreg:$0x0] =	wrdreg $0x60  }
0x2c: {  	[dreg:$0x2] =	wrdreg s25  }
0x2d: {  	[dreg:$0x3] =	wrdreg s17  }
0x2e: {  	[dreg:$0x4] =	wrdreg $0x9  }
0x2f: {  	_ =	task.clear_ibuf [dreg:s7], $0x5FFFF;
	_ =	strace $0x90000049  }
0x30: {  	s29 =	simm.s32 $0x9;
	_ =	strace $0x8000004B  }
0x31: {  	_ =	swait.ge [sflag:s29], $0x1  }
0x32: {  	[sflag:s29] =	ssyncadd.s32 $0xFFFFFFFF  }
0x33: {  	_ =	strace $0x9000004B  }
0x34: {  	_ =	sfence  }
0x35: {  	s30 =	sld [smem:$0x0];
	_ =	sdelay $0x2  }
0x36: {  	s31 =	sshll.u32 s1, $0xD;
	s1 =	sshrl.u32 s1, $0x2  }
0x37: {  	s3 =	sand.u32 $0x4000, s31;
	s1 =	sadd.s32 s1, s30  }
0x38: {  	s0 =	sor.u32 s3, s0;
	s1 =	sshll.u32 s1, $0x11  }
0x39: {  	s0 =	sor.u32 s1, s0  }
0x3a: {  	s0 =	sadd.s32 $0x8F2B, s0  }
0x3b: {  	[sflag:s0] =	ssyncadd.remote.s32 $0x1  }
0x3c: {  	_ =	sfence.sel $0xFFFF  }
0x3d: {  	[dreg:$0x0] =	wrdreg $0xFFFFFFFF;
	(pc) =	sbr.abs _section_cstart, $3  }
0x3e: {  	[dreg:$0x1] =	wrdreg $0xFFFFFFFF  }
0x3f: {  	_ =	task.clear_ibuf [dreg:s7], $0x2FFFF;
	_ =	strace $0x9FFFFFFF  }
0x40: {  	(tm) =	ssettm $0x7FFFFFFF  }
0x41: {  	_ =	shalt  }
tec
execute0_lowered:
.L_overlay_start_1:
0x0: {  	(tag) =	ssettag $0x1  }
0x1: {  	s0 =	stileid.u32;
	s4 =	rddreg [dreg:$0x0]  }
0x2: {  	s1 =	srdreg.scid;
	s3 =	rddreg [dreg:$0x1];
	s7 =	simm.s32 $0x1  }
0x3: {  	s31 =	simm.s32 $0x2;
	s2 =	sshll.u32 s0, $0x5;
	s1 =	sshll.u32 s1, $0x9  }
0x4: {  	s16 =	simm.s32 $0x0;
	s9 =	simm.s32 $0x8000;
	s1 =	sor.u32 s2, s1  }
0x5: {  	s14 =	simm.s32 $0x0;
	s15 =	simm.s32 $0x0;
	s2 =	sand.u32 $0x380, s1  }
0x6: {  	s10 =	simm.s32 $0x0;
	s13 =	simm.s32 $0x0;
	s5 =	ssub.s32 $0x400, s2  }
0x7: {  	s4 =	sadd.s32 $0x4400, s4;
	s1 =	rddreg [dreg:$0x2];
	s6 =	sand.u32 $0x380, s5  }
.Ltmp0:
0x8: {  	_ =	strace $0x8000004A;
	p0 =	sne.s32 s6, $0x0;
	(pc) =	sbr.rel .LBB1_1-.Ltmp0, $4  }
0x9: {  	s11 =	smov.u32 s2;
	s8 =	sshrl.u32 s5, $0xA;
	s7 =	simm.s32 @!p0 $0x0  }
0xa: {  	s5 =	sand.u32 $0x3, s0;
	s6 =	simm.s32 $0x1;
	s7 =	sadd.s32 s7, s8  }
0xb: {  	s12 =	smov.u32 s5;
	[sflag:s6] =	ssyncpa.u1 $0x0;
	s7 =	sshll.u32 s7, $0x5  }
0xc: {  	p0 =	por $0x0, $0x0;
	[sflag:s31] =	ssyncpa.u1 $0x0;
	s8 =	sor.u32 $0x1, s7  }
.LBB1_4:
0xd: {  	v5 =	vld [tilespmem:s20+$0xFFFFFFD0];
	[tilespmem:s19+$0x2040 ss:$0x81] =	vst.msk $0xffff, v1  }
0xe: {  	v58 =	vld [tilespmem:s20+$0xFFFFFFE0];
	[tilespmem:s19+$0x2850 ss:$0x81] =	vst.msk $0xffff, v2  }
0xf: {  	s21 =	sshra.s32 s21, $0x2;
	v59 =	vld [tilespmem:s20+$0xFFFFFFF0];
	[tilespmem:s19+$0x3060 ss:$0x81] =	vst.msk $0xffff, v3  }
0x10: {  	v60 =	vld [tilespmem:s20+$0x0];
	[tilespmem:s19+$0x0 ss:$0x81] =	vst.msk $0xffff, v0;
	s18 =	sadd.s32 s21, s18  }
0x11: {  	v61 =	vld [tilespmem:s20+$0x10];
	[tilespmem:s18+$0x3870 ss:$0x81] =	vst.msk $0xffff, v4  }
0x12: {  	v62 =	vld [tilespmem:s20+$0x20];
	s26 =	sshll.u32 s16, $0xA;
	s27 =	sshll.u32 s14, $0x3;
	[tilespmem:s18+$0x810 ss:$0x81] =	vst.msk $0xffff, v5  }
0x13: {  	v63 =	vld [tilespmem:s20+$0xFFFFFFC0];
	s29 =	sshll.u32 s16, $0x7;
	s30 =	sand.u32 $0x78, s14;
	s15 =	sshll.u32 s15, $0x13;
	[tilespmem:s18+$0x1020 ss:$0x81] =	vst.msk $0xffff, v58  }
0x14: {  	s19 =	sand.u32 $0x6000, s26;
	s28 =	sand.u32 $0x7C00, s27;
	s16 =	sand.u32 $0x380, s29;
	[tilespmem:s18+$0x1830 ss:$0x81] =	vst.msk $0xffff, v59  }
0x15: {  	s31 =	sand.u32 $0x7, s14;
	s19 =	sadd.s32 s28, s19;
	s16 =	sor.u32 s30, s16;
	[tilespmem:s18+$0x2040 ss:$0x81] =	vst.msk $0xffff, v60  }
0x16: {  	s15 =	sadd.s32 s3, s15;
	s19 =	sshrl.u32 s19, $0x3;
	s16 =	sshrl.u32 s16, $0x3;
	[tilespmem:s18+$0x2850 ss:$0x81] =	vst.msk $0xffff, v61  }
0x17: {  	s14 =	sshll.u32 s31, $0x12;
	s19 =	sand.u32 $0xF80, s19;
	s15 =	sadd.s32 s16, s15;
	[tilespmem:s18+$0x3060 ss:$0x81] =	vst.msk $0xffff, v62  }
0x18: {  	s14 =	sor.u32 $0x80, s14;
	[tilespmem:s18+$0x0 ss:$0x81] =	vst.msk $0xffff, v63;
	s15 =	sadd.s32 s19, s15  }
0x19: {  	[hbm4b:s15+s14] =	stream.strided.scatter [tilespmem:s17], [sflag:$0x2], $0x4000, s9, s14, $0x20;
	[tilespmem:$0x10100] =	vst v63  }
.LBB1_5:
0x1a: {  	s17 =	sadd.s32 $0x1, s10  }
0x1b: {  	s14 =	sadd.s32 $0x400, s11;
	s18 =	smov.u32 s11;
	p2 =	sgt.s32 s17, $0x1F  }
0x1c: {  	s18 =	smov.u32 @p2 s14  }
0x1d: {  	s20 =	smov.u32 s12;
	s14 =	sadd.s32 $0x4, s12;
	p3 =	sgt.s32 s18, $0x3FF  }
0x1e: {  	s20 =	smov.u32 @p3 s14  }
0x1f: {  	s17 =	simm.s32 @p2 $0x0;
	p2 =	sgt.s32 s20, $0x3  }
0x20: {  	p1 =	slt.u32 s13, $0x2;
	s20 =	smov.u32 @p2 s5;
	p2 =	sne.s32 s13, s8  }
.Ltmp1:
0x21: {  	s19 =	simm.s32 @!p1 $0x2;
	(pc) =	sbr.rel @!p2 .LBB1_6-.Ltmp1, $4  }
0x22: {  	s16 =	smov.u32 s10;
	s15 =	smov.u32 s12;
	_ =	swait.ge @!p1 [sflag:s19], $0x4000  }
0x23: {  	p0 =	por !p0, !p0;
	[sflag:s19] =	ssyncset.done @!p1 $0x0;
	s10 =	smov.u32 s17  }
0x24: {  	s18 =	smov.u32 @p3 s2;
	s14 =	smov.u32 s11;
	[sflag:s19] =	ssyncadd.s32 @!p1 $0xFFFFC000  }
0x25: {  	s11 =	smov.u32 s18;
	s13 =	sadd.s32 $0x1, s13;
	s12 =	smov.u32 s20  }
.LBB1_1:
0x26: {  	p1 =	sge.u32 s13, s7;
	s31 =	sadd.s32 $0xFFFFFFFF, s13  }
0x27: {  	s17 =	sxor.u32 @!p1 $0xFFFFFFFF, s13;
	s18 =	sshll.u32 @!p1 s12, $0x13;
	s19 =	sshll.u32 @!p1 s11, $0x9  }
0x28: {  	s20 =	sshll.u32 @!p1 s10, $0x4;
	s17 =	sshll.u32 @!p1 s17, $0xE;
	s18 =	sadd.s32 @!p1 s4, s18  }
0x29: {  	s20 =	sand.u32 @!p1 $0x1F0, s20;
	s17 =	sand.u32 @!p1 $0x4000, s17;
	s18 =	sadd.s32 @!p1 s19, s18  }
0x2a: {  	s19 =	simm.s32 @!p1 $0x80;
	s18 =	sadd.s32 @!p1 s20, s18;
	s20 =	simm.s32 @!p1 $0x1000  }
0x2b: {  	[tilespmem:s17], [sflag:$0x1] =	stream.strided.gather @!p1 [hbm4b:s18+s19], $0x4000, s20, s19, $0x38;
	[tilespmem:$0x10100] =	vst v63  }
0x2c: {  	p1 =	sge.u32 s31, s7  }
.Ltmp2:
0x2d: {  	_ = 	snop;
	(pc) =	sbr.rel @p1 .LBB1_5-.Ltmp2, $1  }
0x2e: {  	_ =	sdelay $0x3  }
0x2f: {  	s17 =	simm.s32 $0x1  }
0x30: {  	_ =	swait.ge [sflag:s6], $0x4000;
	s17 =	simm.s32 @!p0 $0x0  }
0x31: {  	[sflag:s6] =	ssyncset.done $0x0;
	s18 =	sshll.u32 s17, $0xE  }
0x32: {  	[sflag:s6] =	ssyncadd.s32 $0xFFFFC000;
	s20 =	sor.u32 $0x40, s18  }
0x33: {  	s17 =	smul.u32 $0x10200, s17;
	v0 =	vld [tilespmem:s20+$0x30]  }
0x34: {  	v3 =	vld [tilespmem:s20+$0xFFFFFFD0]  }
0x35: {  	s17 =	sshrl.u32 s17, $0x2;
	v4 =	vld [tilespmem:s20+$0xFFFFFFE0]  }
0x36: {  	v5 =	vld [tilespmem:s20+$0xFFFFFFF0];
	s18 =	sor.u32 $0x8000, s17  }
0x37: {  	s31 =	sand.u32 $0x1, s13;
	v1 =	vld [tilespmem:s20+$0x0];
	s19 =	sadd.s32 $0x0, s18  }
0x38: {  	v2 =	vld [tilespmem:s20+$0x10];
	s17 =	smul.u32 $0x10200, s31;
	[tilespmem:s19+$0x3870 ss:$0x81] =	vst.msk $0xffff, v0  }
0x39: {  	[tilespmem:s19+$0x810 ss:$0x81] =	vst.msk $0xffff, v3;
	v3 =	vld [tilespmem:s20+$0x20]  }
0x3a: {  	s17 =	sshrl.u32 s17, $0x2;
	v0 =	vld [tilespmem:s20+$0xFFFFFFC0];
	[tilespmem:s19+$0x1020 ss:$0x81] =	vst.msk $0xffff, v4;
	s20 =	sadd.s32 $0x80, s20  }
0x3b: {  	s21 =	simm.s32 $0x4;
	s22 =	simm.s32 $0x8;
	s17 =	sor.u32 $0x8000, s17;
	[tilespmem:s19+$0x1830 ss:$0x81] =	vst.msk $0xffff, v5;
	v4 =	vld [tilespmem:s20+$0x30]  }
.LBB1_3:
0x3c: {  	p1 =	sne.s32 s22, $0x1FC;
	v5 =	vld [tilespmem:s20+$0xFFFFFFD0];
	[tilespmem:s19+$0x2040 ss:$0x81] =	vst.msk $0xffff, v1  }
0x3d: {  	v6 =	vld [tilespmem:s20+$0xFFFFFFE0];
	[tilespmem:s19+$0x2850 ss:$0x81] =	vst.msk $0xffff, v2  }
0x3e: {  	s23 =	sshra.s32 s21, $0x2;
	s21 =	smov.u32 s22;
	v7 =	vld [tilespmem:s20+$0xFFFFFFF0];
	[tilespmem:s19+$0x3060 ss:$0x81] =	vst.msk $0xffff, v3  }
.Ltmp3:
0x3f: {  	v1 =	vld [tilespmem:s20+$0x0];
	[tilespmem:s19+$0x0 ss:$0x81] =	vst.msk $0xffff, v0;
	s19 =	sadd.s32 s23, s18;
	(pc) =	sbr.rel @p1 .LBB1_3-.Ltmp3, $4  }
0x40: {  	v2 =	vld [tilespmem:s20+$0x10];
	[tilespmem:s19+$0x3870 ss:$0x81] =	vst.msk $0xffff, v4  }
0x41: {  	[tilespmem:s19+$0x810 ss:$0x81] =	vst.msk $0xffff, v5;
	v3 =	vld [tilespmem:s20+$0x20]  }
0x42: {  	v0 =	vld [tilespmem:s20+$0xFFFFFFC0];
	[tilespmem:s19+$0x1020 ss:$0x81] =	vst.msk $0xffff, v6;
	s20 =	sadd.s32 $0x80, s20  }
0x43: {  	s22 =	sadd.s32 $0x4, s22;
	v4 =	vld [tilespmem:s20+$0x30];
	[tilespmem:s19+$0x1830 ss:$0x81] =	vst.msk $0xffff, v7  }
.Ltmp4:
0x44: {  	_ = 	snop;
	(pc) =	sbr.rel .LBB1_4-.Ltmp4, $1  }
0x45: {  	_ =	sdelay $0x3  }
.LBB1_6:
0x46: {  	_ =	sfence.sel $0x180000  }
0x47: {  	s2 =	simm.s32 $0x1;
	[bflag:$0x0] =	sbarrier.arrive $0xFFFF  }
0x48: {  	s31 =	simm.s32 $0x2;
	[sflag:s2] =	ssyncpa.u1 $0x1  }
0x49: {  	[sflag:s31] =	ssyncpa.u1 $0x1  }
0x4a: {  	p0 =	sne.s32 s0, $0x0;
	_ =	strace $0x9000004A  }
0x4b: {  	s0 =	sadd.s32 @!p0 $0x100000, s1;
	[bflag:$0x2] =	sbarrier.arrive $0xFFFF  }
0x4c: {  	[sflag:s0] =	ssyncadd.tile.s32 @!p0 $0x1;
	_ =	shalt  }
.Lfunc_end1:
_tile_overlayer_lowered:
.L_overlay_start_2:
0x4d: {  	(tag) =	ssettag $0x2  }
0x4e: {  	s0 =	rddreg [dreg:$0x0];
	s2 =	stileid.u32  }
0x4f: {  	s1 =	rddreg [dreg:$0x1];
	p0 =	sne.s32 s2, $0x0  }
0x50: {  	s3 =	rddreg [dreg:$0x2];
	[bflag:$0x3] =	sbarrier.arrive $0xFFFF;
	s2 =	simm.s32 @!p0 $0x1C01  }
0x51: {  	[timem:s3], [sflag:s2] =	dma.local @!p0 [hbm:s0], s1  }
0x52: {  	s0 =	simm.s32 @!p0 $0x1  }
0x53: {  	_ =	swait.ge @!p0 [sflag:s0], s1  }
0x54: {  	s1 =	ssub.s32 @!p0 $0x0, s1;
	[sflag:s0] =	ssyncset.done @!p0 $0x0  }
0x55: {  	[sflag:s0] =	ssyncadd.s32 @!p0 s1  }
0x56: {  	[bflag:$0x3] =	sbarrier.arrive $0xFFFF  }
0x57: {  	_ =	shalt  }

</sc_bundles>
